<compile_context>
chip_gen: v7x
topology: tpu7x:2x2x1
jax: 0.10.2.dev20260603
libtpu: 0.0.44.dev20260713+nightly
codegen_flags: <defaults>
</compile_context>

<pallas_src>
import functools

import jax
import jax.numpy as jnp
from jax import lax
from jax.experimental import pallas as pl
from jax.experimental.pallas import tpu as pltpu
import jax.experimental.pallas.tpu_sc as plsc

E = 64
TOPK = 8
D = 768
F = 384
T = 2048
M = T * TOPK
BM = 128
NB = M // BM
TBLK = 1024

NW = 32
JW = M // NW
TW = T // NW
L = 16


NSTEP = T // TBLK


def _routersort_body(x_ref, rwt_ref, logits_ref, wts_ref, pos_ref, bexp_ref,
                     rpre_s, exps_s, carry_s):
    i = pl.program_id(0)

    @pl.when(i == 0)
    def _init():
        carry_s[...] = jnp.zeros((8, 128), jnp.float32)

    @pl.when(i < NSTEP)
    def _router_step():
        xb = x_ref[...]
        lg = jnp.dot(xb, rwt_ref[...], preferred_element_type=jnp.float32)
        logits_ref[...] = lg
        m = jnp.max(lg, axis=1, keepdims=True)
        p = jnp.exp(lg - m)
        r = p / jnp.sum(p, axis=1, keepdims=True)
        lane = lax.broadcasted_iota(jnp.int32, (TBLK, E), 1)
        vals, idxs = [], []
        for _ in range(TOPK):
            mk = jnp.max(r, axis=1, keepdims=True)
            ik = jnp.min(jnp.where(r == mk, lane, E), axis=1, keepdims=True)
            vals.append(mk)
            idxs.append(ik)
            r = jnp.where(lane == ik, -1.0, r)
        v = jnp.concatenate(vals, axis=1)
        wts_ref[...] = v / jnp.sum(v, axis=1, keepdims=True)
        exps_s[pl.ds(i * TBLK, TBLK), :] = jnp.concatenate(idxs, axis=1)
        e_lane = lax.broadcasted_iota(jnp.int32, (TBLK, E), 1)
        onehots = [(jnp.broadcast_to(idxs[k], (TBLK, E)) == e_lane)
                   .astype(jnp.float32) for k in range(TOPK)]
        rr = onehots[0]
        for k in range(1, TOPK):
            rr = rr + onehots[k]
        rt = lax.broadcasted_iota(jnp.int32, (TBLK, TBLK), 0)
        ct = lax.broadcasted_iota(jnp.int32, (TBLK, TBLK), 1)
        tril_s = (rt > ct).astype(jnp.float32)
        csrow = jnp.dot(tril_s, rr, preferred_element_type=jnp.float32)
        carry_row = jnp.broadcast_to(carry_s[0:1, 0:E], (TBLK, E))
        g = csrow + carry_row
        rpre_cols = []
        for k in range(TOPK):
            within = jnp.zeros((TBLK, 1), jnp.float32)
            for kp in range(k):
                within = within + (idxs[kp] == idxs[k]).astype(jnp.float32)
            sel = jnp.sum(g * onehots[k], axis=1, keepdims=True)
            rpre_cols.append(sel + within)
        rpre_s[pl.ds(i * TBLK, TBLK), :] = jnp.concatenate(rpre_cols, axis=1)
        new_carry = carry_s[0:1, 0:E] + jnp.sum(rr, axis=0, keepdims=True)
        carry_s[0:1, 0:E] = new_carry

    @pl.when(i == NSTEP)
    def _finalize():
        counts = jnp.broadcast_to(carry_s[0:1, 0:E], (8, E))
        c_hi = jnp.floor(counts * (1.0 / 256.0))
        c_lo = counts - c_hi * 256.0
        ru = lax.broadcasted_iota(jnp.int32, (E, E), 0)
        cu = lax.broadcasted_iota(jnp.int32, (E, E), 1)
        u = (ru < cu).astype(jnp.float32)
        offs = (jnp.dot(c_hi, u, preferred_element_type=jnp.float32) * 256.0
                + jnp.dot(c_lo, u, preferred_element_type=jnp.float32))
        carry_s[1:2, 0:E] = lax.slice(offs, (0, 0), (1, E))
        offs_b = jnp.broadcast_to(lax.slice(offs, (0, 0), (1, E)), (NB, E))
        q = (BM * lax.broadcasted_iota(jnp.int32, (NB, E), 0)).astype(jnp.float32)
        cmp = (offs_b <= q).astype(jnp.float32)
        be = jnp.sum(cmp, axis=1, keepdims=True) - 1.0
        bexp_ref[...] = jnp.broadcast_to(be, (NB, BM)).astype(jnp.int32)

    @pl.when(i > NSTEP)
    def _apply_all():
        exps = exps_s[...]
        offs_row = jnp.broadcast_to(carry_s[1:2, 0:E], (T, E))
        e_lane = lax.broadcasted_iota(jnp.int32, (T, E), 1)
        cols = []
        for k in range(TOPK):
            ek = lax.slice(exps, (0, k), (T, k + 1))
            oh = (jnp.broadcast_to(ek, (T, E)) == e_lane).astype(jnp.float32)
            cols.append(jnp.sum(offs_row * oh, axis=1, keepdims=True))
        offs_sel = jnp.concatenate(cols, axis=1)
        pos = rpre_s[...] + offs_sel
        pos = jnp.clip(pos, 0.0, float(M - 1))
        pos_ref[...] = pos.astype(jnp.int32)


def _routersort_call(x_flat, rwt, interpret=False):
    def _iblk(i):
        return (jnp.minimum(i, NSTEP - 1), 0)
    return pl.pallas_call(
        _routersort_body,
        grid=(NSTEP + 2,),
        in_specs=[
            pl.BlockSpec((TBLK, D), _iblk),
            pl.BlockSpec((D, E), lambda i: (0, 0)),
        ],
        out_specs=[
            pl.BlockSpec((TBLK, E), _iblk),
            pl.BlockSpec((TBLK, TOPK), _iblk),
            pl.BlockSpec((T, TOPK), lambda i: (0, 0)),
            pl.BlockSpec((NB, BM), lambda i: (0, 0)),
        ],
        out_shape=[
            jax.ShapeDtypeStruct((T, E), jnp.float32),
            jax.ShapeDtypeStruct((T, TOPK), jnp.float32),
            jax.ShapeDtypeStruct((T, TOPK), jnp.int32),
            jax.ShapeDtypeStruct((NB, BM), jnp.int32),
        ],
        scratch_shapes=[
            pltpu.VMEM((T, TOPK), jnp.float32),
            pltpu.VMEM((T, TOPK), jnp.int32),
            pltpu.VMEM((8, 128), jnp.float32),
        ],
        interpret=interpret,
    )(x_flat, rwt)


SLC = M // 16


def _sc_scatter_body(x_hbm, pos8_hbm, w8_hbm, xg_hbm, wsp_hbm,
                     rowbuf, idxk, wk, zv, shared, sem):
    sid = lax.axis_index("s")
    core = lax.axis_index("c")
    w = sid * 2 + core
    tbase = w * TW
    pltpu.sync_copy(x_hbm.at[pl.ds(tbase, TW), :], rowbuf)
    for k in range(TOPK):
        pltpu.sync_copy(pos8_hbm.at[k, pl.ds(tbase, TW)], idxk.at[k])
        pltpu.sync_copy(w8_hbm.at[k, pl.ds(tbase, TW)], wk.at[k])
    copies = []
    for k in range(TOPK):
        copies.append(pltpu.async_copy(rowbuf, xg_hbm.at[idxk.at[k]], sem))
    for t in range(SLC // L):
        zv[pl.ds(t * L, L)] = jnp.zeros((L,), jnp.float32)
    pltpu.sync_copy(zv, shared.at[pl.ds(sid * SLC, SLC)])
    plsc.subcore_barrier()
    for k in range(TOPK):
        pltpu.sync_copy(wk.at[k], shared.at[idxk.at[k]])
    plsc.subcore_barrier()
    pltpu.sync_copy(shared.at[pl.ds(sid * SLC, SLC)],
                    wsp_hbm.at[core, pl.ds(sid * SLC, SLC)])
    for c in copies:
        c.wait()


def _sc_call(x_flat, pos8, w8):
    mesh = plsc.VectorSubcoreMesh(core_axis_name="c", subcore_axis_name="s")
    f = functools.partial(
        pl.kernel,
        out_type=(
            jax.ShapeDtypeStruct((M, D), jnp.float32),
            jax.ShapeDtypeStruct((2, M), jnp.float32),
        ),
        mesh=mesh,
        scratch_types=[
            pltpu.VMEM((TW, D), jnp.float32),
            pltpu.VMEM((TOPK, TW), jnp.int32),
            pltpu.VMEM((TOPK, TW), jnp.float32),
            pltpu.VMEM((SLC,), jnp.float32),
            pltpu.VMEM_SHARED((M,), jnp.float32),
            pltpu.SemaphoreType.DMA,
        ],
    )(_sc_scatter_body)
    return f(x_flat, pos8, w8)


def _mm_body(bexp_ref, xg_ref, w1_ref, wsa_ref, wsb_ref, out_ref):
    acc = jnp.dot(xg_ref[...], w1_ref[...], preferred_element_type=jnp.float32)
    g = 0.5 * acc * (1.0 + lax.erf(acc * 0.7071067811865476))
    out_ref[...] = g * (wsa_ref[...] + wsb_ref[...])


def _mm_call(bexp, xg, w1, wsa, wsb, interpret=False):
    grid_spec = pltpu.PrefetchScalarGridSpec(
        num_scalar_prefetch=1,
        grid=(NB,),
        in_specs=[
            pl.BlockSpec((BM, D), lambda d, be: (d, 0)),
            pl.BlockSpec((D, F), lambda d, be: (0, be[d])),
            pl.BlockSpec((BM, 1), lambda d, be: (d, 0)),
            pl.BlockSpec((BM, 1), lambda d, be: (d, 0)),
        ],
        out_specs=pl.BlockSpec((BM, F), lambda d, be: (d, 0)),
    )
    return pl.pallas_call(
        _mm_body,
        grid_spec=grid_spec,
        out_shape=jax.ShapeDtypeStruct((M, F), jnp.float32),
        interpret=interpret,
    )(bexp, xg, w1, wsa, wsb)


def kernel(x, router_w, w1):
    B, S, Dm = x.shape
    x_flat = x.reshape(B * S, Dm)
    logits, wts, pos, bexp2d = _routersort_call(x_flat, router_w.T)
    xg, wsp = _sc_call(x_flat, pos.T, wts.T)
    out = _mm_call(bexp2d[:, 0], xg, w1,
                   wsp[0].reshape(M, 1), wsp[1].reshape(M, 1))
    return out, logits

# --- scband reference (transcript-rebuilt; emitter-appended) ---
"""Pipeline reference for scband-moe-mlp-58703613002486 (READ-ONLY COPY).

The authoritative reference and input builder live on the scoring server;
editing this copy changes nothing except your own understanding.
"""

import jax, jax.numpy as jnp
import numpy as np

E = 64
TOP_K = 8
N_EMBD = 768
# d_ffn = 4*768//8 = 384, already a multiple of BLOCK_N=128
D_FFN = 384
BLOCK_M = 128


def setup_inputs(seed: int = 0) -> dict:
    key = jax.random.key(seed)
    k1, k2, k3 = jax.random.split(key, 3)
    x = jax.random.normal(k1, (1, 2048, N_EMBD), dtype=jnp.float32)
    # router: nn.Linear(n_embd, num_experts, bias=False) -> weight [E, n_embd]
    router_w = jax.random.normal(k2, (E, N_EMBD), dtype=jnp.float32) * 0.02
    # w1: [n_embd, d_ffn * num_experts], trunc_normal(std=0.02, a=-0.06, b=0.06)
    w1 = jnp.clip(jax.random.normal(k3, (N_EMBD, D_FFN * E), dtype=jnp.float32) * 0.02, -0.06, 0.06)
    return {"x": x, "router_w": router_w, "w1": w1}


def reference(x, router_w, w1):
    B, S, D = x.shape
    x_flat = x.reshape(B * S, D)
    # router logits
    router_logits = x_flat @ router_w.T
    rw = jax.nn.softmax(router_logits.astype(jnp.float32), axis=1)
    router_weights, selected_experts = jax.lax.top_k(rw, TOP_K)
    # norm_topk_prob = True
    router_weights = router_weights / jnp.sum(router_weights, axis=-1, keepdims=True)
    router_weights = router_weights.astype(x.dtype)
    # replicate tokens top_k times and sort by expert (stable, like torch argsort stable=True)
    x_rep = jnp.repeat(x_flat, TOP_K, axis=0)
    sel_rep = selected_experts.reshape(-1)
    rw_rep = router_weights.reshape(-1, 1)
    expert_sort_indices = jnp.argsort(sel_rep)  # jnp.argsort is stable by default
    x_grouped = jnp.take(x_rep, expert_sort_indices, axis=0)
    selected_experts_sorted = jnp.take(sel_rep, expert_sort_indices, axis=0)
    router_weights_sorted = jnp.take(rw_rep, expert_sort_indices, axis=0)
    M = x_grouped.shape[0]  # = B*S*TOP_K, divisible by BLOCK_M here (16384)
    # sdd_kernel semantics: each BLOCK_M row-block uses the expert of its first row
    col_indices_ptr = selected_experts_sorted[::BLOCK_M]  # [M//BLOCK_M]
    w1_r = w1.reshape(D, E, D_FFN)
    # gather each block's expert weight slice: [nblocks, K, N]
    W_blocks = jnp.transpose(jnp.take(w1_r, col_indices_ptr, axis=1), (1, 0, 2))
    x_blocks = x_grouped.reshape(M // BLOCK_M, BLOCK_M, D)
    block_sparse = jnp.einsum('bmk,bkn->bmn', x_blocks, W_blocks).reshape(M, D_FFN)
    block_sparse = jax.nn.gelu(block_sparse, approximate=False)  # F.gelu default = exact erf
    block_sparse = block_sparse * router_weights_sorted
    return block_sparse, router_logits

if __name__ == "__main__":
    import jax
    _d = setup_inputs()
    print(jax.jit(kernel)(*tuple(_d.values())))

</pallas_src>

<mosaic_0001>
#map = affine_map<(d0, d1) -> (0, 0)>
module attributes {stable_mosaic.version = 14 : i64} {
  func.func @_sc_scatter_body(%arg0: i32, %arg1: i32, %arg2: memref<2048x768xf32, #tpu.memory_space<hbm>>, %arg3: memref<8x2048xi32, #tpu.memory_space<hbm>>, %arg4: memref<8x2048xf32, #tpu.memory_space<hbm>>, %arg5: memref<16384x768xf32, #tpu.memory_space<hbm>>, %arg6: memref<2x16384xf32, #tpu.memory_space<hbm>>, %arg7: memref<64x768xf32, #tpu.memory_space<vmem>>, %arg8: memref<8x64xi32, #tpu.memory_space<vmem>>, %arg9: memref<8x64xf32, #tpu.memory_space<vmem>>, %arg10: memref<1024xf32, #tpu.memory_space<vmem>>, %arg11: memref<16384xf32, #tpu.memory_space<vmem_shared>>, %arg12: memref<!tpu.dma_semaphore, #tpu.memory_space<semaphore_mem>>) attributes {dimension_semantics = [#tpu.dimension_semantics<core_parallel>, #tpu.dimension_semantics<subcore_parallel>], iteration_bounds = array<i64: 2, 16>, scalar_prefetch = 0 : i64, scratch_operands = 6 : i64, tpu.core_type = #tpu.core_type<sc_vector_subcore>, window_params = [{transform_indices = #map}, {transform_indices = #map}, {transform_indices = #map}, {transform_indices = #map}, {transform_indices = #map}]} {
    %mul3A = arith.constant 2 : i32
    %mul3A_0 = arith.muli %arg1, %mul3A : i32
    %add3A = arith.addi %mul3A_0, %arg0 : i32
    %mul3A_1 = arith.constant 64 : i32
    %mul3A_2 = arith.muli %add3A, %mul3A_1 : i32
    "tpu.region"() ({
      %run_scoped3A_549 = tpu.sem_alloc : memref<!tpu.dma_semaphore, #tpu.memory_space<semaphore_mem>>
      %dma_start3A_550 = arith.constant 0 : i32
      %dma_start3A_551 = tpu.memref_slice %arg2[%mul3A_2, %dma_start3A_550] : memref<2048x768xf32, #tpu.memory_space<hbm>> -> memref<64x768xf32, #tpu.memory_space<hbm>>
      %dma_start3A_552 = arith.constant 0 : i32
      %dma_start3A_553 = tpu.memref_slice %arg2[%mul3A_2, %dma_start3A_552] : memref<2048x768xf32, #tpu.memory_space<hbm>> -> memref<64x768xf32, #tpu.memory_space<hbm>>
      tpu.enqueue_dma source(%dma_start3A_553 : memref<64x768xf32, #tpu.memory_space<hbm>>) target(%arg7 : memref<64x768xf32, #tpu.memory_space<vmem>>) target_semaphore(%run_scoped3A_549 : memref<!tpu.dma_semaphore, #tpu.memory_space<semaphore_mem>>)
      %dma_wait3A_554 = arith.constant 0 : i32
      %dma_wait3A_555 = tpu.memref_slice %arg2[%mul3A_2, %dma_wait3A_554] : memref<2048x768xf32, #tpu.memory_space<hbm>> -> memref<64x768xf32, #tpu.memory_space<hbm>>
      %dma_wait3A_556 = arith.constant 0 : i32
      %dma_wait3A_557 = tpu.memref_slice %arg2[%mul3A_2, %dma_wait3A_556] : memref<2048x768xf32, #tpu.memory_space<hbm>> -> memref<64x768xf32, #tpu.memory_space<hbm>>
      tpu.wait_dma2 semaphore(%run_scoped3A_549 : memref<!tpu.dma_semaphore, #tpu.memory_space<semaphore_mem>>) src(%dma_wait3A_557 : memref<64x768xf32, #tpu.memory_space<hbm>>) dst(%arg7 : memref<64x768xf32, #tpu.memory_space<vmem>>)
      tpu.yield
    }) : () -> ()
    %run_scoped3A = arith.constant 0 : i32
    %run_scoped3A_3 = arith.constant 0 : i32
    "tpu.region"() ({
      %run_scoped3A_549 = tpu.sem_alloc : memref<!tpu.dma_semaphore, #tpu.memory_space<semaphore_mem>>
      %dma_start3A_550 = arith.constant 0 : i32
      %dma_start3A_551 = tpu.memref_slice %arg8[%run_scoped3A_3, %dma_start3A_550] : memref<8x64xi32, #tpu.memory_space<vmem>> -> memref<1x64xi32, #tpu.memory_space<vmem>>
      %dma_start3A_552 = tpu.memref_squeeze %dma_start3A_551 : memref<1x64xi32, #tpu.memory_space<vmem>> -> memref<64xi32, #tpu.memory_space<vmem>>
      %dma_start3A_553 = tpu.memref_slice %arg3[%run_scoped3A, %mul3A_2] : memref<8x2048xi32, #tpu.memory_space<hbm>> -> memref<1x64xi32, #tpu.memory_space<hbm>>
      %dma_start3A_554 = tpu.memref_squeeze %dma_start3A_553 : memref<1x64xi32, #tpu.memory_space<hbm>> -> memref<64xi32, #tpu.memory_space<hbm>>
      %dma_start3A_555 = arith.constant 0 : i32
      %dma_start3A_556 = tpu.memref_slice %arg8[%run_scoped3A_3, %dma_start3A_555] : memref<8x64xi32, #tpu.memory_space<vmem>> -> memref<1x64xi32, #tpu.memory_space<vmem>>
      %dma_start3A_557 = tpu.memref_squeeze %dma_start3A_556 : memref<1x64xi32, #tpu.memory_space<vmem>> -> memref<64xi32, #tpu.memory_space<vmem>>
      %dma_start3A_558 = tpu.memref_slice %arg3[%run_scoped3A, %mul3A_2] : memref<8x2048xi32, #tpu.memory_space<hbm>> -> memref<1x64xi32, #tpu.memory_space<hbm>>
      %dma_start3A_559 = tpu.memref_squeeze %dma_start3A_558 : memref<1x64xi32, #tpu.memory_space<hbm>> -> memref<64xi32, #tpu.memory_space<hbm>>
      tpu.enqueue_dma source(%dma_start3A_559 : memref<64xi32, #tpu.memory_space<hbm>>) target(%dma_start3A_557 : memref<64xi32, #tpu.memory_space<vmem>>) target_semaphore(%run_scoped3A_549 : memref<!tpu.dma_semaphore, #tpu.memory_space<semaphore_mem>>)
      %dma_wait3A_560 = arith.constant 0 : i32
      %dma_wait3A_561 = tpu.memref_slice %arg8[%run_scoped3A_3, %dma_wait3A_560] : memref<8x64xi32, #tpu.memory_space<vmem>> -> memref<1x64xi32, #tpu.memory_space<vmem>>
      %dma_wait3A_562 = tpu.memref_squeeze %dma_wait3A_561 : memref<1x64xi32, #tpu.memory_space<vmem>> -> memref<64xi32, #tpu.memory_space<vmem>>
      %dma_wait3A_563 = tpu.memref_slice %arg3[%run_scoped3A, %mul3A_2] : memref<8x2048xi32, #tpu.memory_space<hbm>> -> memref<1x64xi32, #tpu.memory_space<hbm>>
      %dma_wait3A_564 = tpu.memref_squeeze %dma_wait3A_563 : memref<1x64xi32, #tpu.memory_space<hbm>> -> memref<64xi32, #tpu.memory_space<hbm>>
      %dma_wait3A_565 = arith.constant 0 : i32
      %dma_wait3A_566 = tpu.memref_slice %arg8[%run_scoped3A_3, %dma_wait3A_565] : memref<8x64xi32, #tpu.memory_space<vmem>> -> memref<1x64xi32, #tpu.memory_space<vmem>>
      %dma_wait3A_567 = tpu.memref_squeeze %dma_wait3A_566 : memref<1x64xi32, #tpu.memory_space<vmem>> -> memref<64xi32, #tpu.memory_space<vmem>>
      %dma_wait3A_568 = tpu.memref_slice %arg3[%run_scoped3A, %mul3A_2] : memref<8x2048xi32, #tpu.memory_space<hbm>> -> memref<1x64xi32, #tpu.memory_space<hbm>>
      %dma_wait3A_569 = tpu.memref_squeeze %dma_wait3A_568 : memref<1x64xi32, #tpu.memory_space<hbm>> -> memref<64xi32, #tpu.memory_space<hbm>>
      tpu.wait_dma2 semaphore(%run_scoped3A_549 : memref<!tpu.dma_semaphore, #tpu.memory_space<semaphore_mem>>) src(%dma_wait3A_569 : memref<64xi32, #tpu.memory_space<hbm>>) dst(%dma_wait3A_567 : memref<64xi32, #tpu.memory_space<vmem>>)
      tpu.yield
    }) : () -> ()
    %run_scoped3A_4 = arith.constant 0 : i32
    %run_scoped3A_5 = arith.constant 0 : i32
    "tpu.region"() ({
      %run_scoped3A_549 = tpu.sem_alloc : memref<!tpu.dma_semaphore, #tpu.memory_space<semaphore_mem>>
      %dma_start3A_550 = arith.constant 0 : i32
      %dma_start3A_551 = tpu.memref_slice %arg9[%run_scoped3A_5, %dma_start3A_550] : memref<8x64xf32, #tpu.memory_space<vmem>> -> memref<1x64xf32, #tpu.memory_space<vmem>>
      %dma_start3A_552 = tpu.memref_squeeze %dma_start3A_551 : memref<1x64xf32, #tpu.memory_space<vmem>> -> memref<64xf32, #tpu.memory_space<vmem>>
      %dma_start3A_553 = tpu.memref_slice %arg4[%run_scoped3A_4, %mul3A_2] : memref<8x2048xf32, #tpu.memory_space<hbm>> -> memref<1x64xf32, #tpu.memory_space<hbm>>
      %dma_start3A_554 = tpu.memref_squeeze %dma_start3A_553 : memref<1x64xf32, #tpu.memory_space<hbm>> -> memref<64xf32, #tpu.memory_space<hbm>>
      %dma_start3A_555 = arith.constant 0 : i32
      %dma_start3A_556 = tpu.memref_slice %arg9[%run_scoped3A_5, %dma_start3A_555] : memref<8x64xf32, #tpu.memory_space<vmem>> -> memref<1x64xf32, #tpu.memory_space<vmem>>
      %dma_start3A_557 = tpu.memref_squeeze %dma_start3A_556 : memref<1x64xf32, #tpu.memory_space<vmem>> -> memref<64xf32, #tpu.memory_space<vmem>>
      %dma_start3A_558 = tpu.memref_slice %arg4[%run_scoped3A_4, %mul3A_2] : memref<8x2048xf32, #tpu.memory_space<hbm>> -> memref<1x64xf32, #tpu.memory_space<hbm>>
      %dma_start3A_559 = tpu.memref_squeeze %dma_start3A_558 : memref<1x64xf32, #tpu.memory_space<hbm>> -> memref<64xf32, #tpu.memory_space<hbm>>
      tpu.enqueue_dma source(%dma_start3A_559 : memref<64xf32, #tpu.memory_space<hbm>>) target(%dma_start3A_557 : memref<64xf32, #tpu.memory_space<vmem>>) target_semaphore(%run_scoped3A_549 : memref<!tpu.dma_semaphore, #tpu.memory_space<semaphore_mem>>)
      %dma_wait3A_560 = arith.constant 0 : i32
      %dma_wait3A_561 = tpu.memref_slice %arg9[%run_scoped3A_5, %dma_wait3A_560] : memref<8x64xf32, #tpu.memory_space<vmem>> -> memref<1x64xf32, #tpu.memory_space<vmem>>
      %dma_wait3A_562 = tpu.memref_squeeze %dma_wait3A_561 : memref<1x64xf32, #tpu.memory_space<vmem>> -> memref<64xf32, #tpu.memory_space<vmem>>
      %dma_wait3A_563 = tpu.memref_slice %arg4[%run_scoped3A_4, %mul3A_2] : memref<8x2048xf32, #tpu.memory_space<hbm>> -> memref<1x64xf32, #tpu.memory_space<hbm>>
      %dma_wait3A_564 = tpu.memref_squeeze %dma_wait3A_563 : memref<1x64xf32, #tpu.memory_space<hbm>> -> memref<64xf32, #tpu.memory_space<hbm>>
      %dma_wait3A_565 = arith.constant 0 : i32
      %dma_wait3A_566 = tpu.memref_slice %arg9[%run_scoped3A_5, %dma_wait3A_565] : memref<8x64xf32, #tpu.memory_space<vmem>> -> memref<1x64xf32, #tpu.memory_space<vmem>>
      %dma_wait3A_567 = tpu.memref_squeeze %dma_wait3A_566 : memref<1x64xf32, #tpu.memory_space<vmem>> -> memref<64xf32, #tpu.memory_space<vmem>>
      %dma_wait3A_568 = tpu.memref_slice %arg4[%run_scoped3A_4, %mul3A_2] : memref<8x2048xf32, #tpu.memory_space<hbm>> -> memref<1x64xf32, #tpu.memory_space<hbm>>
      %dma_wait3A_569 = tpu.memref_squeeze %dma_wait3A_568 : memref<1x64xf32, #tpu.memory_space<hbm>> -> memref<64xf32, #tpu.memory_space<hbm>>
      tpu.wait_dma2 semaphore(%run_scoped3A_549 : memref<!tpu.dma_semaphore, #tpu.memory_space<semaphore_mem>>) src(%dma_wait3A_569 : memref<64xf32, #tpu.memory_space<hbm>>) dst(%dma_wait3A_567 : memref<64xf32, #tpu.memory_space<vmem>>)
      tpu.yield
    }) : () -> ()
    %run_scoped3A_6 = arith.constant 1 : i32
    %run_scoped3A_7 = arith.constant 1 : i32
    "tpu.region"() ({
      %run_scoped3A_549 = tpu.sem_alloc : memref<!tpu.dma_semaphore, #tpu.memory_space<semaphore_mem>>
      %dma_start3A_550 = arith.constant 0 : i32
      %dma_start3A_551 = tpu.memref_slice %arg8[%run_scoped3A_7, %dma_start3A_550] : memref<8x64xi32, #tpu.memory_space<vmem>> -> memref<1x64xi32, #tpu.memory_space<vmem>>
      %dma_start3A_552 = tpu.memref_squeeze %dma_start3A_551 : memref<1x64xi32, #tpu.memory_space<vmem>> -> memref<64xi32, #tpu.memory_space<vmem>>
      %dma_start3A_553 = tpu.memref_slice %arg3[%run_scoped3A_6, %mul3A_2] : memref<8x2048xi32, #tpu.memory_space<hbm>> -> memref<1x64xi32, #tpu.memory_space<hbm>>
      %dma_start3A_554 = tpu.memref_squeeze %dma_start3A_553 : memref<1x64xi32, #tpu.memory_space<hbm>> -> memref<64xi32, #tpu.memory_space<hbm>>
      %dma_start3A_555 = arith.constant 0 : i32
      %dma_start3A_556 = tpu.memref_slice %arg8[%run_scoped3A_7, %dma_start3A_555] : memref<8x64xi32, #tpu.memory_space<vmem>> -> memref<1x64xi32, #tpu.memory_space<vmem>>
      %dma_start3A_557 = tpu.memref_squeeze %dma_start3A_556 : memref<1x64xi32, #tpu.memory_space<vmem>> -> memref<64xi32, #tpu.memory_space<vmem>>
      %dma_start3A_558 = tpu.memref_slice %arg3[%run_scoped3A_6, %mul3A_2] : memref<8x2048xi32, #tpu.memory_space<hbm>> -> memref<1x64xi32, #tpu.memory_space<hbm>>
      %dma_start3A_559 = tpu.memref_squeeze %dma_start3A_558 : memref<1x64xi32, #tpu.memory_space<hbm>> -> memref<64xi32, #tpu.memory_space<hbm>>
      tpu.enqueue_dma source(%dma_start3A_559 : memref<64xi32, #tpu.memory_space<hbm>>) target(%dma_start3A_557 : memref<64xi32, #tpu.memory_space<vmem>>) target_semaphore(%run_scoped3A_549 : memref<!tpu.dma_semaphore, #tpu.memory_space<semaphore_mem>>)
      %dma_wait3A_560 = arith.constant 0 : i32
      %dma_wait3A_561 = tpu.memref_slice %arg8[%run_scoped3A_7, %dma_wait3A_560] : memref<8x64xi32, #tpu.memory_space<vmem>> -> memref<1x64xi32, #tpu.memory_space<vmem>>
      %dma_wait3A_562 = tpu.memref_squeeze %dma_wait3A_561 : memref<1x64xi32, #tpu.memory_space<vmem>> -> memref<64xi32, #tpu.memory_space<vmem>>
      %dma_wait3A_563 = tpu.memref_slice %arg3[%run_scoped3A_6, %mul3A_2] : memref<8x2048xi32, #tpu.memory_space<hbm>> -> memref<1x64xi32, #tpu.memory_space<hbm>>
      %dma_wait3A_564 = tpu.memref_squeeze %dma_wait3A_563 : memref<1x64xi32, #tpu.memory_space<hbm>> -> memref<64xi32, #tpu.memory_space<hbm>>
      %dma_wait3A_565 = arith.constant 0 : i32
      %dma_wait3A_566 = tpu.memref_slice %arg8[%run_scoped3A_7, %dma_wait3A_565] : memref<8x64xi32, #tpu.memory_space<vmem>> -> memref<1x64xi32, #tpu.memory_space<vmem>>
      %dma_wait3A_567 = tpu.memref_squeeze %dma_wait3A_566 : memref<1x64xi32, #tpu.memory_space<vmem>> -> memref<64xi32, #tpu.memory_space<vmem>>
      %dma_wait3A_568 = tpu.memref_slice %arg3[%run_scoped3A_6, %mul3A_2] : memref<8x2048xi32, #tpu.memory_space<hbm>> -> memref<1x64xi32, #tpu.memory_space<hbm>>
      %dma_wait3A_569 = tpu.memref_squeeze %dma_wait3A_568 : memref<1x64xi32, #tpu.memory_space<hbm>> -> memref<64xi32, #tpu.memory_space<hbm>>
      tpu.wait_dma2 semaphore(%run_scoped3A_549 : memref<!tpu.dma_semaphore, #tpu.memory_space<semaphore_mem>>) src(%dma_wait3A_569 : memref<64xi32, #tpu.memory_space<hbm>>) dst(%dma_wait3A_567 : memref<64xi32, #tpu.memory_space<vmem>>)
      tpu.yield
    }) : () -> ()
    %run_scoped3A_8 = arith.constant 1 : i32
    %run_scoped3A_9 = arith.constant 1 : i32
    "tpu.region"() ({
      %run_scoped3A_549 = tpu.sem_alloc : memref<!tpu.dma_semaphore, #tpu.memory_space<semaphore_mem>>
      %dma_start3A_550 = arith.constant 0 : i32
      %dma_start3A_551 = tpu.memref_slice %arg9[%run_scoped3A_9, %dma_start3A_550] : memref<8x64xf32, #tpu.memory_space<vmem>> -> memref<1x64xf32, #tpu.memory_space<vmem>>
      %dma_start3A_552 = tpu.memref_squeeze %dma_start3A_551 : memref<1x64xf32, #tpu.memory_space<vmem>> -> memref<64xf32, #tpu.memory_space<vmem>>
      %dma_start3A_553 = tpu.memref_slice %arg4[%run_scoped3A_8, %mul3A_2] : memref<8x2048xf32, #tpu.memory_space<hbm>> -> memref<1x64xf32, #tpu.memory_space<hbm>>
      %dma_start3A_554 = tpu.memref_squeeze %dma_start3A_553 : memref<1x64xf32, #tpu.memory_space<hbm>> -> memref<64xf32, #tpu.memory_space<hbm>>
      %dma_start3A_555 = arith.constant 0 : i32
      %dma_start3A_556 = tpu.memref_slice %arg9[%run_scoped3A_9, %dma_start3A_555] : memref<8x64xf32, #tpu.memory_space<vmem>> -> memref<1x64xf32, #tpu.memory_space<vmem>>
      %dma_start3A_557 = tpu.memref_squeeze %dma_start3A_556 : memref<1x64xf32, #tpu.memory_space<vmem>> -> memref<64xf32, #tpu.memory_space<vmem>>
      %dma_start3A_558 = tpu.memref_slice %arg4[%run_scoped3A_8, %mul3A_2] : memref<8x2048xf32, #tpu.memory_space<hbm>> -> memref<1x64xf32, #tpu.memory_space<hbm>>
      %dma_start3A_559 = tpu.memref_squeeze %dma_start3A_558 : memref<1x64xf32, #tpu.memory_space<hbm>> -> memref<64xf32, #tpu.memory_space<hbm>>
      tpu.enqueue_dma source(%dma_start3A_559 : memref<64xf32, #tpu.memory_space<hbm>>) target(%dma_start3A_557 : memref<64xf32, #tpu.memory_space<vmem>>) target_semaphore(%run_scoped3A_549 : memref<!tpu.dma_semaphore, #tpu.memory_space<semaphore_mem>>)
      %dma_wait3A_560 = arith.constant 0 : i32
      %dma_wait3A_561 = tpu.memref_slice %arg9[%run_scoped3A_9, %dma_wait3A_560] : memref<8x64xf32, #tpu.memory_space<vmem>> -> memref<1x64xf32, #tpu.memory_space<vmem>>
      %dma_wait3A_562 = tpu.memref_squeeze %dma_wait3A_561 : memref<1x64xf32, #tpu.memory_space<vmem>> -> memref<64xf32, #tpu.memory_space<vmem>>
      %dma_wait3A_563 = tpu.memref_slice %arg4[%run_scoped3A_8, %mul3A_2] : memref<8x2048xf32, #tpu.memory_space<hbm>> -> memref<1x64xf32, #tpu.memory_space<hbm>>
      %dma_wait3A_564 = tpu.memref_squeeze %dma_wait3A_563 : memref<1x64xf32, #tpu.memory_space<hbm>> -> memref<64xf32, #tpu.memory_space<hbm>>
      %dma_wait3A_565 = arith.constant 0 : i32
      %dma_wait3A_566 = tpu.memref_slice %arg9[%run_scoped3A_9, %dma_wait3A_565] : memref<8x64xf32, #tpu.memory_space<vmem>> -> memref<1x64xf32, #tpu.memory_space<vmem>>
      %dma_wait3A_567 = tpu.memref_squeeze %dma_wait3A_566 : memref<1x64xf32, #tpu.memory_space<vmem>> -> memref<64xf32, #tpu.memory_space<vmem>>
      %dma_wait3A_568 = tpu.memref_slice %arg4[%run_scoped3A_8, %mul3A_2] : memref<8x2048xf32, #tpu.memory_space<hbm>> -> memref<1x64xf32, #tpu.memory_space<hbm>>
      %dma_wait3A_569 = tpu.memref_squeeze %dma_wait3A_568 : memref<1x64xf32, #tpu.memory_space<hbm>> -> memref<64xf32, #tpu.memory_space<hbm>>
      tpu.wait_dma2 semaphore(%run_scoped3A_549 : memref<!tpu.dma_semaphore, #tpu.memory_space<semaphore_mem>>) src(%dma_wait3A_569 : memref<64xf32, #tpu.memory_space<hbm>>) dst(%dma_wait3A_567 : memref<64xf32, #tpu.memory_space<vmem>>)
      tpu.yield
    }) : () -> ()
    %run_scoped3A_10 = arith.constant 2 : i32
    %run_scoped3A_11 = arith.constant 2 : i32
    "tpu.region"() ({
      %run_scoped3A_549 = tpu.sem_alloc : memref<!tpu.dma_semaphore, #tpu.memory_space<semaphore_mem>>
      %dma_start3A_550 = arith.constant 0 : i32
      %dma_start3A_551 = tpu.memref_slice %arg8[%run_scoped3A_11, %dma_start3A_550] : memref<8x64xi32, #tpu.memory_space<vmem>> -> memref<1x64xi32, #tpu.memory_space<vmem>>
      %dma_start3A_552 = tpu.memref_squeeze %dma_start3A_551 : memref<1x64xi32, #tpu.memory_space<vmem>> -> memref<64xi32, #tpu.memory_space<vmem>>
      %dma_start3A_553 = tpu.memref_slice %arg3[%run_scoped3A_10, %mul3A_2] : memref<8x2048xi32, #tpu.memory_space<hbm>> -> memref<1x64xi32, #tpu.memory_space<hbm>>
      %dma_start3A_554 = tpu.memref_squeeze %dma_start3A_553 : memref<1x64xi32, #tpu.memory_space<hbm>> -> memref<64xi32, #tpu.memory_space<hbm>>
      %dma_start3A_555 = arith.constant 0 : i32
      %dma_start3A_556 = tpu.memref_slice %arg8[%run_scoped3A_11, %dma_start3A_555] : memref<8x64xi32, #tpu.memory_space<vmem>> -> memref<1x64xi32, #tpu.memory_space<vmem>>
      %dma_start3A_557 = tpu.memref_squeeze %dma_start3A_556 : memref<1x64xi32, #tpu.memory_space<vmem>> -> memref<64xi32, #tpu.memory_space<vmem>>
      %dma_start3A_558 = tpu.memref_slice %arg3[%run_scoped3A_10, %mul3A_2] : memref<8x2048xi32, #tpu.memory_space<hbm>> -> memref<1x64xi32, #tpu.memory_space<hbm>>
      %dma_start3A_559 = tpu.memref_squeeze %dma_start3A_558 : memref<1x64xi32, #tpu.memory_space<hbm>> -> memref<64xi32, #tpu.memory_space<hbm>>
      tpu.enqueue_dma source(%dma_start3A_559 : memref<64xi32, #tpu.memory_space<hbm>>) target(%dma_start3A_557 : memref<64xi32, #tpu.memory_space<vmem>>) target_semaphore(%run_scoped3A_549 : memref<!tpu.dma_semaphore, #tpu.memory_space<semaphore_mem>>)
      %dma_wait3A_560 = arith.constant 0 : i32
      %dma_wait3A_561 = tpu.memref_slice %arg8[%run_scoped3A_11, %dma_wait3A_560] : memref<8x64xi32, #tpu.memory_space<vmem>> -> memref<1x64xi32, #tpu.memory_space<vmem>>
      %dma_wait3A_562 = tpu.memref_squeeze %dma_wait3A_561 : memref<1x64xi32, #tpu.memory_space<vmem>> -> memref<64xi32, #tpu.memory_space<vmem>>
      %dma_wait3A_563 = tpu.memref_slice %arg3[%run_scoped3A_10, %mul3A_2] : memref<8x2048xi32, #tpu.memory_space<hbm>> -> memref<1x64xi32, #tpu.memory_space<hbm>>
      %dma_wait3A_564 = tpu.memref_squeeze %dma_wait3A_563 : memref<1x64xi32, #tpu.memory_space<hbm>> -> memref<64xi32, #tpu.memory_space<hbm>>
      %dma_wait3A_565 = arith.constant 0 : i32
      %dma_wait3A_566 = tpu.memref_slice %arg8[%run_scoped3A_11, %dma_wait3A_565] : memref<8x64xi32, #tpu.memory_space<vmem>> -> memref<1x64xi32, #tpu.memory_space<vmem>>
      %dma_wait3A_567 = tpu.memref_squeeze %dma_wait3A_566 : memref<1x64xi32, #tpu.memory_space<vmem>> -> memref<64xi32, #tpu.memory_space<vmem>>
      %dma_wait3A_568 = tpu.memref_slice %arg3[%run_scoped3A_10, %mul3A_2] : memref<8x2048xi32, #tpu.memory_space<hbm>> -> memref<1x64xi32, #tpu.memory_space<hbm>>
      %dma_wait3A_569 = tpu.memref_squeeze %dma_wait3A_568 : memref<1x64xi32, #tpu.memory_space<hbm>> -> memref<64xi32, #tpu.memory_space<hbm>>
      tpu.wait_dma2 semaphore(%run_scoped3A_549 : memref<!tpu.dma_semaphore, #tpu.memory_space<semaphore_mem>>) src(%dma_wait3A_569 : memref<64xi32, #tpu.memory_space<hbm>>) dst(%dma_wait3A_567 : memref<64xi32, #tpu.memory_space<vmem>>)
      tpu.yield
    }) : () -> ()
    %run_scoped3A_12 = arith.constant 2 : i32
    %run_scoped3A_13 = arith.constant 2 : i32
    "tpu.region"() ({
      %run_scoped3A_549 = tpu.sem_alloc : memref<!tpu.dma_semaphore, #tpu.memory_space<semaphore_mem>>
      %dma_start3A_550 = arith.constant 0 : i32
      %dma_start3A_551 = tpu.memref_slice %arg9[%run_scoped3A_13, %dma_start3A_550] : memref<8x64xf32, #tpu.memory_space<vmem>> -> memref<1x64xf32, #tpu.memory_space<vmem>>
      %dma_start3A_552 = tpu.memref_squeeze %dma_start3A_551 : memref<1x64xf32, #tpu.memory_space<vmem>> -> memref<64xf32, #tpu.memory_space<vmem>>
      %dma_start3A_553 = tpu.memref_slice %arg4[%run_scoped3A_12, %mul3A_2] : memref<8x2048xf32, #tpu.memory_space<hbm>> -> memref<1x64xf32, #tpu.memory_space<hbm>>
      %dma_start3A_554 = tpu.memref_squeeze %dma_start3A_553 : memref<1x64xf32, #tpu.memory_space<hbm>> -> memref<64xf32, #tpu.memory_space<hbm>>
      %dma_start3A_555 = arith.constant 0 : i32
      %dma_start3A_556 = tpu.memref_slice %arg9[%run_scoped3A_13, %dma_start3A_555] : memref<8x64xf32, #tpu.memory_space<vmem>> -> memref<1x64xf32, #tpu.memory_space<vmem>>
      %dma_start3A_557 = tpu.memref_squeeze %dma_start3A_556 : memref<1x64xf32, #tpu.memory_space<vmem>> -> memref<64xf32, #tpu.memory_space<vmem>>
      %dma_start3A_558 = tpu.memref_slice %arg4[%run_scoped3A_12, %mul3A_2] : memref<8x2048xf32, #tpu.memory_space<hbm>> -> memref<1x64xf32, #tpu.memory_space<hbm>>
      %dma_start3A_559 = tpu.memref_squeeze %dma_start3A_558 : memref<1x64xf32, #tpu.memory_space<hbm>> -> memref<64xf32, #tpu.memory_space<hbm>>
      tpu.enqueue_dma source(%dma_start3A_559 : memref<64xf32, #tpu.memory_space<hbm>>) target(%dma_start3A_557 : memref<64xf32, #tpu.memory_space<vmem>>) target_semaphore(%run_scoped3A_549 : memref<!tpu.dma_semaphore, #tpu.memory_space<semaphore_mem>>)
      %dma_wait3A_560 = arith.constant 0 : i32
      %dma_wait3A_561 = tpu.memref_slice %arg9[%run_scoped3A_13, %dma_wait3A_560] : memref<8x64xf32, #tpu.memory_space<vmem>> -> memref<1x64xf32, #tpu.memory_space<vmem>>
      %dma_wait3A_562 = tpu.memref_squeeze %dma_wait3A_561 : memref<1x64xf32, #tpu.memory_space<vmem>> -> memref<64xf32, #tpu.memory_space<vmem>>
      %dma_wait3A_563 = tpu.memref_slice %arg4[%run_scoped3A_12, %mul3A_2] : memref<8x2048xf32, #tpu.memory_space<hbm>> -> memref<1x64xf32, #tpu.memory_space<hbm>>
      %dma_wait3A_564 = tpu.memref_squeeze %dma_wait3A_563 : memref<1x64xf32, #tpu.memory_space<hbm>> -> memref<64xf32, #tpu.memory_space<hbm>>
      %dma_wait3A_565 = arith.constant 0 : i32
      %dma_wait3A_566 = tpu.memref_slice %arg9[%run_scoped3A_13, %dma_wait3A_565] : memref<8x64xf32, #tpu.memory_space<vmem>> -> memref<1x64xf32, #tpu.memory_space<vmem>>
      %dma_wait3A_567 = tpu.memref_squeeze %dma_wait3A_566 : memref<1x64xf32, #tpu.memory_space<vmem>> -> memref<64xf32, #tpu.memory_space<vmem>>
      %dma_wait3A_568 = tpu.memref_slice %arg4[%run_scoped3A_12, %mul3A_2] : memref<8x2048xf32, #tpu.memory_space<hbm>> -> memref<1x64xf32, #tpu.memory_space<hbm>>
      %dma_wait3A_569 = tpu.memref_squeeze %dma_wait3A_568 : memref<1x64xf32, #tpu.memory_space<hbm>> -> memref<64xf32, #tpu.memory_space<hbm>>
      tpu.wait_dma2 semaphore(%run_scoped3A_549 : memref<!tpu.dma_semaphore, #tpu.memory_space<semaphore_mem>>) src(%dma_wait3A_569 : memref<64xf32, #tpu.memory_space<hbm>>) dst(%dma_wait3A_567 : memref<64xf32, #tpu.memory_space<vmem>>)
      tpu.yield
    }) : () -> ()
    %run_scoped3A_14 = arith.constant 3 : i32
    %run_scoped3A_15 = arith.constant 3 : i32
    "tpu.region"() ({
      %run_scoped3A_549 = tpu.sem_alloc : memref<!tpu.dma_semaphore, #tpu.memory_space<semaphore_mem>>
      %dma_start3A_550 = arith.constant 0 : i32
      %dma_start3A_551 = tpu.memref_slice %arg8[%run_scoped3A_15, %dma_start3A_550] : memref<8x64xi32, #tpu.memory_space<vmem>> -> memref<1x64xi32, #tpu.memory_space<vmem>>
      %dma_start3A_552 = tpu.memref_squeeze %dma_start3A_551 : memref<1x64xi32, #tpu.memory_space<vmem>> -> memref<64xi32, #tpu.memory_space<vmem>>
      %dma_start3A_553 = tpu.memref_slice %arg3[%run_scoped3A_14, %mul3A_2] : memref<8x2048xi32, #tpu.memory_space<hbm>> -> memref<1x64xi32, #tpu.memory_space<hbm>>
      %dma_start3A_554 = tpu.memref_squeeze %dma_start3A_553 : memref<1x64xi32, #tpu.memory_space<hbm>> -> memref<64xi32, #tpu.memory_space<hbm>>
      %dma_start3A_555 = arith.constant 0 : i32
      %dma_start3A_556 = tpu.memref_slice %arg8[%run_scoped3A_15, %dma_start3A_555] : memref<8x64xi32, #tpu.memory_space<vmem>> -> memref<1x64xi32, #tpu.memory_space<vmem>>
      %dma_start3A_557 = tpu.memref_squeeze %dma_start3A_556 : memref<1x64xi32, #tpu.memory_space<vmem>> -> memref<64xi32, #tpu.memory_space<vmem>>
      %dma_start3A_558 = tpu.memref_slice %arg3[%run_scoped3A_14, %mul3A_2] : memref<8x2048xi32, #tpu.memory_space<hbm>> -> memref<1x64xi32, #tpu.memory_space<hbm>>
      %dma_start3A_559 = tpu.memref_squeeze %dma_start3A_558 : memref<1x64xi32, #tpu.memory_space<hbm>> -> memref<64xi32, #tpu.memory_space<hbm>>
      tpu.enqueue_dma source(%dma_start3A_559 : memref<64xi32, #tpu.memory_space<hbm>>) target(%dma_start3A_557 : memref<64xi32, #tpu.memory_space<vmem>>) target_semaphore(%run_scoped3A_549 : memref<!tpu.dma_semaphore, #tpu.memory_space<semaphore_mem>>)
      %dma_wait3A_560 = arith.constant 0 : i32
      %dma_wait3A_561 = tpu.memref_slice %arg8[%run_scoped3A_15, %dma_wait3A_560] : memref<8x64xi32, #tpu.memory_space<vmem>> -> memref<1x64xi32, #tpu.memory_space<vmem>>
      %dma_wait3A_562 = tpu.memref_squeeze %dma_wait3A_561 : memref<1x64xi32, #tpu.memory_space<vmem>> -> memref<64xi32, #tpu.memory_space<vmem>>
      %dma_wait3A_563 = tpu.memref_slice %arg3[%run_scoped3A_14, %mul3A_2] : memref<8x2048xi32, #tpu.memory_space<hbm>> -> memref<1x64xi32, #tpu.memory_space<hbm>>
      %dma_wait3A_564 = tpu.memref_squeeze %dma_wait3A_563 : memref<1x64xi32, #tpu.memory_space<hbm>> -> memref<64xi32, #tpu.memory_space<hbm>>
      %dma_wait3A_565 = arith.constant 0 : i32
      %dma_wait3A_566 = tpu.memref_slice %arg8[%run_scoped3A_15, %dma_wait3A_565] : memref<8x64xi32, #tpu.memory_space<vmem>> -> memref<1x64xi32, #tpu.memory_space<vmem>>
      %dma_wait3A_567 = tpu.memref_squeeze %dma_wait3A_566 : memref<1x64xi32, #tpu.memory_space<vmem>> -> memref<64xi32, #tpu.memory_space<vmem>>
      %dma_wait3A_568 = tpu.memref_slice %arg3[%run_scoped3A_14, %mul3A_2] : memref<8x2048xi32, #tpu.memory_space<hbm>> -> memref<1x64xi32, #tpu.memory_space<hbm>>
      %dma_wait3A_569 = tpu.memref_squeeze %dma_wait3A_568 : memref<1x64xi32, #tpu.memory_space<hbm>> -> memref<64xi32, #tpu.memory_space<hbm>>
      tpu.wait_dma2 semaphore(%run_scoped3A_549 : memref<!tpu.dma_semaphore, #tpu.memory_space<semaphore_mem>>) src(%dma_wait3A_569 : memref<64xi32, #tpu.memory_space<hbm>>) dst(%dma_wait3A_567 : memref<64xi32, #tpu.memory_space<vmem>>)
      tpu.yield
    }) : () -> ()
    %run_scoped3A_16 = arith.constant 3 : i32
    %run_scoped3A_17 = arith.constant 3 : i32
    "tpu.region"() ({
      %run_scoped3A_549 = tpu.sem_alloc : memref<!tpu.dma_semaphore, #tpu.memory_space<semaphore_mem>>
      %dma_start3A_550 = arith.constant 0 : i32
      %dma_start3A_551 = tpu.memref_slice %arg9[%run_scoped3A_17, %dma_start3A_550] : memref<8x64xf32, #tpu.memory_space<vmem>> -> memref<1x64xf32, #tpu.memory_space<vmem>>
      %dma_start3A_552 = tpu.memref_squeeze %dma_start3A_551 : memref<1x64xf32, #tpu.memory_space<vmem>> -> memref<64xf32, #tpu.memory_space<vmem>>
      %dma_start3A_553 = tpu.memref_slice %arg4[%run_scoped3A_16, %mul3A_2] : memref<8x2048xf32, #tpu.memory_space<hbm>> -> memref<1x64xf32, #tpu.memory_space<hbm>>
      %dma_start3A_554 = tpu.memref_squeeze %dma_start3A_553 : memref<1x64xf32, #tpu.memory_space<hbm>> -> memref<64xf32, #tpu.memory_space<hbm>>
      %dma_start3A_555 = arith.constant 0 : i32
      %dma_start3A_556 = tpu.memref_slice %arg9[%run_scoped3A_17, %dma_start3A_555] : memref<8x64xf32, #tpu.memory_space<vmem>> -> memref<1x64xf32, #tpu.memory_space<vmem>>
      %dma_start3A_557 = tpu.memref_squeeze %dma_start3A_556 : memref<1x64xf32, #tpu.memory_space<vmem>> -> memref<64xf32, #tpu.memory_space<vmem>>
      %dma_start3A_558 = tpu.memref_slice %arg4[%run_scoped3A_16, %mul3A_2] : memref<8x2048xf32, #tpu.memory_space<hbm>> -> memref<1x64xf32, #tpu.memory_space<hbm>>
      %dma_start3A_559 = tpu.memref_squeeze %dma_start3A_558 : memref<1x64xf32, #tpu.memory_space<hbm>> -> memref<64xf32, #tpu.memory_space<hbm>>
      tpu.enqueue_dma source(%dma_start3A_559 : memref<64xf32, #tpu.memory_space<hbm>>) target(%dma_start3A_557 : memref<64xf32, #tpu.memory_space<vmem>>) target_semaphore(%run_scoped3A_549 : memref<!tpu.dma_semaphore, #tpu.memory_space<semaphore_mem>>)
      %dma_wait3A_560 = arith.constant 0 : i32
      %dma_wait3A_561 = tpu.memref_slice %arg9[%run_scoped3A_17, %dma_wait3A_560] : memref<8x64xf32, #tpu.memory_space<vmem>> -> memref<1x64xf32, #tpu.memory_space<vmem>>
      %dma_wait3A_562 = tpu.memref_squeeze %dma_wait3A_561 : memref<1x64xf32, #tpu.memory_space<vmem>> -> memref<64xf32, #tpu.memory_space<vmem>>
      %dma_wait3A_563 = tpu.memref_slice %arg4[%run_scoped3A_16, %mul3A_2] : memref<8x2048xf32, #tpu.memory_space<hbm>> -> memref<1x64xf32, #tpu.memory_space<hbm>>
      %dma_wait3A_564 = tpu.memref_squeeze %dma_wait3A_563 : memref<1x64xf32, #tpu.memory_space<hbm>> -> memref<64xf32, #tpu.memory_space<hbm>>
      %dma_wait3A_565 = arith.constant 0 : i32
      %dma_wait3A_566 = tpu.memref_slice %arg9[%run_scoped3A_17, %dma_wait3A_565] : memref<8x64xf32, #tpu.memory_space<vmem>> -> memref<1x64xf32, #tpu.memory_space<vmem>>
      %dma_wait3A_567 = tpu.memref_squeeze %dma_wait3A_566 : memref<1x64xf32, #tpu.memory_space<vmem>> -> memref<64xf32, #tpu.memory_space<vmem>>
      %dma_wait3A_568 = tpu.memref_slice %arg4[%run_scoped3A_16, %mul3A_2] : memref<8x2048xf32, #tpu.memory_space<hbm>> -> memref<1x64xf32, #tpu.memory_space<hbm>>
      %dma_wait3A_569 = tpu.memref_squeeze %dma_wait3A_568 : memref<1x64xf32, #tpu.memory_space<hbm>> -> memref<64xf32, #tpu.memory_space<hbm>>
      tpu.wait_dma2 semaphore(%run_scoped3A_549 : memref<!tpu.dma_semaphore, #tpu.memory_space<semaphore_mem>>) src(%dma_wait3A_569 : memref<64xf32, #tpu.memory_space<hbm>>) dst(%dma_wait3A_567 : memref<64xf32, #tpu.memory_space<vmem>>)
      tpu.yield
    }) : () -> ()
    %run_scoped3A_18 = arith.constant 4 : i32
    %run_scoped3A_19 = arith.constant 4 : i32
    "tpu.region"() ({
      %run_scoped3A_549 = tpu.sem_alloc : memref<!tpu.dma_semaphore, #tpu.memory_space<semaphore_mem>>
      %dma_start3A_550 = arith.constant 0 : i32
      %dma_start3A_551 = tpu.memref_slice %arg8[%run_scoped3A_19, %dma_start3A_550] : memref<8x64xi32, #tpu.memory_space<vmem>> -> memref<1x64xi32, #tpu.memory_space<vmem>>
      %dma_start3A_552 = tpu.memref_squeeze %dma_start3A_551 : memref<1x64xi32, #tpu.memory_space<vmem>> -> memref<64xi32, #tpu.memory_space<vmem>>
      %dma_start3A_553 = tpu.memref_slice %arg3[%run_scoped3A_18, %mul3A_2] : memref<8x2048xi32, #tpu.memory_space<hbm>> -> memref<1x64xi32, #tpu.memory_space<hbm>>
      %dma_start3A_554 = tpu.memref_squeeze %dma_start3A_553 : memref<1x64xi32, #tpu.memory_space<hbm>> -> memref<64xi32, #tpu.memory_space<hbm>>
      %dma_start3A_555 = arith.constant 0 : i32
      %dma_start3A_556 = tpu.memref_slice %arg8[%run_scoped3A_19, %dma_start3A_555] : memref<8x64xi32, #tpu.memory_space<vmem>> -> memref<1x64xi32, #tpu.memory_space<vmem>>
      %dma_start3A_557 = tpu.memref_squeeze %dma_start3A_556 : memref<1x64xi32, #tpu.memory_space<vmem>> -> memref<64xi32, #tpu.memory_space<vmem>>
      %dma_start3A_558 = tpu.memref_slice %arg3[%run_scoped3A_18, %mul3A_2] : memref<8x2048xi32, #tpu.memory_space<hbm>> -> memref<1x64xi32, #tpu.memory_space<hbm>>
      %dma_start3A_559 = tpu.memref_squeeze %dma_start3A_558 : memref<1x64xi32, #tpu.memory_space<hbm>> -> memref<64xi32, #tpu.memory_space<hbm>>
      tpu.enqueue_dma source(%dma_start3A_559 : memref<64xi32, #tpu.memory_space<hbm>>) target(%dma_start3A_557 : memref<64xi32, #tpu.memory_space<vmem>>) target_semaphore(%run_scoped3A_549 : memref<!tpu.dma_semaphore, #tpu.memory_space<semaphore_mem>>)
      %dma_wait3A_560 = arith.constant 0 : i32
      %dma_wait3A_561 = tpu.memref_slice %arg8[%run_scoped3A_19, %dma_wait3A_560] : memref<8x64xi32, #tpu.memory_space<vmem>> -> memref<1x64xi32, #tpu.memory_space<vmem>>
      %dma_wait3A_562 = tpu.memref_squeeze %dma_wait3A_561 : memref<1x64xi32, #tpu.memory_space<vmem>> -> memref<64xi32, #tpu.memory_space<vmem>>
      %dma_wait3A_563 = tpu.memref_slice %arg3[%run_scoped3A_18, %mul3A_2] : memref<8x2048xi32, #tpu.memory_space<hbm>> -> memref<1x64xi32, #tpu.memory_space<hbm>>
      %dma_wait3A_564 = tpu.memref_squeeze %dma_wait3A_563 : memref<1x64xi32, #tpu.memory_space<hbm>> -> memref<64xi32, #tpu.memory_space<hbm>>
      %dma_wait3A_565 = arith.constant 0 : i32
      %dma_wait3A_566 = tpu.memref_slice %arg8[%run_scoped3A_19, %dma_wait3A_565] : memref<8x64xi32, #tpu.memory_space<vmem>> -> memref<1x64xi32, #tpu.memory_space<vmem>>
      %dma_wait3A_567 = tpu.memref_squeeze %dma_wait3A_566 : memref<1x64xi32, #tpu.memory_space<vmem>> -> memref<64xi32, #tpu.memory_space<vmem>>
      %dma_wait3A_568 = tpu.memref_slice %arg3[%run_scoped3A_18, %mul3A_2] : memref<8x2048xi32, #tpu.memory_space<hbm>> -> memref<1x64xi32, #tpu.memory_space<hbm>>
      %dma_wait3A_569 = tpu.memref_squeeze %dma_wait3A_568 : memref<1x64xi32, #tpu.memory_space<hbm>> -> memref<64xi32, #tpu.memory_space<hbm>>
      tpu.wait_dma2 semaphore(%run_scoped3A_549 : memref<!tpu.dma_semaphore, #tpu.memory_space<semaphore_mem>>) src(%dma_wait3A_569 : memref<64xi32, #tpu.memory_space<hbm>>) dst(%dma_wait3A_567 : memref<64xi32, #tpu.memory_space<vmem>>)
      tpu.yield
    }) : () -> ()
    %run_scoped3A_20 = arith.constant 4 : i32
    %run_scoped3A_21 = arith.constant 4 : i32
    "tpu.region"() ({
      %run_scoped3A_549 = tpu.sem_alloc : memref<!tpu.dma_semaphore, #tpu.memory_space<semaphore_mem>>
      %dma_start3A_550 = arith.constant 0 : i32
      %dma_start3A_551 = tpu.memref_slice %arg9[%run_scoped3A_21, %dma_start3A_550] : memref<8x64xf32, #tpu.memory_space<vmem>> -> memref<1x64xf32, #tpu.memory_space<vmem>>
      %dma_start3A_552 = tpu.memref_squeeze %dma_start3A_551 : memref<1x64xf32, #tpu.memory_space<vmem>> -> memref<64xf32, #tpu.memory_space<vmem>>
      %dma_start3A_553 = tpu.memref_slice %arg4[%run_scoped3A_20, %mul3A_2] : memref<8x2048xf32, #tpu.memory_space<hbm>> -> memref<1x64xf32, #tpu.memory_space<hbm>>
      %dma_start3A_554 = tpu.memref_squeeze %dma_start3A_553 : memref<1x64xf32, #tpu.memory_space<hbm>> -> memref<64xf32, #tpu.memory_space<hbm>>
      %dma_start3A_555 = arith.constant 0 : i32
      %dma_start3A_556 = tpu.memref_slice %arg9[%run_scoped3A_21, %dma_start3A_555] : memref<8x64xf32, #tpu.memory_space<vmem>> -> memref<1x64xf32, #tpu.memory_space<vmem>>
      %dma_start3A_557 = tpu.memref_squeeze %dma_start3A_556 : memref<1x64xf32, #tpu.memory_space<vmem>> -> memref<64xf32, #tpu.memory_space<vmem>>
      %dma_start3A_558 = tpu.memref_slice %arg4[%run_scoped3A_20, %mul3A_2] : memref<8x2048xf32, #tpu.memory_space<hbm>> -> memref<1x64xf32, #tpu.memory_space<hbm>>
      %dma_start3A_559 = tpu.memref_squeeze %dma_start3A_558 : memref<1x64xf32, #tpu.memory_space<hbm>> -> memref<64xf32, #tpu.memory_space<hbm>>
      tpu.enqueue_dma source(%dma_start3A_559 : memref<64xf32, #tpu.memory_space<hbm>>) target(%dma_start3A_557 : memref<64xf32, #tpu.memory_space<vmem>>) target_semaphore(%run_scoped3A_549 : memref<!tpu.dma_semaphore, #tpu.memory_space<semaphore_mem>>)
      %dma_wait3A_560 = arith.constant 0 : i32
      %dma_wait3A_561 = tpu.memref_slice %arg9[%run_scoped3A_21, %dma_wait3A_560] : memref<8x64xf32, #tpu.memory_space<vmem>> -> memref<1x64xf32, #tpu.memory_space<vmem>>
      %dma_wait3A_562 = tpu.memref_squeeze %dma_wait3A_561 : memref<1x64xf32, #tpu.memory_space<vmem>> -> memref<64xf32, #tpu.memory_space<vmem>>
      %dma_wait3A_563 = tpu.memref_slice %arg4[%run_scoped3A_20, %mul3A_2] : memref<8x2048xf32, #tpu.memory_space<hbm>> -> memref<1x64xf32, #tpu.memory_space<hbm>>
      %dma_wait3A_564 = tpu.memref_squeeze %dma_wait3A_563 : memref<1x64xf32, #tpu.memory_space<hbm>> -> memref<64xf32, #tpu.memory_space<hbm>>
      %dma_wait3A_565 = arith.constant 0 : i32
      %dma_wait3A_566 = tpu.memref_slice %arg9[%run_scoped3A_21, %dma_wait3A_565] : memref<8x64xf32, #tpu.memory_space<vmem>> -> memref<1x64xf32, #tpu.memory_space<vmem>>
      %dma_wait3A_567 = tpu.memref_squeeze %dma_wait3A_566 : memref<1x64xf32, #tpu.memory_space<vmem>> -> memref<64xf32, #tpu.memory_space<vmem>>
      %dma_wait3A_568 = tpu.memref_slice %arg4[%run_scoped3A_20, %mul3A_2] : memref<8x2048xf32, #tpu.memory_space<hbm>> -> memref<1x64xf32, #tpu.memory_space<hbm>>
      %dma_wait3A_569 = tpu.memref_squeeze %dma_wait3A_568 : memref<1x64xf32, #tpu.memory_space<hbm>> -> memref<64xf32, #tpu.memory_space<hbm>>
      tpu.wait_dma2 semaphore(%run_scoped3A_549 : memref<!tpu.dma_semaphore, #tpu.memory_space<semaphore_mem>>) src(%dma_wait3A_569 : memref<64xf32, #tpu.memory_space<hbm>>) dst(%dma_wait3A_567 : memref<64xf32, #tpu.memory_space<vmem>>)
      tpu.yield
    }) : () -> ()
    %run_scoped3A_22 = arith.constant 5 : i32
    %run_scoped3A_23 = arith.constant 5 : i32
    "tpu.region"() ({
      %run_scoped3A_549 = tpu.sem_alloc : memref<!tpu.dma_semaphore, #tpu.memory_space<semaphore_mem>>
      %dma_start3A_550 = arith.constant 0 : i32
      %dma_start3A_551 = tpu.memref_slice %arg8[%run_scoped3A_23, %dma_start3A_550] : memref<8x64xi32, #tpu.memory_space<vmem>> -> memref<1x64xi32, #tpu.memory_space<vmem>>
      %dma_start3A_552 = tpu.memref_squeeze %dma_start3A_551 : memref<1x64xi32, #tpu.memory_space<vmem>> -> memref<64xi32, #tpu.memory_space<vmem>>
      %dma_start3A_553 = tpu.memref_slice %arg3[%run_scoped3A_22, %mul3A_2] : memref<8x2048xi32, #tpu.memory_space<hbm>> -> memref<1x64xi32, #tpu.memory_space<hbm>>
      %dma_start3A_554 = tpu.memref_squeeze %dma_start3A_553 : memref<1x64xi32, #tpu.memory_space<hbm>> -> memref<64xi32, #tpu.memory_space<hbm>>
      %dma_start3A_555 = arith.constant 0 : i32
      %dma_start3A_556 = tpu.memref_slice %arg8[%run_scoped3A_23, %dma_start3A_555] : memref<8x64xi32, #tpu.memory_space<vmem>> -> memref<1x64xi32, #tpu.memory_space<vmem>>
      %dma_start3A_557 = tpu.memref_squeeze %dma_start3A_556 : memref<1x64xi32, #tpu.memory_space<vmem>> -> memref<64xi32, #tpu.memory_space<vmem>>
      %dma_start3A_558 = tpu.memref_slice %arg3[%run_scoped3A_22, %mul3A_2] : memref<8x2048xi32, #tpu.memory_space<hbm>> -> memref<1x64xi32, #tpu.memory_space<hbm>>
      %dma_start3A_559 = tpu.memref_squeeze %dma_start3A_558 : memref<1x64xi32, #tpu.memory_space<hbm>> -> memref<64xi32, #tpu.memory_space<hbm>>
      tpu.enqueue_dma source(%dma_start3A_559 : memref<64xi32, #tpu.memory_space<hbm>>) target(%dma_start3A_557 : memref<64xi32, #tpu.memory_space<vmem>>) target_semaphore(%run_scoped3A_549 : memref<!tpu.dma_semaphore, #tpu.memory_space<semaphore_mem>>)
      %dma_wait3A_560 = arith.constant 0 : i32
      %dma_wait3A_561 = tpu.memref_slice %arg8[%run_scoped3A_23, %dma_wait3A_560] : memref<8x64xi32, #tpu.memory_space<vmem>> -> memref<1x64xi32, #tpu.memory_space<vmem>>
      %dma_wait3A_562 = tpu.memref_squeeze %dma_wait3A_561 : memref<1x64xi32, #tpu.memory_space<vmem>> -> memref<64xi32, #tpu.memory_space<vmem>>
      %dma_wait3A_563 = tpu.memref_slice %arg3[%run_scoped3A_22, %mul3A_2] : memref<8x2048xi32, #tpu.memory_space<hbm>> -> memref<1x64xi32, #tpu.memory_space<hbm>>
      %dma_wait3A_564 = tpu.memref_squeeze %dma_wait3A_563 : memref<1x64xi32, #tpu.memory_space<hbm>> -> memref<64xi32, #tpu.memory_space<hbm>>
      %dma_wait3A_565 = arith.constant 0 : i32
      %dma_wait3A_566 = tpu.memref_slice %arg8[%run_scoped3A_23, %dma_wait3A_565] : memref<8x64xi32, #tpu.memory_space<vmem>> -> memref<1x64xi32, #tpu.memory_space<vmem>>
      %dma_wait3A_567 = tpu.memref_squeeze %dma_wait3A_566 : memref<1x64xi32, #tpu.memory_space<vmem>> -> memref<64xi32, #tpu.memory_space<vmem>>
      %dma_wait3A_568 = tpu.memref_slice %arg3[%run_scoped3A_22, %mul3A_2] : memref<8x2048xi32, #tpu.memory_space<hbm>> -> memref<1x64xi32, #tpu.memory_space<hbm>>
      %dma_wait3A_569 = tpu.memref_squeeze %dma_wait3A_568 : memref<1x64xi32, #tpu.memory_space<hbm>> -> memref<64xi32, #tpu.memory_space<hbm>>
      tpu.wait_dma2 semaphore(%run_scoped3A_549 : memref<!tpu.dma_semaphore, #tpu.memory_space<semaphore_mem>>) src(%dma_wait3A_569 : memref<64xi32, #tpu.memory_space<hbm>>) dst(%dma_wait3A_567 : memref<64xi32, #tpu.memory_space<vmem>>)
      tpu.yield
    }) : () -> ()
    %run_scoped3A_24 = arith.constant 5 : i32
    %run_scoped3A_25 = arith.constant 5 : i32
    "tpu.region"() ({
      %run_scoped3A_549 = tpu.sem_alloc : memref<!tpu.dma_semaphore, #tpu.memory_space<semaphore_mem>>
      %dma_start3A_550 = arith.constant 0 : i32
      %dma_start3A_551 = tpu.memref_slice %arg9[%run_scoped3A_25, %dma_start3A_550] : memref<8x64xf32, #tpu.memory_space<vmem>> -> memref<1x64xf32, #tpu.memory_space<vmem>>
      %dma_start3A_552 = tpu.memref_squeeze %dma_start3A_551 : memref<1x64xf32, #tpu.memory_space<vmem>> -> memref<64xf32, #tpu.memory_space<vmem>>
      %dma_start3A_553 = tpu.memref_slice %arg4[%run_scoped3A_24, %mul3A_2] : memref<8x2048xf32, #tpu.memory_space<hbm>> -> memref<1x64xf32, #tpu.memory_space<hbm>>
      %dma_start3A_554 = tpu.memref_squeeze %dma_start3A_553 : memref<1x64xf32, #tpu.memory_space<hbm>> -> memref<64xf32, #tpu.memory_space<hbm>>
      %dma_start3A_555 = arith.constant 0 : i32
      %dma_start3A_556 = tpu.memref_slice %arg9[%run_scoped3A_25, %dma_start3A_555] : memref<8x64xf32, #tpu.memory_space<vmem>> -> memref<1x64xf32, #tpu.memory_space<vmem>>
      %dma_start3A_557 = tpu.memref_squeeze %dma_start3A_556 : memref<1x64xf32, #tpu.memory_space<vmem>> -> memref<64xf32, #tpu.memory_space<vmem>>
      %dma_start3A_558 = tpu.memref_slice %arg4[%run_scoped3A_24, %mul3A_2] : memref<8x2048xf32, #tpu.memory_space<hbm>> -> memref<1x64xf32, #tpu.memory_space<hbm>>
      %dma_start3A_559 = tpu.memref_squeeze %dma_start3A_558 : memref<1x64xf32, #tpu.memory_space<hbm>> -> memref<64xf32, #tpu.memory_space<hbm>>
      tpu.enqueue_dma source(%dma_start3A_559 : memref<64xf32, #tpu.memory_space<hbm>>) target(%dma_start3A_557 : memref<64xf32, #tpu.memory_space<vmem>>) target_semaphore(%run_scoped3A_549 : memref<!tpu.dma_semaphore, #tpu.memory_space<semaphore_mem>>)
      %dma_wait3A_560 = arith.constant 0 : i32
      %dma_wait3A_561 = tpu.memref_slice %arg9[%run_scoped3A_25, %dma_wait3A_560] : memref<8x64xf32, #tpu.memory_space<vmem>> -> memref<1x64xf32, #tpu.memory_space<vmem>>
      %dma_wait3A_562 = tpu.memref_squeeze %dma_wait3A_561 : memref<1x64xf32, #tpu.memory_space<vmem>> -> memref<64xf32, #tpu.memory_space<vmem>>
      %dma_wait3A_563 = tpu.memref_slice %arg4[%run_scoped3A_24, %mul3A_2] : memref<8x2048xf32, #tpu.memory_space<hbm>> -> memref<1x64xf32, #tpu.memory_space<hbm>>
      %dma_wait3A_564 = tpu.memref_squeeze %dma_wait3A_563 : memref<1x64xf32, #tpu.memory_space<hbm>> -> memref<64xf32, #tpu.memory_space<hbm>>
      %dma_wait3A_565 = arith.constant 0 : i32
      %dma_wait3A_566 = tpu.memref_slice %arg9[%run_scoped3A_25, %dma_wait3A_565] : memref<8x64xf32, #tpu.memory_space<vmem>> -> memref<1x64xf32, #tpu.memory_space<vmem>>
      %dma_wait3A_567 = tpu.memref_squeeze %dma_wait3A_566 : memref<1x64xf32, #tpu.memory_space<vmem>> -> memref<64xf32, #tpu.memory_space<vmem>>
      %dma_wait3A_568 = tpu.memref_slice %arg4[%run_scoped3A_24, %mul3A_2] : memref<8x2048xf32, #tpu.memory_space<hbm>> -> memref<1x64xf32, #tpu.memory_space<hbm>>
      %dma_wait3A_569 = tpu.memref_squeeze %dma_wait3A_568 : memref<1x64xf32, #tpu.memory_space<hbm>> -> memref<64xf32, #tpu.memory_space<hbm>>
      tpu.wait_dma2 semaphore(%run_scoped3A_549 : memref<!tpu.dma_semaphore, #tpu.memory_space<semaphore_mem>>) src(%dma_wait3A_569 : memref<64xf32, #tpu.memory_space<hbm>>) dst(%dma_wait3A_567 : memref<64xf32, #tpu.memory_space<vmem>>)
      tpu.yield
    }) : () -> ()
    %run_scoped3A_26 = arith.constant 6 : i32
    %run_scoped3A_27 = arith.constant 6 : i32
    "tpu.region"() ({
      %run_scoped3A_549 = tpu.sem_alloc : memref<!tpu.dma_semaphore, #tpu.memory_space<semaphore_mem>>
      %dma_start3A_550 = arith.constant 0 : i32
      %dma_start3A_551 = tpu.memref_slice %arg8[%run_scoped3A_27, %dma_start3A_550] : memref<8x64xi32, #tpu.memory_space<vmem>> -> memref<1x64xi32, #tpu.memory_space<vmem>>
      %dma_start3A_552 = tpu.memref_squeeze %dma_start3A_551 : memref<1x64xi32, #tpu.memory_space<vmem>> -> memref<64xi32, #tpu.memory_space<vmem>>
      %dma_start3A_553 = tpu.memref_slice %arg3[%run_scoped3A_26, %mul3A_2] : memref<8x2048xi32, #tpu.memory_space<hbm>> -> memref<1x64xi32, #tpu.memory_space<hbm>>
      %dma_start3A_554 = tpu.memref_squeeze %dma_start3A_553 : memref<1x64xi32, #tpu.memory_space<hbm>> -> memref<64xi32, #tpu.memory_space<hbm>>
      %dma_start3A_555 = arith.constant 0 : i32
      %dma_start3A_556 = tpu.memref_slice %arg8[%run_scoped3A_27, %dma_start3A_555] : memref<8x64xi32, #tpu.memory_space<vmem>> -> memref<1x64xi32, #tpu.memory_space<vmem>>
      %dma_start3A_557 = tpu.memref_squeeze %dma_start3A_556 : memref<1x64xi32, #tpu.memory_space<vmem>> -> memref<64xi32, #tpu.memory_space<vmem>>
      %dma_start3A_558 = tpu.memref_slice %arg3[%run_scoped3A_26, %mul3A_2] : memref<8x2048xi32, #tpu.memory_space<hbm>> -> memref<1x64xi32, #tpu.memory_space<hbm>>
      %dma_start3A_559 = tpu.memref_squeeze %dma_start3A_558 : memref<1x64xi32, #tpu.memory_space<hbm>> -> memref<64xi32, #tpu.memory_space<hbm>>
      tpu.enqueue_dma source(%dma_start3A_559 : memref<64xi32, #tpu.memory_space<hbm>>) target(%dma_start3A_557 : memref<64xi32, #tpu.memory_space<vmem>>) target_semaphore(%run_scoped3A_549 : memref<!tpu.dma_semaphore, #tpu.memory_space<semaphore_mem>>)
      %dma_wait3A_560 = arith.constant 0 : i32
      %dma_wait3A_561 = tpu.memref_slice %arg8[%run_scoped3A_27, %dma_wait3A_560] : memref<8x64xi32, #tpu.memory_space<vmem>> -> memref<1x64xi32, #tpu.memory_space<vmem>>
      %dma_wait3A_562 = tpu.memref_squeeze %dma_wait3A_561 : memref<1x64xi32, #tpu.memory_space<vmem>> -> memref<64xi32, #tpu.memory_space<vmem>>
      %dma_wait3A_563 = tpu.memref_slice %arg3[%run_scoped3A_26, %mul3A_2] : memref<8x2048xi32, #tpu.memory_space<hbm>> -> memref<1x64xi32, #tpu.memory_space<hbm>>
      %dma_wait3A_564 = tpu.memref_squeeze %dma_wait3A_563 : memref<1x64xi32, #tpu.memory_space<hbm>> -> memref<64xi32, #tpu.memory_space<hbm>>
      %dma_wait3A_565 = arith.constant 0 : i32
      %dma_wait3A_566 = tpu.memref_slice %arg8[%run_scoped3A_27, %dma_wait3A_565] : memref<8x64xi32, #tpu.memory_space<vmem>> -> memref<1x64xi32, #tpu.memory_space<vmem>>
      %dma_wait3A_567 = tpu.memref_squeeze %dma_wait3A_566 : memref<1x64xi32, #tpu.memory_space<vmem>> -> memref<64xi32, #tpu.memory_space<vmem>>
      %dma_wait3A_568 = tpu.memref_slice %arg3[%run_scoped3A_26, %mul3A_2] : memref<8x2048xi32, #tpu.memory_space<hbm>> -> memref<1x64xi32, #tpu.memory_space<hbm>>
      %dma_wait3A_569 = tpu.memref_squeeze %dma_wait3A_568 : memref<1x64xi32, #tpu.memory_space<hbm>> -> memref<64xi32, #tpu.memory_space<hbm>>
      tpu.wait_dma2 semaphore(%run_scoped3A_549 : memref<!tpu.dma_semaphore, #tpu.memory_space<semaphore_mem>>) src(%dma_wait3A_569 : memref<64xi32, #tpu.memory_space<hbm>>) dst(%dma_wait3A_567 : memref<64xi32, #tpu.memory_space<vmem>>)
      tpu.yield
    }) : () -> ()
    %run_scoped3A_28 = arith.constant 6 : i32
    %run_scoped3A_29 = arith.constant 6 : i32
    "tpu.region"() ({
      %run_scoped3A_549 = tpu.sem_alloc : memref<!tpu.dma_semaphore, #tpu.memory_space<semaphore_mem>>
      %dma_start3A_550 = arith.constant 0 : i32
      %dma_start3A_551 = tpu.memref_slice %arg9[%run_scoped3A_29, %dma_start3A_550] : memref<8x64xf32, #tpu.memory_space<vmem>> -> memref<1x64xf32, #tpu.memory_space<vmem>>
      %dma_start3A_552 = tpu.memref_squeeze %dma_start3A_551 : memref<1x64xf32, #tpu.memory_space<vmem>> -> memref<64xf32, #tpu.memory_space<vmem>>
      %dma_start3A_553 = tpu.memref_slice %arg4[%run_scoped3A_28, %mul3A_2] : memref<8x2048xf32, #tpu.memory_space<hbm>> -> memref<1x64xf32, #tpu.memory_space<hbm>>
      %dma_start3A_554 = tpu.memref_squeeze %dma_start3A_553 : memref<1x64xf32, #tpu.memory_space<hbm>> -> memref<64xf32, #tpu.memory_space<hbm>>
      %dma_start3A_555 = arith.constant 0 : i32
      %dma_start3A_556 = tpu.memref_slice %arg9[%run_scoped3A_29, %dma_start3A_555] : memref<8x64xf32, #tpu.memory_space<vmem>> -> memref<1x64xf32, #tpu.memory_space<vmem>>
      %dma_start3A_557 = tpu.memref_squeeze %dma_start3A_556 : memref<1x64xf32, #tpu.memory_space<vmem>> -> memref<64xf32, #tpu.memory_space<vmem>>
      %dma_start3A_558 = tpu.memref_slice %arg4[%run_scoped3A_28, %mul3A_2] : memref<8x2048xf32, #tpu.memory_space<hbm>> -> memref<1x64xf32, #tpu.memory_space<hbm>>
      %dma_start3A_559 = tpu.memref_squeeze %dma_start3A_558 : memref<1x64xf32, #tpu.memory_space<hbm>> -> memref<64xf32, #tpu.memory_space<hbm>>
      tpu.enqueue_dma source(%dma_start3A_559 : memref<64xf32, #tpu.memory_space<hbm>>) target(%dma_start3A_557 : memref<64xf32, #tpu.memory_space<vmem>>) target_semaphore(%run_scoped3A_549 : memref<!tpu.dma_semaphore, #tpu.memory_space<semaphore_mem>>)
      %dma_wait3A_560 = arith.constant 0 : i32
      %dma_wait3A_561 = tpu.memref_slice %arg9[%run_scoped3A_29, %dma_wait3A_560] : memref<8x64xf32, #tpu.memory_space<vmem>> -> memref<1x64xf32, #tpu.memory_space<vmem>>
      %dma_wait3A_562 = tpu.memref_squeeze %dma_wait3A_561 : memref<1x64xf32, #tpu.memory_space<vmem>> -> memref<64xf32, #tpu.memory_space<vmem>>
      %dma_wait3A_563 = tpu.memref_slice %arg4[%run_scoped3A_28, %mul3A_2] : memref<8x2048xf32, #tpu.memory_space<hbm>> -> memref<1x64xf32, #tpu.memory_space<hbm>>
      %dma_wait3A_564 = tpu.memref_squeeze %dma_wait3A_563 : memref<1x64xf32, #tpu.memory_space<hbm>> -> memref<64xf32, #tpu.memory_space<hbm>>
      %dma_wait3A_565 = arith.constant 0 : i32
      %dma_wait3A_566 = tpu.memref_slice %arg9[%run_scoped3A_29, %dma_wait3A_565] : memref<8x64xf32, #tpu.memory_space<vmem>> -> memref<1x64xf32, #tpu.memory_space<vmem>>
      %dma_wait3A_567 = tpu.memref_squeeze %dma_wait3A_566 : memref<1x64xf32, #tpu.memory_space<vmem>> -> memref<64xf32, #tpu.memory_space<vmem>>
      %dma_wait3A_568 = tpu.memref_slice %arg4[%run_scoped3A_28, %mul3A_2] : memref<8x2048xf32, #tpu.memory_space<hbm>> -> memref<1x64xf32, #tpu.memory_space<hbm>>
      %dma_wait3A_569 = tpu.memref_squeeze %dma_wait3A_568 : memref<1x64xf32, #tpu.memory_space<hbm>> -> memref<64xf32, #tpu.memory_space<hbm>>
      tpu.wait_dma2 semaphore(%run_scoped3A_549 : memref<!tpu.dma_semaphore, #tpu.memory_space<semaphore_mem>>) src(%dma_wait3A_569 : memref<64xf32, #tpu.memory_space<hbm>>) dst(%dma_wait3A_567 : memref<64xf32, #tpu.memory_space<vmem>>)
      tpu.yield
    }) : () -> ()
    %run_scoped3A_30 = arith.constant 7 : i32
    %run_scoped3A_31 = arith.constant 7 : i32
    "tpu.region"() ({
      %run_scoped3A_549 = tpu.sem_alloc : memref<!tpu.dma_semaphore, #tpu.memory_space<semaphore_mem>>
      %dma_start3A_550 = arith.constant 0 : i32
      %dma_start3A_551 = tpu.memref_slice %arg8[%run_scoped3A_31, %dma_start3A_550] : memref<8x64xi32, #tpu.memory_space<vmem>> -> memref<1x64xi32, #tpu.memory_space<vmem>>
      %dma_start3A_552 = tpu.memref_squeeze %dma_start3A_551 : memref<1x64xi32, #tpu.memory_space<vmem>> -> memref<64xi32, #tpu.memory_space<vmem>>
      %dma_start3A_553 = tpu.memref_slice %arg3[%run_scoped3A_30, %mul3A_2] : memref<8x2048xi32, #tpu.memory_space<hbm>> -> memref<1x64xi32, #tpu.memory_space<hbm>>
      %dma_start3A_554 = tpu.memref_squeeze %dma_start3A_553 : memref<1x64xi32, #tpu.memory_space<hbm>> -> memref<64xi32, #tpu.memory_space<hbm>>
      %dma_start3A_555 = arith.constant 0 : i32
      %dma_start3A_556 = tpu.memref_slice %arg8[%run_scoped3A_31, %dma_start3A_555] : memref<8x64xi32, #tpu.memory_space<vmem>> -> memref<1x64xi32, #tpu.memory_space<vmem>>
      %dma_start3A_557 = tpu.memref_squeeze %dma_start3A_556 : memref<1x64xi32, #tpu.memory_space<vmem>> -> memref<64xi32, #tpu.memory_space<vmem>>
      %dma_start3A_558 = tpu.memref_slice %arg3[%run_scoped3A_30, %mul3A_2] : memref<8x2048xi32, #tpu.memory_space<hbm>> -> memref<1x64xi32, #tpu.memory_space<hbm>>
      %dma_start3A_559 = tpu.memref_squeeze %dma_start3A_558 : memref<1x64xi32, #tpu.memory_space<hbm>> -> memref<64xi32, #tpu.memory_space<hbm>>
      tpu.enqueue_dma source(%dma_start3A_559 : memref<64xi32, #tpu.memory_space<hbm>>) target(%dma_start3A_557 : memref<64xi32, #tpu.memory_space<vmem>>) target_semaphore(%run_scoped3A_549 : memref<!tpu.dma_semaphore, #tpu.memory_space<semaphore_mem>>)
      %dma_wait3A_560 = arith.constant 0 : i32
      %dma_wait3A_561 = tpu.memref_slice %arg8[%run_scoped3A_31, %dma_wait3A_560] : memref<8x64xi32, #tpu.memory_space<vmem>> -> memref<1x64xi32, #tpu.memory_space<vmem>>
      %dma_wait3A_562 = tpu.memref_squeeze %dma_wait3A_561 : memref<1x64xi32, #tpu.memory_space<vmem>> -> memref<64xi32, #tpu.memory_space<vmem>>
      %dma_wait3A_563 = tpu.memref_slice %arg3[%run_scoped3A_30, %mul3A_2] : memref<8x2048xi32, #tpu.memory_space<hbm>> -> memref<1x64xi32, #tpu.memory_space<hbm>>
      %dma_wait3A_564 = tpu.memref_squeeze %dma_wait3A_563 : memref<1x64xi32, #tpu.memory_space<hbm>> -> memref<64xi32, #tpu.memory_space<hbm>>
      %dma_wait3A_565 = arith.constant 0 : i32
      %dma_wait3A_566 = tpu.memref_slice %arg8[%run_scoped3A_31, %dma_wait3A_565] : memref<8x64xi32, #tpu.memory_space<vmem>> -> memref<1x64xi32, #tpu.memory_space<vmem>>
      %dma_wait3A_567 = tpu.memref_squeeze %dma_wait3A_566 : memref<1x64xi32, #tpu.memory_space<vmem>> -> memref<64xi32, #tpu.memory_space<vmem>>
      %dma_wait3A_568 = tpu.memref_slice %arg3[%run_scoped3A_30, %mul3A_2] : memref<8x2048xi32, #tpu.memory_space<hbm>> -> memref<1x64xi32, #tpu.memory_space<hbm>>
      %dma_wait3A_569 = tpu.memref_squeeze %dma_wait3A_568 : memref<1x64xi32, #tpu.memory_space<hbm>> -> memref<64xi32, #tpu.memory_space<hbm>>
      tpu.wait_dma2 semaphore(%run_scoped3A_549 : memref<!tpu.dma_semaphore, #tpu.memory_space<semaphore_mem>>) src(%dma_wait3A_569 : memref<64xi32, #tpu.memory_space<hbm>>) dst(%dma_wait3A_567 : memref<64xi32, #tpu.memory_space<vmem>>)
      tpu.yield
    }) : () -> ()
    %run_scoped3A_32 = arith.constant 7 : i32
    %run_scoped3A_33 = arith.constant 7 : i32
    "tpu.region"() ({
      %run_scoped3A_549 = tpu.sem_alloc : memref<!tpu.dma_semaphore, #tpu.memory_space<semaphore_mem>>
      %dma_start3A_550 = arith.constant 0 : i32
      %dma_start3A_551 = tpu.memref_slice %arg9[%run_scoped3A_33, %dma_start3A_550] : memref<8x64xf32, #tpu.memory_space<vmem>> -> memref<1x64xf32, #tpu.memory_space<vmem>>
      %dma_start3A_552 = tpu.memref_squeeze %dma_start3A_551 : memref<1x64xf32, #tpu.memory_space<vmem>> -> memref<64xf32, #tpu.memory_space<vmem>>
      %dma_start3A_553 = tpu.memref_slice %arg4[%run_scoped3A_32, %mul3A_2] : memref<8x2048xf32, #tpu.memory_space<hbm>> -> memref<1x64xf32, #tpu.memory_space<hbm>>
      %dma_start3A_554 = tpu.memref_squeeze %dma_start3A_553 : memref<1x64xf32, #tpu.memory_space<hbm>> -> memref<64xf32, #tpu.memory_space<hbm>>
      %dma_start3A_555 = arith.constant 0 : i32
      %dma_start3A_556 = tpu.memref_slice %arg9[%run_scoped3A_33, %dma_start3A_555] : memref<8x64xf32, #tpu.memory_space<vmem>> -> memref<1x64xf32, #tpu.memory_space<vmem>>
      %dma_start3A_557 = tpu.memref_squeeze %dma_start3A_556 : memref<1x64xf32, #tpu.memory_space<vmem>> -> memref<64xf32, #tpu.memory_space<vmem>>
      %dma_start3A_558 = tpu.memref_slice %arg4[%run_scoped3A_32, %mul3A_2] : memref<8x2048xf32, #tpu.memory_space<hbm>> -> memref<1x64xf32, #tpu.memory_space<hbm>>
      %dma_start3A_559 = tpu.memref_squeeze %dma_start3A_558 : memref<1x64xf32, #tpu.memory_space<hbm>> -> memref<64xf32, #tpu.memory_space<hbm>>
      tpu.enqueue_dma source(%dma_start3A_559 : memref<64xf32, #tpu.memory_space<hbm>>) target(%dma_start3A_557 : memref<64xf32, #tpu.memory_space<vmem>>) target_semaphore(%run_scoped3A_549 : memref<!tpu.dma_semaphore, #tpu.memory_space<semaphore_mem>>)
      %dma_wait3A_560 = arith.constant 0 : i32
      %dma_wait3A_561 = tpu.memref_slice %arg9[%run_scoped3A_33, %dma_wait3A_560] : memref<8x64xf32, #tpu.memory_space<vmem>> -> memref<1x64xf32, #tpu.memory_space<vmem>>
      %dma_wait3A_562 = tpu.memref_squeeze %dma_wait3A_561 : memref<1x64xf32, #tpu.memory_space<vmem>> -> memref<64xf32, #tpu.memory_space<vmem>>
      %dma_wait3A_563 = tpu.memref_slice %arg4[%run_scoped3A_32, %mul3A_2] : memref<8x2048xf32, #tpu.memory_space<hbm>> -> memref<1x64xf32, #tpu.memory_space<hbm>>
      %dma_wait3A_564 = tpu.memref_squeeze %dma_wait3A_563 : memref<1x64xf32, #tpu.memory_space<hbm>> -> memref<64xf32, #tpu.memory_space<hbm>>
      %dma_wait3A_565 = arith.constant 0 : i32
      %dma_wait3A_566 = tpu.memref_slice %arg9[%run_scoped3A_33, %dma_wait3A_565] : memref<8x64xf32, #tpu.memory_space<vmem>> -> memref<1x64xf32, #tpu.memory_space<vmem>>
      %dma_wait3A_567 = tpu.memref_squeeze %dma_wait3A_566 : memref<1x64xf32, #tpu.memory_space<vmem>> -> memref<64xf32, #tpu.memory_space<vmem>>
      %dma_wait3A_568 = tpu.memref_slice %arg4[%run_scoped3A_32, %mul3A_2] : memref<8x2048xf32, #tpu.memory_space<hbm>> -> memref<1x64xf32, #tpu.memory_space<hbm>>
      %dma_wait3A_569 = tpu.memref_squeeze %dma_wait3A_568 : memref<1x64xf32, #tpu.memory_space<hbm>> -> memref<64xf32, #tpu.memory_space<hbm>>
      tpu.wait_dma2 semaphore(%run_scoped3A_549 : memref<!tpu.dma_semaphore, #tpu.memory_space<semaphore_mem>>) src(%dma_wait3A_569 : memref<64xf32, #tpu.memory_space<hbm>>) dst(%dma_wait3A_567 : memref<64xf32, #tpu.memory_space<vmem>>)
      tpu.yield
    }) : () -> ()
    %dma_start3A = arith.constant 0 : i32
    %dma_start3A_34 = arith.constant 0 : i32
    %dma_start3A_35 = tpu.memref_slice %arg8[%dma_start3A, %dma_start3A_34] : memref<8x64xi32, #tpu.memory_space<vmem>> -> memref<1x64xi32, #tpu.memory_space<vmem>>
    %dma_start3A_36 = tpu.memref_squeeze %dma_start3A_35 : memref<1x64xi32, #tpu.memory_space<vmem>> -> memref<64xi32, #tpu.memory_space<vmem>>
    %dma_start3A_37 = arith.constant 0 : i32
    %dma_start3A_38 = arith.constant 0 : i32
    %dma_start3A_39 = tpu.memref_slice %arg5[%dma_start3A_37, %dma_start3A_38] : memref<16384x768xf32, #tpu.memory_space<hbm>> -> memref<16384x768xf32, #tpu.memory_space<hbm>>
    tpu.enqueue_indirect_dma source(%arg7 : memref<64x768xf32, #tpu.memory_space<vmem>>) target(%dma_start3A_39 : memref<16384x768xf32, #tpu.memory_space<hbm>>) offsets(%dma_start3A_36 : memref<64xi32, #tpu.memory_space<vmem>>) semaphore(%arg12 : memref<!tpu.dma_semaphore, #tpu.memory_space<semaphore_mem>>)
    %dma_start3A_40 = arith.constant 1 : i32
    %dma_start3A_41 = arith.constant 0 : i32
    %dma_start3A_42 = tpu.memref_slice %arg8[%dma_start3A_40, %dma_start3A_41] : memref<8x64xi32, #tpu.memory_space<vmem>> -> memref<1x64xi32, #tpu.memory_space<vmem>>
    %dma_start3A_43 = tpu.memref_squeeze %dma_start3A_42 : memref<1x64xi32, #tpu.memory_space<vmem>> -> memref<64xi32, #tpu.memory_space<vmem>>
    %dma_start3A_44 = arith.constant 0 : i32
    %dma_start3A_45 = arith.constant 0 : i32
    %dma_start3A_46 = tpu.memref_slice %arg5[%dma_start3A_44, %dma_start3A_45] : memref<16384x768xf32, #tpu.memory_space<hbm>> -> memref<16384x768xf32, #tpu.memory_space<hbm>>
    tpu.enqueue_indirect_dma source(%arg7 : memref<64x768xf32, #tpu.memory_space<vmem>>) target(%dma_start3A_46 : memref<16384x768xf32, #tpu.memory_space<hbm>>) offsets(%dma_start3A_43 : memref<64xi32, #tpu.memory_space<vmem>>) semaphore(%arg12 : memref<!tpu.dma_semaphore, #tpu.memory_space<semaphore_mem>>)
    %dma_start3A_47 = arith.constant 2 : i32
    %dma_start3A_48 = arith.constant 0 : i32
    %dma_start3A_49 = tpu.memref_slice %arg8[%dma_start3A_47, %dma_start3A_48] : memref<8x64xi32, #tpu.memory_space<vmem>> -> memref<1x64xi32, #tpu.memory_space<vmem>>
    %dma_start3A_50 = tpu.memref_squeeze %dma_start3A_49 : memref<1x64xi32, #tpu.memory_space<vmem>> -> memref<64xi32, #tpu.memory_space<vmem>>
    %dma_start3A_51 = arith.constant 0 : i32
    %dma_start3A_52 = arith.constant 0 : i32
    %dma_start3A_53 = tpu.memref_slice %arg5[%dma_start3A_51, %dma_start3A_52] : memref<16384x768xf32, #tpu.memory_space<hbm>> -> memref<16384x768xf32, #tpu.memory_space<hbm>>
    tpu.enqueue_indirect_dma source(%arg7 : memref<64x768xf32, #tpu.memory_space<vmem>>) target(%dma_start3A_53 : memref<16384x768xf32, #tpu.memory_space<hbm>>) offsets(%dma_start3A_50 : memref<64xi32, #tpu.memory_space<vmem>>) semaphore(%arg12 : memref<!tpu.dma_semaphore, #tpu.memory_space<semaphore_mem>>)
    %dma_start3A_54 = arith.constant 3 : i32
    %dma_start3A_55 = arith.constant 0 : i32
    %dma_start3A_56 = tpu.memref_slice %arg8[%dma_start3A_54, %dma_start3A_55] : memref<8x64xi32, #tpu.memory_space<vmem>> -> memref<1x64xi32, #tpu.memory_space<vmem>>
    %dma_start3A_57 = tpu.memref_squeeze %dma_start3A_56 : memref<1x64xi32, #tpu.memory_space<vmem>> -> memref<64xi32, #tpu.memory_space<vmem>>
    %dma_start3A_58 = arith.constant 0 : i32
    %dma_start3A_59 = arith.constant 0 : i32
    %dma_start3A_60 = tpu.memref_slice %arg5[%dma_start3A_58, %dma_start3A_59] : memref<16384x768xf32, #tpu.memory_space<hbm>> -> memref<16384x768xf32, #tpu.memory_space<hbm>>
    tpu.enqueue_indirect_dma source(%arg7 : memref<64x768xf32, #tpu.memory_space<vmem>>) target(%dma_start3A_60 : memref<16384x768xf32, #tpu.memory_space<hbm>>) offsets(%dma_start3A_57 : memref<64xi32, #tpu.memory_space<vmem>>) semaphore(%arg12 : memref<!tpu.dma_semaphore, #tpu.memory_space<semaphore_mem>>)
    %dma_start3A_61 = arith.constant 4 : i32
    %dma_start3A_62 = arith.constant 0 : i32
    %dma_start3A_63 = tpu.memref_slice %arg8[%dma_start3A_61, %dma_start3A_62] : memref<8x64xi32, #tpu.memory_space<vmem>> -> memref<1x64xi32, #tpu.memory_space<vmem>>
    %dma_start3A_64 = tpu.memref_squeeze %dma_start3A_63 : memref<1x64xi32, #tpu.memory_space<vmem>> -> memref<64xi32, #tpu.memory_space<vmem>>
    %dma_start3A_65 = arith.constant 0 : i32
    %dma_start3A_66 = arith.constant 0 : i32
    %dma_start3A_67 = tpu.memref_slice %arg5[%dma_start3A_65, %dma_start3A_66] : memref<16384x768xf32, #tpu.memory_space<hbm>> -> memref<16384x768xf32, #tpu.memory_space<hbm>>
    tpu.enqueue_indirect_dma source(%arg7 : memref<64x768xf32, #tpu.memory_space<vmem>>) target(%dma_start3A_67 : memref<16384x768xf32, #tpu.memory_space<hbm>>) offsets(%dma_start3A_64 : memref<64xi32, #tpu.memory_space<vmem>>) semaphore(%arg12 : memref<!tpu.dma_semaphore, #tpu.memory_space<semaphore_mem>>)
    %dma_start3A_68 = arith.constant 5 : i32
    %dma_start3A_69 = arith.constant 0 : i32
    %dma_start3A_70 = tpu.memref_slice %arg8[%dma_start3A_68, %dma_start3A_69] : memref<8x64xi32, #tpu.memory_space<vmem>> -> memref<1x64xi32, #tpu.memory_space<vmem>>
    %dma_start3A_71 = tpu.memref_squeeze %dma_start3A_70 : memref<1x64xi32, #tpu.memory_space<vmem>> -> memref<64xi32, #tpu.memory_space<vmem>>
    %dma_start3A_72 = arith.constant 0 : i32
    %dma_start3A_73 = arith.constant 0 : i32
    %dma_start3A_74 = tpu.memref_slice %arg5[%dma_start3A_72, %dma_start3A_73] : memref<16384x768xf32, #tpu.memory_space<hbm>> -> memref<16384x768xf32, #tpu.memory_space<hbm>>
    tpu.enqueue_indirect_dma source(%arg7 : memref<64x768xf32, #tpu.memory_space<vmem>>) target(%dma_start3A_74 : memref<16384x768xf32, #tpu.memory_space<hbm>>) offsets(%dma_start3A_71 : memref<64xi32, #tpu.memory_space<vmem>>) semaphore(%arg12 : memref<!tpu.dma_semaphore, #tpu.memory_space<semaphore_mem>>)
    %dma_start3A_75 = arith.constant 6 : i32
    %dma_start3A_76 = arith.constant 0 : i32
    %dma_start3A_77 = tpu.memref_slice %arg8[%dma_start3A_75, %dma_start3A_76] : memref<8x64xi32, #tpu.memory_space<vmem>> -> memref<1x64xi32, #tpu.memory_space<vmem>>
    %dma_start3A_78 = tpu.memref_squeeze %dma_start3A_77 : memref<1x64xi32, #tpu.memory_space<vmem>> -> memref<64xi32, #tpu.memory_space<vmem>>
    %dma_start3A_79 = arith.constant 0 : i32
    %dma_start3A_80 = arith.constant 0 : i32
    %dma_start3A_81 = tpu.memref_slice %arg5[%dma_start3A_79, %dma_start3A_80] : memref<16384x768xf32, #tpu.memory_space<hbm>> -> memref<16384x768xf32, #tpu.memory_space<hbm>>
    tpu.enqueue_indirect_dma source(%arg7 : memref<64x768xf32, #tpu.memory_space<vmem>>) target(%dma_start3A_81 : memref<16384x768xf32, #tpu.memory_space<hbm>>) offsets(%dma_start3A_78 : memref<64xi32, #tpu.memory_space<vmem>>) semaphore(%arg12 : memref<!tpu.dma_semaphore, #tpu.memory_space<semaphore_mem>>)
    %dma_start3A_82 = arith.constant 7 : i32
    %dma_start3A_83 = arith.constant 0 : i32
    %dma_start3A_84 = tpu.memref_slice %arg8[%dma_start3A_82, %dma_start3A_83] : memref<8x64xi32, #tpu.memory_space<vmem>> -> memref<1x64xi32, #tpu.memory_space<vmem>>
    %dma_start3A_85 = tpu.memref_squeeze %dma_start3A_84 : memref<1x64xi32, #tpu.memory_space<vmem>> -> memref<64xi32, #tpu.memory_space<vmem>>
    %dma_start3A_86 = arith.constant 0 : i32
    %dma_start3A_87 = arith.constant 0 : i32
    %dma_start3A_88 = tpu.memref_slice %arg5[%dma_start3A_86, %dma_start3A_87] : memref<16384x768xf32, #tpu.memory_space<hbm>> -> memref<16384x768xf32, #tpu.memory_space<hbm>>
    tpu.enqueue_indirect_dma source(%arg7 : memref<64x768xf32, #tpu.memory_space<vmem>>) target(%dma_start3A_88 : memref<16384x768xf32, #tpu.memory_space<hbm>>) offsets(%dma_start3A_85 : memref<64xi32, #tpu.memory_space<vmem>>) semaphore(%arg12 : memref<!tpu.dma_semaphore, #tpu.memory_space<semaphore_mem>>)
    %broadcast_in_dim3A = arith.constant 0.000000e+00 : f32
    %broadcast_in_dim3A_89 = vector.broadcast %broadcast_in_dim3A : f32 to vector<16xf32>
    %swap3A = arith.constant 0 : index
    %swap3A_90 = tpu.vector_load %arg10[%swap3A] {strides = array<i32>} : memref<1024xf32, #tpu.memory_space<vmem>>, vector<16xf32>,
    %swap3A_91 = vector.shape_cast %swap3A_90 : vector<16xf32> to vector<16xf32>
    %swap3A_92 = vector.shape_cast %broadcast_in_dim3A_89 : vector<16xf32> to vector<16xf32>
    tpu.vector_store %arg10[%swap3A], %swap3A_92 {strides = array<i32>} : memref<1024xf32, #tpu.memory_space<vmem>>, vector<16xf32>,
    %broadcast_in_dim3A_93 = arith.constant 0.000000e+00 : f32
    %broadcast_in_dim3A_94 = vector.broadcast %broadcast_in_dim3A_93 : f32 to vector<16xf32>
    %swap3A_95 = arith.constant 16 : index
    %swap3A_96 = tpu.vector_load %arg10[%swap3A_95] {strides = array<i32>} : memref<1024xf32, #tpu.memory_space<vmem>>, vector<16xf32>,
    %swap3A_97 = vector.shape_cast %swap3A_96 : vector<16xf32> to vector<16xf32>
    %swap3A_98 = vector.shape_cast %broadcast_in_dim3A_94 : vector<16xf32> to vector<16xf32>
    tpu.vector_store %arg10[%swap3A_95], %swap3A_98 {strides = array<i32>} : memref<1024xf32, #tpu.memory_space<vmem>>, vector<16xf32>,
    %broadcast_in_dim3A_99 = arith.constant 0.000000e+00 : f32
    %broadcast_in_dim3A_100 = vector.broadcast %broadcast_in_dim3A_99 : f32 to vector<16xf32>
    %swap3A_101 = arith.constant 32 : index
    %swap3A_102 = tpu.vector_load %arg10[%swap3A_101] {strides = array<i32>} : memref<1024xf32, #tpu.memory_space<vmem>>, vector<16xf32>,
    %swap3A_103 = vector.shape_cast %swap3A_102 : vector<16xf32> to vector<16xf32>
    %swap3A_104 = vector.shape_cast %broadcast_in_dim3A_100 : vector<16xf32> to vector<16xf32>
    tpu.vector_store %arg10[%swap3A_101], %swap3A_104 {strides = array<i32>} : memref<1024xf32, #tpu.memory_space<vmem>>, vector<16xf32>,
    %broadcast_in_dim3A_105 = arith.constant 0.000000e+00 : f32
    %broadcast_in_dim3A_106 = vector.broadcast %broadcast_in_dim3A_105 : f32 to vector<16xf32>
    %swap3A_107 = arith.constant 48 : index
    %swap3A_108 = tpu.vector_load %arg10[%swap3A_107] {strides = array<i32>} : memref<1024xf32, #tpu.memory_space<vmem>>, vector<16xf32>,
    %swap3A_109 = vector.shape_cast %swap3A_108 : vector<16xf32> to vector<16xf32>
    %swap3A_110 = vector.shape_cast %broadcast_in_dim3A_106 : vector<16xf32> to vector<16xf32>
    tpu.vector_store %arg10[%swap3A_107], %swap3A_110 {strides = array<i32>} : memref<1024xf32, #tpu.memory_space<vmem>>, vector<16xf32>,
    %broadcast_in_dim3A_111 = arith.constant 0.000000e+00 : f32
    %broadcast_in_dim3A_112 = vector.broadcast %broadcast_in_dim3A_111 : f32 to vector<16xf32>
    %swap3A_113 = arith.constant 64 : index
    %swap3A_114 = tpu.vector_load %arg10[%swap3A_113] {strides = array<i32>} : memref<1024xf32, #tpu.memory_space<vmem>>, vector<16xf32>,
    %swap3A_115 = vector.shape_cast %swap3A_114 : vector<16xf32> to vector<16xf32>
    %swap3A_116 = vector.shape_cast %broadcast_in_dim3A_112 : vector<16xf32> to vector<16xf32>
    tpu.vector_store %arg10[%swap3A_113], %swap3A_116 {strides = array<i32>} : memref<1024xf32, #tpu.memory_space<vmem>>, vector<16xf32>,
    %broadcast_in_dim3A_117 = arith.constant 0.000000e+00 : f32
    %broadcast_in_dim3A_118 = vector.broadcast %broadcast_in_dim3A_117 : f32 to vector<16xf32>
    %swap3A_119 = arith.constant 80 : index
    %swap3A_120 = tpu.vector_load %arg10[%swap3A_119] {strides = array<i32>} : memref<1024xf32, #tpu.memory_space<vmem>>, vector<16xf32>,
    %swap3A_121 = vector.shape_cast %swap3A_120 : vector<16xf32> to vector<16xf32>
    %swap3A_122 = vector.shape_cast %broadcast_in_dim3A_118 : vector<16xf32> to vector<16xf32>
    tpu.vector_store %arg10[%swap3A_119], %swap3A_122 {strides = array<i32>} : memref<1024xf32, #tpu.memory_space<vmem>>, vector<16xf32>,
    %broadcast_in_dim3A_123 = arith.constant 0.000000e+00 : f32
    %broadcast_in_dim3A_124 = vector.broadcast %broadcast_in_dim3A_123 : f32 to vector<16xf32>
    %swap3A_125 = arith.constant 96 : index
    %swap3A_126 = tpu.vector_load %arg10[%swap3A_125] {strides = array<i32>} : memref<1024xf32, #tpu.memory_space<vmem>>, vector<16xf32>,
    %swap3A_127 = vector.shape_cast %swap3A_126 : vector<16xf32> to vector<16xf32>
    %swap3A_128 = vector.shape_cast %broadcast_in_dim3A_124 : vector<16xf32> to vector<16xf32>
    tpu.vector_store %arg10[%swap3A_125], %swap3A_128 {strides = array<i32>} : memref<1024xf32, #tpu.memory_space<vmem>>, vector<16xf32>,
    %broadcast_in_dim3A_129 = arith.constant 0.000000e+00 : f32
    %broadcast_in_dim3A_130 = vector.broadcast %broadcast_in_dim3A_129 : f32 to vector<16xf32>
    %swap3A_131 = arith.constant 112 : index
    %swap3A_132 = tpu.vector_load %arg10[%swap3A_131] {strides = array<i32>} : memref<1024xf32, #tpu.memory_space<vmem>>, vector<16xf32>,
    %swap3A_133 = vector.shape_cast %swap3A_132 : vector<16xf32> to vector<16xf32>
    %swap3A_134 = vector.shape_cast %broadcast_in_dim3A_130 : vector<16xf32> to vector<16xf32>
    tpu.vector_store %arg10[%swap3A_131], %swap3A_134 {strides = array<i32>} : memref<1024xf32, #tpu.memory_space<vmem>>, vector<16xf32>,
    %broadcast_in_dim3A_135 = arith.constant 0.000000e+00 : f32
    %broadcast_in_dim3A_136 = vector.broadcast %broadcast_in_dim3A_135 : f32 to vector<16xf32>
    %swap3A_137 = arith.constant 128 : index
    %swap3A_138 = tpu.vector_load %arg10[%swap3A_137] {strides = array<i32>} : memref<1024xf32, #tpu.memory_space<vmem>>, vector<16xf32>,
    %swap3A_139 = vector.shape_cast %swap3A_138 : vector<16xf32> to vector<16xf32>
    %swap3A_140 = vector.shape_cast %broadcast_in_dim3A_136 : vector<16xf32> to vector<16xf32>
    tpu.vector_store %arg10[%swap3A_137], %swap3A_140 {strides = array<i32>} : memref<1024xf32, #tpu.memory_space<vmem>>, vector<16xf32>,
    %broadcast_in_dim3A_141 = arith.constant 0.000000e+00 : f32
    %broadcast_in_dim3A_142 = vector.broadcast %broadcast_in_dim3A_141 : f32 to vector<16xf32>
    %swap3A_143 = arith.constant 144 : index
    %swap3A_144 = tpu.vector_load %arg10[%swap3A_143] {strides = array<i32>} : memref<1024xf32, #tpu.memory_space<vmem>>, vector<16xf32>,
    %swap3A_145 = vector.shape_cast %swap3A_144 : vector<16xf32> to vector<16xf32>
    %swap3A_146 = vector.shape_cast %broadcast_in_dim3A_142 : vector<16xf32> to vector<16xf32>
    tpu.vector_store %arg10[%swap3A_143], %swap3A_146 {strides = array<i32>} : memref<1024xf32, #tpu.memory_space<vmem>>, vector<16xf32>,
    %broadcast_in_dim3A_147 = arith.constant 0.000000e+00 : f32
    %broadcast_in_dim3A_148 = vector.broadcast %broadcast_in_dim3A_147 : f32 to vector<16xf32>
    %swap3A_149 = arith.constant 160 : index
    %swap3A_150 = tpu.vector_load %arg10[%swap3A_149] {strides = array<i32>} : memref<1024xf32, #tpu.memory_space<vmem>>, vector<16xf32>,
    %swap3A_151 = vector.shape_cast %swap3A_150 : vector<16xf32> to vector<16xf32>
    %swap3A_152 = vector.shape_cast %broadcast_in_dim3A_148 : vector<16xf32> to vector<16xf32>
    tpu.vector_store %arg10[%swap3A_149], %swap3A_152 {strides = array<i32>} : memref<1024xf32, #tpu.memory_space<vmem>>, vector<16xf32>,
    %broadcast_in_dim3A_153 = arith.constant 0.000000e+00 : f32
    %broadcast_in_dim3A_154 = vector.broadcast %broadcast_in_dim3A_153 : f32 to vector<16xf32>
    %swap3A_155 = arith.constant 176 : index
    %swap3A_156 = tpu.vector_load %arg10[%swap3A_155] {strides = array<i32>} : memref<1024xf32, #tpu.memory_space<vmem>>, vector<16xf32>,
    %swap3A_157 = vector.shape_cast %swap3A_156 : vector<16xf32> to vector<16xf32>
    %swap3A_158 = vector.shape_cast %broadcast_in_dim3A_154 : vector<16xf32> to vector<16xf32>
    tpu.vector_store %arg10[%swap3A_155], %swap3A_158 {strides = array<i32>} : memref<1024xf32, #tpu.memory_space<vmem>>, vector<16xf32>,
    %broadcast_in_dim3A_159 = arith.constant 0.000000e+00 : f32
    %broadcast_in_dim3A_160 = vector.broadcast %broadcast_in_dim3A_159 : f32 to vector<16xf32>
    %swap3A_161 = arith.constant 192 : index
    %swap3A_162 = tpu.vector_load %arg10[%swap3A_161] {strides = array<i32>} : memref<1024xf32, #tpu.memory_space<vmem>>, vector<16xf32>,
    %swap3A_163 = vector.shape_cast %swap3A_162 : vector<16xf32> to vector<16xf32>
    %swap3A_164 = vector.shape_cast %broadcast_in_dim3A_160 : vector<16xf32> to vector<16xf32>
    tpu.vector_store %arg10[%swap3A_161], %swap3A_164 {strides = array<i32>} : memref<1024xf32, #tpu.memory_space<vmem>>, vector<16xf32>,
    %broadcast_in_dim3A_165 = arith.constant 0.000000e+00 : f32
    %broadcast_in_dim3A_166 = vector.broadcast %broadcast_in_dim3A_165 : f32 to vector<16xf32>
    %swap3A_167 = arith.constant 208 : index
    %swap3A_168 = tpu.vector_load %arg10[%swap3A_167] {strides = array<i32>} : memref<1024xf32, #tpu.memory_space<vmem>>, vector<16xf32>,
    %swap3A_169 = vector.shape_cast %swap3A_168 : vector<16xf32> to vector<16xf32>
    %swap3A_170 = vector.shape_cast %broadcast_in_dim3A_166 : vector<16xf32> to vector<16xf32>
    tpu.vector_store %arg10[%swap3A_167], %swap3A_170 {strides = array<i32>} : memref<1024xf32, #tpu.memory_space<vmem>>, vector<16xf32>,
    %broadcast_in_dim3A_171 = arith.constant 0.000000e+00 : f32
    %broadcast_in_dim3A_172 = vector.broadcast %broadcast_in_dim3A_171 : f32 to vector<16xf32>
    %swap3A_173 = arith.constant 224 : index
    %swap3A_174 = tpu.vector_load %arg10[%swap3A_173] {strides = array<i32>} : memref<1024xf32, #tpu.memory_space<vmem>>, vector<16xf32>,
    %swap3A_175 = vector.shape_cast %swap3A_174 : vector<16xf32> to vector<16xf32>
    %swap3A_176 = vector.shape_cast %broadcast_in_dim3A_172 : vector<16xf32> to vector<16xf32>
    tpu.vector_store %arg10[%swap3A_173], %swap3A_176 {strides = array<i32>} : memref<1024xf32, #tpu.memory_space<vmem>>, vector<16xf32>,
    %broadcast_in_dim3A_177 = arith.constant 0.000000e+00 : f32
    %broadcast_in_dim3A_178 = vector.broadcast %broadcast_in_dim3A_177 : f32 to vector<16xf32>
    %swap3A_179 = arith.constant 240 : index
    %swap3A_180 = tpu.vector_load %arg10[%swap3A_179] {strides = array<i32>} : memref<1024xf32, #tpu.memory_space<vmem>>, vector<16xf32>,
    %swap3A_181 = vector.shape_cast %swap3A_180 : vector<16xf32> to vector<16xf32>
    %swap3A_182 = vector.shape_cast %broadcast_in_dim3A_178 : vector<16xf32> to vector<16xf32>
    tpu.vector_store %arg10[%swap3A_179], %swap3A_182 {strides = array<i32>} : memref<1024xf32, #tpu.memory_space<vmem>>, vector<16xf32>,
    %broadcast_in_dim3A_183 = arith.constant 0.000000e+00 : f32
    %broadcast_in_dim3A_184 = vector.broadcast %broadcast_in_dim3A_183 : f32 to vector<16xf32>
    %swap3A_185 = arith.constant 256 : index
    %swap3A_186 = tpu.vector_load %arg10[%swap3A_185] {strides = array<i32>} : memref<1024xf32, #tpu.memory_space<vmem>>, vector<16xf32>,
    %swap3A_187 = vector.shape_cast %swap3A_186 : vector<16xf32> to vector<16xf32>
    %swap3A_188 = vector.shape_cast %broadcast_in_dim3A_184 : vector<16xf32> to vector<16xf32>
    tpu.vector_store %arg10[%swap3A_185], %swap3A_188 {strides = array<i32>} : memref<1024xf32, #tpu.memory_space<vmem>>, vector<16xf32>,
    %broadcast_in_dim3A_189 = arith.constant 0.000000e+00 : f32
    %broadcast_in_dim3A_190 = vector.broadcast %broadcast_in_dim3A_189 : f32 to vector<16xf32>
    %swap3A_191 = arith.constant 272 : index
    %swap3A_192 = tpu.vector_load %arg10[%swap3A_191] {strides = array<i32>} : memref<1024xf32, #tpu.memory_space<vmem>>, vector<16xf32>,
    %swap3A_193 = vector.shape_cast %swap3A_192 : vector<16xf32> to vector<16xf32>
    %swap3A_194 = vector.shape_cast %broadcast_in_dim3A_190 : vector<16xf32> to vector<16xf32>
    tpu.vector_store %arg10[%swap3A_191], %swap3A_194 {strides = array<i32>} : memref<1024xf32, #tpu.memory_space<vmem>>, vector<16xf32>,
    %broadcast_in_dim3A_195 = arith.constant 0.000000e+00 : f32
    %broadcast_in_dim3A_196 = vector.broadcast %broadcast_in_dim3A_195 : f32 to vector<16xf32>
    %swap3A_197 = arith.constant 288 : index
    %swap3A_198 = tpu.vector_load %arg10[%swap3A_197] {strides = array<i32>} : memref<1024xf32, #tpu.memory_space<vmem>>, vector<16xf32>,
    %swap3A_199 = vector.shape_cast %swap3A_198 : vector<16xf32> to vector<16xf32>
    %swap3A_200 = vector.shape_cast %broadcast_in_dim3A_196 : vector<16xf32> to vector<16xf32>
    tpu.vector_store %arg10[%swap3A_197], %swap3A_200 {strides = array<i32>} : memref<1024xf32, #tpu.memory_space<vmem>>, vector<16xf32>,
    %broadcast_in_dim3A_201 = arith.constant 0.000000e+00 : f32
    %broadcast_in_dim3A_202 = vector.broadcast %broadcast_in_dim3A_201 : f32 to vector<16xf32>
    %swap3A_203 = arith.constant 304 : index
    %swap3A_204 = tpu.vector_load %arg10[%swap3A_203] {strides = array<i32>} : memref<1024xf32, #tpu.memory_space<vmem>>, vector<16xf32>,
    %swap3A_205 = vector.shape_cast %swap3A_204 : vector<16xf32> to vector<16xf32>
    %swap3A_206 = vector.shape_cast %broadcast_in_dim3A_202 : vector<16xf32> to vector<16xf32>
    tpu.vector_store %arg10[%swap3A_203], %swap3A_206 {strides = array<i32>} : memref<1024xf32, #tpu.memory_space<vmem>>, vector<16xf32>,
    %broadcast_in_dim3A_207 = arith.constant 0.000000e+00 : f32
    %broadcast_in_dim3A_208 = vector.broadcast %broadcast_in_dim3A_207 : f32 to vector<16xf32>
    %swap3A_209 = arith.constant 320 : index
    %swap3A_210 = tpu.vector_load %arg10[%swap3A_209] {strides = array<i32>} : memref<1024xf32, #tpu.memory_space<vmem>>, vector<16xf32>,
    %swap3A_211 = vector.shape_cast %swap3A_210 : vector<16xf32> to vector<16xf32>
    %swap3A_212 = vector.shape_cast %broadcast_in_dim3A_208 : vector<16xf32> to vector<16xf32>
    tpu.vector_store %arg10[%swap3A_209], %swap3A_212 {strides = array<i32>} : memref<1024xf32, #tpu.memory_space<vmem>>, vector<16xf32>,
    %broadcast_in_dim3A_213 = arith.constant 0.000000e+00 : f32
    %broadcast_in_dim3A_214 = vector.broadcast %broadcast_in_dim3A_213 : f32 to vector<16xf32>
    %swap3A_215 = arith.constant 336 : index
    %swap3A_216 = tpu.vector_load %arg10[%swap3A_215] {strides = array<i32>} : memref<1024xf32, #tpu.memory_space<vmem>>, vector<16xf32>,
    %swap3A_217 = vector.shape_cast %swap3A_216 : vector<16xf32> to vector<16xf32>
    %swap3A_218 = vector.shape_cast %broadcast_in_dim3A_214 : vector<16xf32> to vector<16xf32>
    tpu.vector_store %arg10[%swap3A_215], %swap3A_218 {strides = array<i32>} : memref<1024xf32, #tpu.memory_space<vmem>>, vector<16xf32>,
    %broadcast_in_dim3A_219 = arith.constant 0.000000e+00 : f32
    %broadcast_in_dim3A_220 = vector.broadcast %broadcast_in_dim3A_219 : f32 to vector<16xf32>
    %swap3A_221 = arith.constant 352 : index
    %swap3A_222 = tpu.vector_load %arg10[%swap3A_221] {strides = array<i32>} : memref<1024xf32, #tpu.memory_space<vmem>>, vector<16xf32>,
    %swap3A_223 = vector.shape_cast %swap3A_222 : vector<16xf32> to vector<16xf32>
    %swap3A_224 = vector.shape_cast %broadcast_in_dim3A_220 : vector<16xf32> to vector<16xf32>
    tpu.vector_store %arg10[%swap3A_221], %swap3A_224 {strides = array<i32>} : memref<1024xf32, #tpu.memory_space<vmem>>, vector<16xf32>,
    %broadcast_in_dim3A_225 = arith.constant 0.000000e+00 : f32
    %broadcast_in_dim3A_226 = vector.broadcast %broadcast_in_dim3A_225 : f32 to vector<16xf32>
    %swap3A_227 = arith.constant 368 : index
    %swap3A_228 = tpu.vector_load %arg10[%swap3A_227] {strides = array<i32>} : memref<1024xf32, #tpu.memory_space<vmem>>, vector<16xf32>,
    %swap3A_229 = vector.shape_cast %swap3A_228 : vector<16xf32> to vector<16xf32>
    %swap3A_230 = vector.shape_cast %broadcast_in_dim3A_226 : vector<16xf32> to vector<16xf32>
    tpu.vector_store %arg10[%swap3A_227], %swap3A_230 {strides = array<i32>} : memref<1024xf32, #tpu.memory_space<vmem>>, vector<16xf32>,
    %broadcast_in_dim3A_231 = arith.constant 0.000000e+00 : f32
    %broadcast_in_dim3A_232 = vector.broadcast %broadcast_in_dim3A_231 : f32 to vector<16xf32>
    %swap3A_233 = arith.constant 384 : index
    %swap3A_234 = tpu.vector_load %arg10[%swap3A_233] {strides = array<i32>} : memref<1024xf32, #tpu.memory_space<vmem>>, vector<16xf32>,
    %swap3A_235 = vector.shape_cast %swap3A_234 : vector<16xf32> to vector<16xf32>
    %swap3A_236 = vector.shape_cast %broadcast_in_dim3A_232 : vector<16xf32> to vector<16xf32>
    tpu.vector_store %arg10[%swap3A_233], %swap3A_236 {strides = array<i32>} : memref<1024xf32, #tpu.memory_space<vmem>>, vector<16xf32>,
    %broadcast_in_dim3A_237 = arith.constant 0.000000e+00 : f32
    %broadcast_in_dim3A_238 = vector.broadcast %broadcast_in_dim3A_237 : f32 to vector<16xf32>
    %swap3A_239 = arith.constant 400 : index
    %swap3A_240 = tpu.vector_load %arg10[%swap3A_239] {strides = array<i32>} : memref<1024xf32, #tpu.memory_space<vmem>>, vector<16xf32>,
    %swap3A_241 = vector.shape_cast %swap3A_240 : vector<16xf32> to vector<16xf32>
    %swap3A_242 = vector.shape_cast %broadcast_in_dim3A_238 : vector<16xf32> to vector<16xf32>
    tpu.vector_store %arg10[%swap3A_239], %swap3A_242 {strides = array<i32>} : memref<1024xf32, #tpu.memory_space<vmem>>, vector<16xf32>,
    %broadcast_in_dim3A_243 = arith.constant 0.000000e+00 : f32
    %broadcast_in_dim3A_244 = vector.broadcast %broadcast_in_dim3A_243 : f32 to vector<16xf32>
    %swap3A_245 = arith.constant 416 : index
    %swap3A_246 = tpu.vector_load %arg10[%swap3A_245] {strides = array<i32>} : memref<1024xf32, #tpu.memory_space<vmem>>, vector<16xf32>,
    %swap3A_247 = vector.shape_cast %swap3A_246 : vector<16xf32> to vector<16xf32>
    %swap3A_248 = vector.shape_cast %broadcast_in_dim3A_244 : vector<16xf32> to vector<16xf32>
    tpu.vector_store %arg10[%swap3A_245], %swap3A_248 {strides = array<i32>} : memref<1024xf32, #tpu.memory_space<vmem>>, vector<16xf32>,
    %broadcast_in_dim3A_249 = arith.constant 0.000000e+00 : f32
    %broadcast_in_dim3A_250 = vector.broadcast %broadcast_in_dim3A_249 : f32 to vector<16xf32>
    %swap3A_251 = arith.constant 432 : index
    %swap3A_252 = tpu.vector_load %arg10[%swap3A_251] {strides = array<i32>} : memref<1024xf32, #tpu.memory_space<vmem>>, vector<16xf32>,
    %swap3A_253 = vector.shape_cast %swap3A_252 : vector<16xf32> to vector<16xf32>
    %swap3A_254 = vector.shape_cast %broadcast_in_dim3A_250 : vector<16xf32> to vector<16xf32>
    tpu.vector_store %arg10[%swap3A_251], %swap3A_254 {strides = array<i32>} : memref<1024xf32, #tpu.memory_space<vmem>>, vector<16xf32>,
    %broadcast_in_dim3A_255 = arith.constant 0.000000e+00 : f32
    %broadcast_in_dim3A_256 = vector.broadcast %broadcast_in_dim3A_255 : f32 to vector<16xf32>
    %swap3A_257 = arith.constant 448 : index
    %swap3A_258 = tpu.vector_load %arg10[%swap3A_257] {strides = array<i32>} : memref<1024xf32, #tpu.memory_space<vmem>>, vector<16xf32>,
    %swap3A_259 = vector.shape_cast %swap3A_258 : vector<16xf32> to vector<16xf32>
    %swap3A_260 = vector.shape_cast %broadcast_in_dim3A_256 : vector<16xf32> to vector<16xf32>
    tpu.vector_store %arg10[%swap3A_257], %swap3A_260 {strides = array<i32>} : memref<1024xf32, #tpu.memory_space<vmem>>, vector<16xf32>,
    %broadcast_in_dim3A_261 = arith.constant 0.000000e+00 : f32
    %broadcast_in_dim3A_262 = vector.broadcast %broadcast_in_dim3A_261 : f32 to vector<16xf32>
    %swap3A_263 = arith.constant 464 : index
    %swap3A_264 = tpu.vector_load %arg10[%swap3A_263] {strides = array<i32>} : memref<1024xf32, #tpu.memory_space<vmem>>, vector<16xf32>,
    %swap3A_265 = vector.shape_cast %swap3A_264 : vector<16xf32> to vector<16xf32>
    %swap3A_266 = vector.shape_cast %broadcast_in_dim3A_262 : vector<16xf32> to vector<16xf32>
    tpu.vector_store %arg10[%swap3A_263], %swap3A_266 {strides = array<i32>} : memref<1024xf32, #tpu.memory_space<vmem>>, vector<16xf32>,
    %broadcast_in_dim3A_267 = arith.constant 0.000000e+00 : f32
    %broadcast_in_dim3A_268 = vector.broadcast %broadcast_in_dim3A_267 : f32 to vector<16xf32>
    %swap3A_269 = arith.constant 480 : index
    %swap3A_270 = tpu.vector_load %arg10[%swap3A_269] {strides = array<i32>} : memref<1024xf32, #tpu.memory_space<vmem>>, vector<16xf32>,
    %swap3A_271 = vector.shape_cast %swap3A_270 : vector<16xf32> to vector<16xf32>
    %swap3A_272 = vector.shape_cast %broadcast_in_dim3A_268 : vector<16xf32> to vector<16xf32>
    tpu.vector_store %arg10[%swap3A_269], %swap3A_272 {strides = array<i32>} : memref<1024xf32, #tpu.memory_space<vmem>>, vector<16xf32>,
    %broadcast_in_dim3A_273 = arith.constant 0.000000e+00 : f32
    %broadcast_in_dim3A_274 = vector.broadcast %broadcast_in_dim3A_273 : f32 to vector<16xf32>
    %swap3A_275 = arith.constant 496 : index
    %swap3A_276 = tpu.vector_load %arg10[%swap3A_275] {strides = array<i32>} : memref<1024xf32, #tpu.memory_space<vmem>>, vector<16xf32>,
    %swap3A_277 = vector.shape_cast %swap3A_276 : vector<16xf32> to vector<16xf32>
    %swap3A_278 = vector.shape_cast %broadcast_in_dim3A_274 : vector<16xf32> to vector<16xf32>
    tpu.vector_store %arg10[%swap3A_275], %swap3A_278 {strides = array<i32>} : memref<1024xf32, #tpu.memory_space<vmem>>, vector<16xf32>,
    %broadcast_in_dim3A_279 = arith.constant 0.000000e+00 : f32
    %broadcast_in_dim3A_280 = vector.broadcast %broadcast_in_dim3A_279 : f32 to vector<16xf32>
    %swap3A_281 = arith.constant 512 : index
    %swap3A_282 = tpu.vector_load %arg10[%swap3A_281] {strides = array<i32>} : memref<1024xf32, #tpu.memory_space<vmem>>, vector<16xf32>,
    %swap3A_283 = vector.shape_cast %swap3A_282 : vector<16xf32> to vector<16xf32>
    %swap3A_284 = vector.shape_cast %broadcast_in_dim3A_280 : vector<16xf32> to vector<16xf32>
    tpu.vector_store %arg10[%swap3A_281], %swap3A_284 {strides = array<i32>} : memref<1024xf32, #tpu.memory_space<vmem>>, vector<16xf32>,
    %broadcast_in_dim3A_285 = arith.constant 0.000000e+00 : f32
    %broadcast_in_dim3A_286 = vector.broadcast %broadcast_in_dim3A_285 : f32 to vector<16xf32>
    %swap3A_287 = arith.constant 528 : index
    %swap3A_288 = tpu.vector_load %arg10[%swap3A_287] {strides = array<i32>} : memref<1024xf32, #tpu.memory_space<vmem>>, vector<16xf32>,
    %swap3A_289 = vector.shape_cast %swap3A_288 : vector<16xf32> to vector<16xf32>
    %swap3A_290 = vector.shape_cast %broadcast_in_dim3A_286 : vector<16xf32> to vector<16xf32>
    tpu.vector_store %arg10[%swap3A_287], %swap3A_290 {strides = array<i32>} : memref<1024xf32, #tpu.memory_space<vmem>>, vector<16xf32>,
    %broadcast_in_dim3A_291 = arith.constant 0.000000e+00 : f32
    %broadcast_in_dim3A_292 = vector.broadcast %broadcast_in_dim3A_291 : f32 to vector<16xf32>
    %swap3A_293 = arith.constant 544 : index
    %swap3A_294 = tpu.vector_load %arg10[%swap3A_293] {strides = array<i32>} : memref<1024xf32, #tpu.memory_space<vmem>>, vector<16xf32>,
    %swap3A_295 = vector.shape_cast %swap3A_294 : vector<16xf32> to vector<16xf32>
    %swap3A_296 = vector.shape_cast %broadcast_in_dim3A_292 : vector<16xf32> to vector<16xf32>
    tpu.vector_store %arg10[%swap3A_293], %swap3A_296 {strides = array<i32>} : memref<1024xf32, #tpu.memory_space<vmem>>, vector<16xf32>,
    %broadcast_in_dim3A_297 = arith.constant 0.000000e+00 : f32
    %broadcast_in_dim3A_298 = vector.broadcast %broadcast_in_dim3A_297 : f32 to vector<16xf32>
    %swap3A_299 = arith.constant 560 : index
    %swap3A_300 = tpu.vector_load %arg10[%swap3A_299] {strides = array<i32>} : memref<1024xf32, #tpu.memory_space<vmem>>, vector<16xf32>,
    %swap3A_301 = vector.shape_cast %swap3A_300 : vector<16xf32> to vector<16xf32>
    %swap3A_302 = vector.shape_cast %broadcast_in_dim3A_298 : vector<16xf32> to vector<16xf32>
    tpu.vector_store %arg10[%swap3A_299], %swap3A_302 {strides = array<i32>} : memref<1024xf32, #tpu.memory_space<vmem>>, vector<16xf32>,
    %broadcast_in_dim3A_303 = arith.constant 0.000000e+00 : f32
    %broadcast_in_dim3A_304 = vector.broadcast %broadcast_in_dim3A_303 : f32 to vector<16xf32>
    %swap3A_305 = arith.constant 576 : index
    %swap3A_306 = tpu.vector_load %arg10[%swap3A_305] {strides = array<i32>} : memref<1024xf32, #tpu.memory_space<vmem>>, vector<16xf32>,
    %swap3A_307 = vector.shape_cast %swap3A_306 : vector<16xf32> to vector<16xf32>
    %swap3A_308 = vector.shape_cast %broadcast_in_dim3A_304 : vector<16xf32> to vector<16xf32>
    tpu.vector_store %arg10[%swap3A_305], %swap3A_308 {strides = array<i32>} : memref<1024xf32, #tpu.memory_space<vmem>>, vector<16xf32>,
    %broadcast_in_dim3A_309 = arith.constant 0.000000e+00 : f32
    %broadcast_in_dim3A_310 = vector.broadcast %broadcast_in_dim3A_309 : f32 to vector<16xf32>
    %swap3A_311 = arith.constant 592 : index
    %swap3A_312 = tpu.vector_load %arg10[%swap3A_311] {strides = array<i32>} : memref<1024xf32, #tpu.memory_space<vmem>>, vector<16xf32>,
    %swap3A_313 = vector.shape_cast %swap3A_312 : vector<16xf32> to vector<16xf32>
    %swap3A_314 = vector.shape_cast %broadcast_in_dim3A_310 : vector<16xf32> to vector<16xf32>
    tpu.vector_store %arg10[%swap3A_311], %swap3A_314 {strides = array<i32>} : memref<1024xf32, #tpu.memory_space<vmem>>, vector<16xf32>,
    %broadcast_in_dim3A_315 = arith.constant 0.000000e+00 : f32
    %broadcast_in_dim3A_316 = vector.broadcast %broadcast_in_dim3A_315 : f32 to vector<16xf32>
    %swap3A_317 = arith.constant 608 : index
    %swap3A_318 = tpu.vector_load %arg10[%swap3A_317] {strides = array<i32>} : memref<1024xf32, #tpu.memory_space<vmem>>, vector<16xf32>,
    %swap3A_319 = vector.shape_cast %swap3A_318 : vector<16xf32> to vector<16xf32>
    %swap3A_320 = vector.shape_cast %broadcast_in_dim3A_316 : vector<16xf32> to vector<16xf32>
    tpu.vector_store %arg10[%swap3A_317], %swap3A_320 {strides = array<i32>} : memref<1024xf32, #tpu.memory_space<vmem>>, vector<16xf32>,
    %broadcast_in_dim3A_321 = arith.constant 0.000000e+00 : f32
    %broadcast_in_dim3A_322 = vector.broadcast %broadcast_in_dim3A_321 : f32 to vector<16xf32>
    %swap3A_323 = arith.constant 624 : index
    %swap3A_324 = tpu.vector_load %arg10[%swap3A_323] {strides = array<i32>} : memref<1024xf32, #tpu.memory_space<vmem>>, vector<16xf32>,
    %swap3A_325 = vector.shape_cast %swap3A_324 : vector<16xf32> to vector<16xf32>
    %swap3A_326 = vector.shape_cast %broadcast_in_dim3A_322 : vector<16xf32> to vector<16xf32>
    tpu.vector_store %arg10[%swap3A_323], %swap3A_326 {strides = array<i32>} : memref<1024xf32, #tpu.memory_space<vmem>>, vector<16xf32>,
    %broadcast_in_dim3A_327 = arith.constant 0.000000e+00 : f32
    %broadcast_in_dim3A_328 = vector.broadcast %broadcast_in_dim3A_327 : f32 to vector<16xf32>
    %swap3A_329 = arith.constant 640 : index
    %swap3A_330 = tpu.vector_load %arg10[%swap3A_329] {strides = array<i32>} : memref<1024xf32, #tpu.memory_space<vmem>>, vector<16xf32>,
    %swap3A_331 = vector.shape_cast %swap3A_330 : vector<16xf32> to vector<16xf32>
    %swap3A_332 = vector.shape_cast %broadcast_in_dim3A_328 : vector<16xf32> to vector<16xf32>
    tpu.vector_store %arg10[%swap3A_329], %swap3A_332 {strides = array<i32>} : memref<1024xf32, #tpu.memory_space<vmem>>, vector<16xf32>,
    %broadcast_in_dim3A_333 = arith.constant 0.000000e+00 : f32
    %broadcast_in_dim3A_334 = vector.broadcast %broadcast_in_dim3A_333 : f32 to vector<16xf32>
    %swap3A_335 = arith.constant 656 : index
    %swap3A_336 = tpu.vector_load %arg10[%swap3A_335] {strides = array<i32>} : memref<1024xf32, #tpu.memory_space<vmem>>, vector<16xf32>,
    %swap3A_337 = vector.shape_cast %swap3A_336 : vector<16xf32> to vector<16xf32>
    %swap3A_338 = vector.shape_cast %broadcast_in_dim3A_334 : vector<16xf32> to vector<16xf32>
    tpu.vector_store %arg10[%swap3A_335], %swap3A_338 {strides = array<i32>} : memref<1024xf32, #tpu.memory_space<vmem>>, vector<16xf32>,
    %broadcast_in_dim3A_339 = arith.constant 0.000000e+00 : f32
    %broadcast_in_dim3A_340 = vector.broadcast %broadcast_in_dim3A_339 : f32 to vector<16xf32>
    %swap3A_341 = arith.constant 672 : index
    %swap3A_342 = tpu.vector_load %arg10[%swap3A_341] {strides = array<i32>} : memref<1024xf32, #tpu.memory_space<vmem>>, vector<16xf32>,
    %swap3A_343 = vector.shape_cast %swap3A_342 : vector<16xf32> to vector<16xf32>
    %swap3A_344 = vector.shape_cast %broadcast_in_dim3A_340 : vector<16xf32> to vector<16xf32>
    tpu.vector_store %arg10[%swap3A_341], %swap3A_344 {strides = array<i32>} : memref<1024xf32, #tpu.memory_space<vmem>>, vector<16xf32>,
    %broadcast_in_dim3A_345 = arith.constant 0.000000e+00 : f32
    %broadcast_in_dim3A_346 = vector.broadcast %broadcast_in_dim3A_345 : f32 to vector<16xf32>
    %swap3A_347 = arith.constant 688 : index
    %swap3A_348 = tpu.vector_load %arg10[%swap3A_347] {strides = array<i32>} : memref<1024xf32, #tpu.memory_space<vmem>>, vector<16xf32>,
    %swap3A_349 = vector.shape_cast %swap3A_348 : vector<16xf32> to vector<16xf32>
    %swap3A_350 = vector.shape_cast %broadcast_in_dim3A_346 : vector<16xf32> to vector<16xf32>
    tpu.vector_store %arg10[%swap3A_347], %swap3A_350 {strides = array<i32>} : memref<1024xf32, #tpu.memory_space<vmem>>, vector<16xf32>,
    %broadcast_in_dim3A_351 = arith.constant 0.000000e+00 : f32
    %broadcast_in_dim3A_352 = vector.broadcast %broadcast_in_dim3A_351 : f32 to vector<16xf32>
    %swap3A_353 = arith.constant 704 : index
    %swap3A_354 = tpu.vector_load %arg10[%swap3A_353] {strides = array<i32>} : memref<1024xf32, #tpu.memory_space<vmem>>, vector<16xf32>,
    %swap3A_355 = vector.shape_cast %swap3A_354 : vector<16xf32> to vector<16xf32>
    %swap3A_356 = vector.shape_cast %broadcast_in_dim3A_352 : vector<16xf32> to vector<16xf32>
    tpu.vector_store %arg10[%swap3A_353], %swap3A_356 {strides = array<i32>} : memref<1024xf32, #tpu.memory_space<vmem>>, vector<16xf32>,
    %broadcast_in_dim3A_357 = arith.constant 0.000000e+00 : f32
    %broadcast_in_dim3A_358 = vector.broadcast %broadcast_in_dim3A_357 : f32 to vector<16xf32>
    %swap3A_359 = arith.constant 720 : index
    %swap3A_360 = tpu.vector_load %arg10[%swap3A_359] {strides = array<i32>} : memref<1024xf32, #tpu.memory_space<vmem>>, vector<16xf32>,
    %swap3A_361 = vector.shape_cast %swap3A_360 : vector<16xf32> to vector<16xf32>
    %swap3A_362 = vector.shape_cast %broadcast_in_dim3A_358 : vector<16xf32> to vector<16xf32>
    tpu.vector_store %arg10[%swap3A_359], %swap3A_362 {strides = array<i32>} : memref<1024xf32, #tpu.memory_space<vmem>>, vector<16xf32>,
    %broadcast_in_dim3A_363 = arith.constant 0.000000e+00 : f32
    %broadcast_in_dim3A_364 = vector.broadcast %broadcast_in_dim3A_363 : f32 to vector<16xf32>
    %swap3A_365 = arith.constant 736 : index
    %swap3A_366 = tpu.vector_load %arg10[%swap3A_365] {strides = array<i32>} : memref<1024xf32, #tpu.memory_space<vmem>>, vector<16xf32>,
    %swap3A_367 = vector.shape_cast %swap3A_366 : vector<16xf32> to vector<16xf32>
    %swap3A_368 = vector.shape_cast %broadcast_in_dim3A_364 : vector<16xf32> to vector<16xf32>
    tpu.vector_store %arg10[%swap3A_365], %swap3A_368 {strides = array<i32>} : memref<1024xf32, #tpu.memory_space<vmem>>, vector<16xf32>,
    %broadcast_in_dim3A_369 = arith.constant 0.000000e+00 : f32
    %broadcast_in_dim3A_370 = vector.broadcast %broadcast_in_dim3A_369 : f32 to vector<16xf32>
    %swap3A_371 = arith.constant 752 : index
    %swap3A_372 = tpu.vector_load %arg10[%swap3A_371] {strides = array<i32>} : memref<1024xf32, #tpu.memory_space<vmem>>, vector<16xf32>,
    %swap3A_373 = vector.shape_cast %swap3A_372 : vector<16xf32> to vector<16xf32>
    %swap3A_374 = vector.shape_cast %broadcast_in_dim3A_370 : vector<16xf32> to vector<16xf32>
    tpu.vector_store %arg10[%swap3A_371], %swap3A_374 {strides = array<i32>} : memref<1024xf32, #tpu.memory_space<vmem>>, vector<16xf32>,
    %broadcast_in_dim3A_375 = arith.constant 0.000000e+00 : f32
    %broadcast_in_dim3A_376 = vector.broadcast %broadcast_in_dim3A_375 : f32 to vector<16xf32>
    %swap3A_377 = arith.constant 768 : index
    %swap3A_378 = tpu.vector_load %arg10[%swap3A_377] {strides = array<i32>} : memref<1024xf32, #tpu.memory_space<vmem>>, vector<16xf32>,
    %swap3A_379 = vector.shape_cast %swap3A_378 : vector<16xf32> to vector<16xf32>
    %swap3A_380 = vector.shape_cast %broadcast_in_dim3A_376 : vector<16xf32> to vector<16xf32>
    tpu.vector_store %arg10[%swap3A_377], %swap3A_380 {strides = array<i32>} : memref<1024xf32, #tpu.memory_space<vmem>>, vector<16xf32>,
    %broadcast_in_dim3A_381 = arith.constant 0.000000e+00 : f32
    %broadcast_in_dim3A_382 = vector.broadcast %broadcast_in_dim3A_381 : f32 to vector<16xf32>
    %swap3A_383 = arith.constant 784 : index
    %swap3A_384 = tpu.vector_load %arg10[%swap3A_383] {strides = array<i32>} : memref<1024xf32, #tpu.memory_space<vmem>>, vector<16xf32>,
    %swap3A_385 = vector.shape_cast %swap3A_384 : vector<16xf32> to vector<16xf32>
    %swap3A_386 = vector.shape_cast %broadcast_in_dim3A_382 : vector<16xf32> to vector<16xf32>
    tpu.vector_store %arg10[%swap3A_383], %swap3A_386 {strides = array<i32>} : memref<1024xf32, #tpu.memory_space<vmem>>, vector<16xf32>,
    %broadcast_in_dim3A_387 = arith.constant 0.000000e+00 : f32
    %broadcast_in_dim3A_388 = vector.broadcast %broadcast_in_dim3A_387 : f32 to vector<16xf32>
    %swap3A_389 = arith.constant 800 : index
    %swap3A_390 = tpu.vector_load %arg10[%swap3A_389] {strides = array<i32>} : memref<1024xf32, #tpu.memory_space<vmem>>, vector<16xf32>,
    %swap3A_391 = vector.shape_cast %swap3A_390 : vector<16xf32> to vector<16xf32>
    %swap3A_392 = vector.shape_cast %broadcast_in_dim3A_388 : vector<16xf32> to vector<16xf32>
    tpu.vector_store %arg10[%swap3A_389], %swap3A_392 {strides = array<i32>} : memref<1024xf32, #tpu.memory_space<vmem>>, vector<16xf32>,
    %broadcast_in_dim3A_393 = arith.constant 0.000000e+00 : f32
    %broadcast_in_dim3A_394 = vector.broadcast %broadcast_in_dim3A_393 : f32 to vector<16xf32>
    %swap3A_395 = arith.constant 816 : index
    %swap3A_396 = tpu.vector_load %arg10[%swap3A_395] {strides = array<i32>} : memref<1024xf32, #tpu.memory_space<vmem>>, vector<16xf32>,
    %swap3A_397 = vector.shape_cast %swap3A_396 : vector<16xf32> to vector<16xf32>
    %swap3A_398 = vector.shape_cast %broadcast_in_dim3A_394 : vector<16xf32> to vector<16xf32>
    tpu.vector_store %arg10[%swap3A_395], %swap3A_398 {strides = array<i32>} : memref<1024xf32, #tpu.memory_space<vmem>>, vector<16xf32>,
    %broadcast_in_dim3A_399 = arith.constant 0.000000e+00 : f32
    %broadcast_in_dim3A_400 = vector.broadcast %broadcast_in_dim3A_399 : f32 to vector<16xf32>
    %swap3A_401 = arith.constant 832 : index
    %swap3A_402 = tpu.vector_load %arg10[%swap3A_401] {strides = array<i32>} : memref<1024xf32, #tpu.memory_space<vmem>>, vector<16xf32>,
    %swap3A_403 = vector.shape_cast %swap3A_402 : vector<16xf32> to vector<16xf32>
    %swap3A_404 = vector.shape_cast %broadcast_in_dim3A_400 : vector<16xf32> to vector<16xf32>
    tpu.vector_store %arg10[%swap3A_401], %swap3A_404 {strides = array<i32>} : memref<1024xf32, #tpu.memory_space<vmem>>, vector<16xf32>,
    %broadcast_in_dim3A_405 = arith.constant 0.000000e+00 : f32
    %broadcast_in_dim3A_406 = vector.broadcast %broadcast_in_dim3A_405 : f32 to vector<16xf32>
    %swap3A_407 = arith.constant 848 : index
    %swap3A_408 = tpu.vector_load %arg10[%swap3A_407] {strides = array<i32>} : memref<1024xf32, #tpu.memory_space<vmem>>, vector<16xf32>,
    %swap3A_409 = vector.shape_cast %swap3A_408 : vector<16xf32> to vector<16xf32>
    %swap3A_410 = vector.shape_cast %broadcast_in_dim3A_406 : vector<16xf32> to vector<16xf32>
    tpu.vector_store %arg10[%swap3A_407], %swap3A_410 {strides = array<i32>} : memref<1024xf32, #tpu.memory_space<vmem>>, vector<16xf32>,
    %broadcast_in_dim3A_411 = arith.constant 0.000000e+00 : f32
    %broadcast_in_dim3A_412 = vector.broadcast %broadcast_in_dim3A_411 : f32 to vector<16xf32>
    %swap3A_413 = arith.constant 864 : index
    %swap3A_414 = tpu.vector_load %arg10[%swap3A_413] {strides = array<i32>} : memref<1024xf32, #tpu.memory_space<vmem>>, vector<16xf32>,
    %swap3A_415 = vector.shape_cast %swap3A_414 : vector<16xf32> to vector<16xf32>
    %swap3A_416 = vector.shape_cast %broadcast_in_dim3A_412 : vector<16xf32> to vector<16xf32>
    tpu.vector_store %arg10[%swap3A_413], %swap3A_416 {strides = array<i32>} : memref<1024xf32, #tpu.memory_space<vmem>>, vector<16xf32>,
    %broadcast_in_dim3A_417 = arith.constant 0.000000e+00 : f32
    %broadcast_in_dim3A_418 = vector.broadcast %broadcast_in_dim3A_417 : f32 to vector<16xf32>
    %swap3A_419 = arith.constant 880 : index
    %swap3A_420 = tpu.vector_load %arg10[%swap3A_419] {strides = array<i32>} : memref<1024xf32, #tpu.memory_space<vmem>>, vector<16xf32>,
    %swap3A_421 = vector.shape_cast %swap3A_420 : vector<16xf32> to vector<16xf32>
    %swap3A_422 = vector.shape_cast %broadcast_in_dim3A_418 : vector<16xf32> to vector<16xf32>
    tpu.vector_store %arg10[%swap3A_419], %swap3A_422 {strides = array<i32>} : memref<1024xf32, #tpu.memory_space<vmem>>, vector<16xf32>,
    %broadcast_in_dim3A_423 = arith.constant 0.000000e+00 : f32
    %broadcast_in_dim3A_424 = vector.broadcast %broadcast_in_dim3A_423 : f32 to vector<16xf32>
    %swap3A_425 = arith.constant 896 : index
    %swap3A_426 = tpu.vector_load %arg10[%swap3A_425] {strides = array<i32>} : memref<1024xf32, #tpu.memory_space<vmem>>, vector<16xf32>,
    %swap3A_427 = vector.shape_cast %swap3A_426 : vector<16xf32> to vector<16xf32>
    %swap3A_428 = vector.shape_cast %broadcast_in_dim3A_424 : vector<16xf32> to vector<16xf32>
    tpu.vector_store %arg10[%swap3A_425], %swap3A_428 {strides = array<i32>} : memref<1024xf32, #tpu.memory_space<vmem>>, vector<16xf32>,
    %broadcast_in_dim3A_429 = arith.constant 0.000000e+00 : f32
    %broadcast_in_dim3A_430 = vector.broadcast %broadcast_in_dim3A_429 : f32 to vector<16xf32>
    %swap3A_431 = arith.constant 912 : index
    %swap3A_432 = tpu.vector_load %arg10[%swap3A_431] {strides = array<i32>} : memref<1024xf32, #tpu.memory_space<vmem>>, vector<16xf32>,
    %swap3A_433 = vector.shape_cast %swap3A_432 : vector<16xf32> to vector<16xf32>
    %swap3A_434 = vector.shape_cast %broadcast_in_dim3A_430 : vector<16xf32> to vector<16xf32>
    tpu.vector_store %arg10[%swap3A_431], %swap3A_434 {strides = array<i32>} : memref<1024xf32, #tpu.memory_space<vmem>>, vector<16xf32>,
    %broadcast_in_dim3A_435 = arith.constant 0.000000e+00 : f32
    %broadcast_in_dim3A_436 = vector.broadcast %broadcast_in_dim3A_435 : f32 to vector<16xf32>
    %swap3A_437 = arith.constant 928 : index
    %swap3A_438 = tpu.vector_load %arg10[%swap3A_437] {strides = array<i32>} : memref<1024xf32, #tpu.memory_space<vmem>>, vector<16xf32>,
    %swap3A_439 = vector.shape_cast %swap3A_438 : vector<16xf32> to vector<16xf32>
    %swap3A_440 = vector.shape_cast %broadcast_in_dim3A_436 : vector<16xf32> to vector<16xf32>
    tpu.vector_store %arg10[%swap3A_437], %swap3A_440 {strides = array<i32>} : memref<1024xf32, #tpu.memory_space<vmem>>, vector<16xf32>,
    %broadcast_in_dim3A_441 = arith.constant 0.000000e+00 : f32
    %broadcast_in_dim3A_442 = vector.broadcast %broadcast_in_dim3A_441 : f32 to vector<16xf32>
    %swap3A_443 = arith.constant 944 : index
    %swap3A_444 = tpu.vector_load %arg10[%swap3A_443] {strides = array<i32>} : memref<1024xf32, #tpu.memory_space<vmem>>, vector<16xf32>,
    %swap3A_445 = vector.shape_cast %swap3A_444 : vector<16xf32> to vector<16xf32>
    %swap3A_446 = vector.shape_cast %broadcast_in_dim3A_442 : vector<16xf32> to vector<16xf32>
    tpu.vector_store %arg10[%swap3A_443], %swap3A_446 {strides = array<i32>} : memref<1024xf32, #tpu.memory_space<vmem>>, vector<16xf32>,
    %broadcast_in_dim3A_447 = arith.constant 0.000000e+00 : f32
    %broadcast_in_dim3A_448 = vector.broadcast %broadcast_in_dim3A_447 : f32 to vector<16xf32>
    %swap3A_449 = arith.constant 960 : index
    %swap3A_450 = tpu.vector_load %arg10[%swap3A_449] {strides = array<i32>} : memref<1024xf32, #tpu.memory_space<vmem>>, vector<16xf32>,
    %swap3A_451 = vector.shape_cast %swap3A_450 : vector<16xf32> to vector<16xf32>
    %swap3A_452 = vector.shape_cast %broadcast_in_dim3A_448 : vector<16xf32> to vector<16xf32>
    tpu.vector_store %arg10[%swap3A_449], %swap3A_452 {strides = array<i32>} : memref<1024xf32, #tpu.memory_space<vmem>>, vector<16xf32>,
    %broadcast_in_dim3A_453 = arith.constant 0.000000e+00 : f32
    %broadcast_in_dim3A_454 = vector.broadcast %broadcast_in_dim3A_453 : f32 to vector<16xf32>
    %swap3A_455 = arith.constant 976 : index
    %swap3A_456 = tpu.vector_load %arg10[%swap3A_455] {strides = array<i32>} : memref<1024xf32, #tpu.memory_space<vmem>>, vector<16xf32>,
    %swap3A_457 = vector.shape_cast %swap3A_456 : vector<16xf32> to vector<16xf32>
    %swap3A_458 = vector.shape_cast %broadcast_in_dim3A_454 : vector<16xf32> to vector<16xf32>
    tpu.vector_store %arg10[%swap3A_455], %swap3A_458 {strides = array<i32>} : memref<1024xf32, #tpu.memory_space<vmem>>, vector<16xf32>,
    %broadcast_in_dim3A_459 = arith.constant 0.000000e+00 : f32
    %broadcast_in_dim3A_460 = vector.broadcast %broadcast_in_dim3A_459 : f32 to vector<16xf32>
    %swap3A_461 = arith.constant 992 : index
    %swap3A_462 = tpu.vector_load %arg10[%swap3A_461] {strides = array<i32>} : memref<1024xf32, #tpu.memory_space<vmem>>, vector<16xf32>,
    %swap3A_463 = vector.shape_cast %swap3A_462 : vector<16xf32> to vector<16xf32>
    %swap3A_464 = vector.shape_cast %broadcast_in_dim3A_460 : vector<16xf32> to vector<16xf32>
    tpu.vector_store %arg10[%swap3A_461], %swap3A_464 {strides = array<i32>} : memref<1024xf32, #tpu.memory_space<vmem>>, vector<16xf32>,
    %broadcast_in_dim3A_465 = arith.constant 0.000000e+00 : f32
    %broadcast_in_dim3A_466 = vector.broadcast %broadcast_in_dim3A_465 : f32 to vector<16xf32>
    %swap3A_467 = arith.constant 1008 : index
    %swap3A_468 = tpu.vector_load %arg10[%swap3A_467] {strides = array<i32>} : memref<1024xf32, #tpu.memory_space<vmem>>, vector<16xf32>,
    %swap3A_469 = vector.shape_cast %swap3A_468 : vector<16xf32> to vector<16xf32>
    %swap3A_470 = vector.shape_cast %broadcast_in_dim3A_466 : vector<16xf32> to vector<16xf32>
    tpu.vector_store %arg10[%swap3A_467], %swap3A_470 {strides = array<i32>} : memref<1024xf32, #tpu.memory_space<vmem>>, vector<16xf32>,
    %mul3A_471 = arith.constant 1024 : i32
    %mul3A_472 = arith.muli %arg1, %mul3A_471 : i32
    "tpu.region"() ({
      %run_scoped3A_549 = tpu.sem_alloc : memref<!tpu.dma_semaphore, #tpu.memory_space<semaphore_mem>>
      %dma_start3A_550 = tpu.memref_slice %arg11[%mul3A_472] : memref<16384xf32, #tpu.memory_space<vmem_shared>> -> memref<1024xf32, #tpu.memory_space<vmem_shared>>
      %dma_start3A_551 = tpu.memref_slice %arg11[%mul3A_472] : memref<16384xf32, #tpu.memory_space<vmem_shared>> -> memref<1024xf32, #tpu.memory_space<vmem_shared>>
      tpu.enqueue_dma source(%arg10 : memref<1024xf32, #tpu.memory_space<vmem>>) target(%dma_start3A_551 : memref<1024xf32, #tpu.memory_space<vmem_shared>>) target_semaphore(%run_scoped3A_549 : memref<!tpu.dma_semaphore, #tpu.memory_space<semaphore_mem>>)
      %dma_wait3A_552 = tpu.memref_slice %arg11[%mul3A_472] : memref<16384xf32, #tpu.memory_space<vmem_shared>> -> memref<1024xf32, #tpu.memory_space<vmem_shared>>
      %dma_wait3A_553 = tpu.memref_slice %arg11[%mul3A_472] : memref<16384xf32, #tpu.memory_space<vmem_shared>> -> memref<1024xf32, #tpu.memory_space<vmem_shared>>
      tpu.wait_dma2 semaphore(%run_scoped3A_549 : memref<!tpu.dma_semaphore, #tpu.memory_space<semaphore_mem>>) src(%arg10 : memref<1024xf32, #tpu.memory_space<vmem>>) dst(%dma_wait3A_553 : memref<1024xf32, #tpu.memory_space<vmem_shared>>)
      tpu.yield
    }) : () -> ()
    %barrier3A = arith.constant 0 : index
    tpu.barrier barrier_id(%barrier3A)
    %run_scoped3A_473 = arith.constant 0 : i32
    %run_scoped3A_474 = arith.constant 0 : i32
    "tpu.region"() ({
      %run_scoped3A_549 = tpu.sem_alloc : memref<!tpu.dma_semaphore, #tpu.memory_space<semaphore_mem>>
      %dma_start3A_550 = arith.constant 0 : i32
      %dma_start3A_551 = tpu.memref_slice %arg9[%run_scoped3A_473, %dma_start3A_550] : memref<8x64xf32, #tpu.memory_space<vmem>> -> memref<1x64xf32, #tpu.memory_space<vmem>>
      %dma_start3A_552 = tpu.memref_squeeze %dma_start3A_551 : memref<1x64xf32, #tpu.memory_space<vmem>> -> memref<64xf32, #tpu.memory_space<vmem>>
      %dma_start3A_553 = arith.constant 0 : i32
      %dma_start3A_554 = tpu.memref_slice %arg8[%run_scoped3A_474, %dma_start3A_553] : memref<8x64xi32, #tpu.memory_space<vmem>> -> memref<1x64xi32, #tpu.memory_space<vmem>>
      %dma_start3A_555 = tpu.memref_squeeze %dma_start3A_554 : memref<1x64xi32, #tpu.memory_space<vmem>> -> memref<64xi32, #tpu.memory_space<vmem>>
      %dma_start3A_556 = arith.constant 0 : i32
      %dma_start3A_557 = tpu.memref_slice %arg11[%dma_start3A_556] : memref<16384xf32, #tpu.memory_space<vmem_shared>> -> memref<16384xf32, #tpu.memory_space<vmem_shared>>
      tpu.enqueue_indirect_dma source(%dma_start3A_552 : memref<64xf32, #tpu.memory_space<vmem>>) target(%dma_start3A_557 : memref<16384xf32, #tpu.memory_space<vmem_shared>>) offsets(%dma_start3A_555 : memref<64xi32, #tpu.memory_space<vmem>>) semaphore(%run_scoped3A_549 : memref<!tpu.dma_semaphore, #tpu.memory_space<semaphore_mem>>)
      %dma_wait3A_558 = arith.constant 0 : i32
      %dma_wait3A_559 = tpu.memref_slice %arg9[%run_scoped3A_473, %dma_wait3A_558] : memref<8x64xf32, #tpu.memory_space<vmem>> -> memref<1x64xf32, #tpu.memory_space<vmem>>
      %dma_wait3A_560 = tpu.memref_squeeze %dma_wait3A_559 : memref<1x64xf32, #tpu.memory_space<vmem>> -> memref<64xf32, #tpu.memory_space<vmem>>
      %dma_wait3A_561 = arith.constant 0 : i32
      %dma_wait3A_562 = tpu.memref_slice %arg8[%run_scoped3A_474, %dma_wait3A_561] : memref<8x64xi32, #tpu.memory_space<vmem>> -> memref<1x64xi32, #tpu.memory_space<vmem>>
      %dma_wait3A_563 = tpu.memref_squeeze %dma_wait3A_562 : memref<1x64xi32, #tpu.memory_space<vmem>> -> memref<64xi32, #tpu.memory_space<vmem>>
      %dma_wait3A_564 = arith.constant 0 : i32
      %dma_wait3A_565 = tpu.memref_slice %arg11[%dma_wait3A_564] : memref<16384xf32, #tpu.memory_space<vmem_shared>> -> memref<16384xf32, #tpu.memory_space<vmem_shared>>
      tpu.wait_indirect_dma semaphore(%run_scoped3A_549 : memref<!tpu.dma_semaphore, #tpu.memory_space<semaphore_mem>>) src(%dma_wait3A_560 : memref<64xf32, #tpu.memory_space<vmem>>) dst(%dma_wait3A_565 : memref<16384xf32, #tpu.memory_space<vmem_shared>>)
      tpu.yield
    }) : () -> ()
    %run_scoped3A_475 = arith.constant 1 : i32
    %run_scoped3A_476 = arith.constant 1 : i32
    "tpu.region"() ({
      %run_scoped3A_549 = tpu.sem_alloc : memref<!tpu.dma_semaphore, #tpu.memory_space<semaphore_mem>>
      %dma_start3A_550 = arith.constant 0 : i32
      %dma_start3A_551 = tpu.memref_slice %arg9[%run_scoped3A_475, %dma_start3A_550] : memref<8x64xf32, #tpu.memory_space<vmem>> -> memref<1x64xf32, #tpu.memory_space<vmem>>
      %dma_start3A_552 = tpu.memref_squeeze %dma_start3A_551 : memref<1x64xf32, #tpu.memory_space<vmem>> -> memref<64xf32, #tpu.memory_space<vmem>>
      %dma_start3A_553 = arith.constant 0 : i32
      %dma_start3A_554 = tpu.memref_slice %arg8[%run_scoped3A_476, %dma_start3A_553] : memref<8x64xi32, #tpu.memory_space<vmem>> -> memref<1x64xi32, #tpu.memory_space<vmem>>
      %dma_start3A_555 = tpu.memref_squeeze %dma_start3A_554 : memref<1x64xi32, #tpu.memory_space<vmem>> -> memref<64xi32, #tpu.memory_space<vmem>>
      %dma_start3A_556 = arith.constant 0 : i32
      %dma_start3A_557 = tpu.memref_slice %arg11[%dma_start3A_556] : memref<16384xf32, #tpu.memory_space<vmem_shared>> -> memref<16384xf32, #tpu.memory_space<vmem_shared>>
      tpu.enqueue_indirect_dma source(%dma_start3A_552 : memref<64xf32, #tpu.memory_space<vmem>>) target(%dma_start3A_557 : memref<16384xf32, #tpu.memory_space<vmem_shared>>) offsets(%dma_start3A_555 : memref<64xi32, #tpu.memory_space<vmem>>) semaphore(%run_scoped3A_549 : memref<!tpu.dma_semaphore, #tpu.memory_space<semaphore_mem>>)
      %dma_wait3A_558 = arith.constant 0 : i32
      %dma_wait3A_559 = tpu.memref_slice %arg9[%run_scoped3A_475, %dma_wait3A_558] : memref<8x64xf32, #tpu.memory_space<vmem>> -> memref<1x64xf32, #tpu.memory_space<vmem>>
      %dma_wait3A_560 = tpu.memref_squeeze %dma_wait3A_559 : memref<1x64xf32, #tpu.memory_space<vmem>> -> memref<64xf32, #tpu.memory_space<vmem>>
      %dma_wait3A_561 = arith.constant 0 : i32
      %dma_wait3A_562 = tpu.memref_slice %arg8[%run_scoped3A_476, %dma_wait3A_561] : memref<8x64xi32, #tpu.memory_space<vmem>> -> memref<1x64xi32, #tpu.memory_space<vmem>>
      %dma_wait3A_563 = tpu.memref_squeeze %dma_wait3A_562 : memref<1x64xi32, #tpu.memory_space<vmem>> -> memref<64xi32, #tpu.memory_space<vmem>>
      %dma_wait3A_564 = arith.constant 0 : i32
      %dma_wait3A_565 = tpu.memref_slice %arg11[%dma_wait3A_564] : memref<16384xf32, #tpu.memory_space<vmem_shared>> -> memref<16384xf32, #tpu.memory_space<vmem_shared>>
      tpu.wait_indirect_dma semaphore(%run_scoped3A_549 : memref<!tpu.dma_semaphore, #tpu.memory_space<semaphore_mem>>) src(%dma_wait3A_560 : memref<64xf32, #tpu.memory_space<vmem>>) dst(%dma_wait3A_565 : memref<16384xf32, #tpu.memory_space<vmem_shared>>)
      tpu.yield
    }) : () -> ()
    %run_scoped3A_477 = arith.constant 2 : i32
    %run_scoped3A_478 = arith.constant 2 : i32
    "tpu.region"() ({
      %run_scoped3A_549 = tpu.sem_alloc : memref<!tpu.dma_semaphore, #tpu.memory_space<semaphore_mem>>
      %dma_start3A_550 = arith.constant 0 : i32
      %dma_start3A_551 = tpu.memref_slice %arg9[%run_scoped3A_477, %dma_start3A_550] : memref<8x64xf32, #tpu.memory_space<vmem>> -> memref<1x64xf32, #tpu.memory_space<vmem>>
      %dma_start3A_552 = tpu.memref_squeeze %dma_start3A_551 : memref<1x64xf32, #tpu.memory_space<vmem>> -> memref<64xf32, #tpu.memory_space<vmem>>
      %dma_start3A_553 = arith.constant 0 : i32
      %dma_start3A_554 = tpu.memref_slice %arg8[%run_scoped3A_478, %dma_start3A_553] : memref<8x64xi32, #tpu.memory_space<vmem>> -> memref<1x64xi32, #tpu.memory_space<vmem>>
      %dma_start3A_555 = tpu.memref_squeeze %dma_start3A_554 : memref<1x64xi32, #tpu.memory_space<vmem>> -> memref<64xi32, #tpu.memory_space<vmem>>
      %dma_start3A_556 = arith.constant 0 : i32
      %dma_start3A_557 = tpu.memref_slice %arg11[%dma_start3A_556] : memref<16384xf32, #tpu.memory_space<vmem_shared>> -> memref<16384xf32, #tpu.memory_space<vmem_shared>>
      tpu.enqueue_indirect_dma source(%dma_start3A_552 : memref<64xf32, #tpu.memory_space<vmem>>) target(%dma_start3A_557 : memref<16384xf32, #tpu.memory_space<vmem_shared>>) offsets(%dma_start3A_555 : memref<64xi32, #tpu.memory_space<vmem>>) semaphore(%run_scoped3A_549 : memref<!tpu.dma_semaphore, #tpu.memory_space<semaphore_mem>>)
      %dma_wait3A_558 = arith.constant 0 : i32
      %dma_wait3A_559 = tpu.memref_slice %arg9[%run_scoped3A_477, %dma_wait3A_558] : memref<8x64xf32, #tpu.memory_space<vmem>> -> memref<1x64xf32, #tpu.memory_space<vmem>>
      %dma_wait3A_560 = tpu.memref_squeeze %dma_wait3A_559 : memref<1x64xf32, #tpu.memory_space<vmem>> -> memref<64xf32, #tpu.memory_space<vmem>>
      %dma_wait3A_561 = arith.constant 0 : i32
      %dma_wait3A_562 = tpu.memref_slice %arg8[%run_scoped3A_478, %dma_wait3A_561] : memref<8x64xi32, #tpu.memory_space<vmem>> -> memref<1x64xi32, #tpu.memory_space<vmem>>
      %dma_wait3A_563 = tpu.memref_squeeze %dma_wait3A_562 : memref<1x64xi32, #tpu.memory_space<vmem>> -> memref<64xi32, #tpu.memory_space<vmem>>
      %dma_wait3A_564 = arith.constant 0 : i32
      %dma_wait3A_565 = tpu.memref_slice %arg11[%dma_wait3A_564] : memref<16384xf32, #tpu.memory_space<vmem_shared>> -> memref<16384xf32, #tpu.memory_space<vmem_shared>>
      tpu.wait_indirect_dma semaphore(%run_scoped3A_549 : memref<!tpu.dma_semaphore, #tpu.memory_space<semaphore_mem>>) src(%dma_wait3A_560 : memref<64xf32, #tpu.memory_space<vmem>>) dst(%dma_wait3A_565 : memref<16384xf32, #tpu.memory_space<vmem_shared>>)
      tpu.yield
    }) : () -> ()
    %run_scoped3A_479 = arith.constant 3 : i32
    %run_scoped3A_480 = arith.constant 3 : i32
    "tpu.region"() ({
      %run_scoped3A_549 = tpu.sem_alloc : memref<!tpu.dma_semaphore, #tpu.memory_space<semaphore_mem>>
      %dma_start3A_550 = arith.constant 0 : i32
      %dma_start3A_551 = tpu.memref_slice %arg9[%run_scoped3A_479, %dma_start3A_550] : memref<8x64xf32, #tpu.memory_space<vmem>> -> memref<1x64xf32, #tpu.memory_space<vmem>>
      %dma_start3A_552 = tpu.memref_squeeze %dma_start3A_551 : memref<1x64xf32, #tpu.memory_space<vmem>> -> memref<64xf32, #tpu.memory_space<vmem>>
      %dma_start3A_553 = arith.constant 0 : i32
      %dma_start3A_554 = tpu.memref_slice %arg8[%run_scoped3A_480, %dma_start3A_553] : memref<8x64xi32, #tpu.memory_space<vmem>> -> memref<1x64xi32, #tpu.memory_space<vmem>>
      %dma_start3A_555 = tpu.memref_squeeze %dma_start3A_554 : memref<1x64xi32, #tpu.memory_space<vmem>> -> memref<64xi32, #tpu.memory_space<vmem>>
      %dma_start3A_556 = arith.constant 0 : i32
      %dma_start3A_557 = tpu.memref_slice %arg11[%dma_start3A_556] : memref<16384xf32, #tpu.memory_space<vmem_shared>> -> memref<16384xf32, #tpu.memory_space<vmem_shared>>
      tpu.enqueue_indirect_dma source(%dma_start3A_552 : memref<64xf32, #tpu.memory_space<vmem>>) target(%dma_start3A_557 : memref<16384xf32, #tpu.memory_space<vmem_shared>>) offsets(%dma_start3A_555 : memref<64xi32, #tpu.memory_space<vmem>>) semaphore(%run_scoped3A_549 : memref<!tpu.dma_semaphore, #tpu.memory_space<semaphore_mem>>)
      %dma_wait3A_558 = arith.constant 0 : i32
      %dma_wait3A_559 = tpu.memref_slice %arg9[%run_scoped3A_479, %dma_wait3A_558] : memref<8x64xf32, #tpu.memory_space<vmem>> -> memref<1x64xf32, #tpu.memory_space<vmem>>
      %dma_wait3A_560 = tpu.memref_squeeze %dma_wait3A_559 : memref<1x64xf32, #tpu.memory_space<vmem>> -> memref<64xf32, #tpu.memory_space<vmem>>
      %dma_wait3A_561 = arith.constant 0 : i32
      %dma_wait3A_562 = tpu.memref_slice %arg8[%run_scoped3A_480, %dma_wait3A_561] : memref<8x64xi32, #tpu.memory_space<vmem>> -> memref<1x64xi32, #tpu.memory_space<vmem>>
      %dma_wait3A_563 = tpu.memref_squeeze %dma_wait3A_562 : memref<1x64xi32, #tpu.memory_space<vmem>> -> memref<64xi32, #tpu.memory_space<vmem>>
      %dma_wait3A_564 = arith.constant 0 : i32
      %dma_wait3A_565 = tpu.memref_slice %arg11[%dma_wait3A_564] : memref<16384xf32, #tpu.memory_space<vmem_shared>> -> memref<16384xf32, #tpu.memory_space<vmem_shared>>
      tpu.wait_indirect_dma semaphore(%run_scoped3A_549 : memref<!tpu.dma_semaphore, #tpu.memory_space<semaphore_mem>>) src(%dma_wait3A_560 : memref<64xf32, #tpu.memory_space<vmem>>) dst(%dma_wait3A_565 : memref<16384xf32, #tpu.memory_space<vmem_shared>>)
      tpu.yield
    }) : () -> ()
    %run_scoped3A_481 = arith.constant 4 : i32
    %run_scoped3A_482 = arith.constant 4 : i32
    "tpu.region"() ({
      %run_scoped3A_549 = tpu.sem_alloc : memref<!tpu.dma_semaphore, #tpu.memory_space<semaphore_mem>>
      %dma_start3A_550 = arith.constant 0 : i32
      %dma_start3A_551 = tpu.memref_slice %arg9[%run_scoped3A_481, %dma_start3A_550] : memref<8x64xf32, #tpu.memory_space<vmem>> -> memref<1x64xf32, #tpu.memory_space<vmem>>
      %dma_start3A_552 = tpu.memref_squeeze %dma_start3A_551 : memref<1x64xf32, #tpu.memory_space<vmem>> -> memref<64xf32, #tpu.memory_space<vmem>>
      %dma_start3A_553 = arith.constant 0 : i32
      %dma_start3A_554 = tpu.memref_slice %arg8[%run_scoped3A_482, %dma_start3A_553] : memref<8x64xi32, #tpu.memory_space<vmem>> -> memref<1x64xi32, #tpu.memory_space<vmem>>
      %dma_start3A_555 = tpu.memref_squeeze %dma_start3A_554 : memref<1x64xi32, #tpu.memory_space<vmem>> -> memref<64xi32, #tpu.memory_space<vmem>>
      %dma_start3A_556 = arith.constant 0 : i32
      %dma_start3A_557 = tpu.memref_slice %arg11[%dma_start3A_556] : memref<16384xf32, #tpu.memory_space<vmem_shared>> -> memref<16384xf32, #tpu.memory_space<vmem_shared>>
      tpu.enqueue_indirect_dma source(%dma_start3A_552 : memref<64xf32, #tpu.memory_space<vmem>>) target(%dma_start3A_557 : memref<16384xf32, #tpu.memory_space<vmem_shared>>) offsets(%dma_start3A_555 : memref<64xi32, #tpu.memory_space<vmem>>) semaphore(%run_scoped3A_549 : memref<!tpu.dma_semaphore, #tpu.memory_space<semaphore_mem>>)
      %dma_wait3A_558 = arith.constant 0 : i32
      %dma_wait3A_559 = tpu.memref_slice %arg9[%run_scoped3A_481, %dma_wait3A_558] : memref<8x64xf32, #tpu.memory_space<vmem>> -> memref<1x64xf32, #tpu.memory_space<vmem>>
      %dma_wait3A_560 = tpu.memref_squeeze %dma_wait3A_559 : memref<1x64xf32, #tpu.memory_space<vmem>> -> memref<64xf32, #tpu.memory_space<vmem>>
      %dma_wait3A_561 = arith.constant 0 : i32
      %dma_wait3A_562 = tpu.memref_slice %arg8[%run_scoped3A_482, %dma_wait3A_561] : memref<8x64xi32, #tpu.memory_space<vmem>> -> memref<1x64xi32, #tpu.memory_space<vmem>>
      %dma_wait3A_563 = tpu.memref_squeeze %dma_wait3A_562 : memref<1x64xi32, #tpu.memory_space<vmem>> -> memref<64xi32, #tpu.memory_space<vmem>>
      %dma_wait3A_564 = arith.constant 0 : i32
      %dma_wait3A_565 = tpu.memref_slice %arg11[%dma_wait3A_564] : memref<16384xf32, #tpu.memory_space<vmem_shared>> -> memref<16384xf32, #tpu.memory_space<vmem_shared>>
      tpu.wait_indirect_dma semaphore(%run_scoped3A_549 : memref<!tpu.dma_semaphore, #tpu.memory_space<semaphore_mem>>) src(%dma_wait3A_560 : memref<64xf32, #tpu.memory_space<vmem>>) dst(%dma_wait3A_565 : memref<16384xf32, #tpu.memory_space<vmem_shared>>)
      tpu.yield
    }) : () -> ()
    %run_scoped3A_483 = arith.constant 5 : i32
    %run_scoped3A_484 = arith.constant 5 : i32
    "tpu.region"() ({
      %run_scoped3A_549 = tpu.sem_alloc : memref<!tpu.dma_semaphore, #tpu.memory_space<semaphore_mem>>
      %dma_start3A_550 = arith.constant 0 : i32
      %dma_start3A_551 = tpu.memref_slice %arg9[%run_scoped3A_483, %dma_start3A_550] : memref<8x64xf32, #tpu.memory_space<vmem>> -> memref<1x64xf32, #tpu.memory_space<vmem>>
      %dma_start3A_552 = tpu.memref_squeeze %dma_start3A_551 : memref<1x64xf32, #tpu.memory_space<vmem>> -> memref<64xf32, #tpu.memory_space<vmem>>
      %dma_start3A_553 = arith.constant 0 : i32
      %dma_start3A_554 = tpu.memref_slice %arg8[%run_scoped3A_484, %dma_start3A_553] : memref<8x64xi32, #tpu.memory_space<vmem>> -> memref<1x64xi32, #tpu.memory_space<vmem>>
      %dma_start3A_555 = tpu.memref_squeeze %dma_start3A_554 : memref<1x64xi32, #tpu.memory_space<vmem>> -> memref<64xi32, #tpu.memory_space<vmem>>
      %dma_start3A_556 = arith.constant 0 : i32
      %dma_start3A_557 = tpu.memref_slice %arg11[%dma_start3A_556] : memref<16384xf32, #tpu.memory_space<vmem_shared>> -> memref<16384xf32, #tpu.memory_space<vmem_shared>>
      tpu.enqueue_indirect_dma source(%dma_start3A_552 : memref<64xf32, #tpu.memory_space<vmem>>) target(%dma_start3A_557 : memref<16384xf32, #tpu.memory_space<vmem_shared>>) offsets(%dma_start3A_555 : memref<64xi32, #tpu.memory_space<vmem>>) semaphore(%run_scoped3A_549 : memref<!tpu.dma_semaphore, #tpu.memory_space<semaphore_mem>>)
      %dma_wait3A_558 = arith.constant 0 : i32
      %dma_wait3A_559 = tpu.memref_slice %arg9[%run_scoped3A_483, %dma_wait3A_558] : memref<8x64xf32, #tpu.memory_space<vmem>> -> memref<1x64xf32, #tpu.memory_space<vmem>>
      %dma_wait3A_560 = tpu.memref_squeeze %dma_wait3A_559 : memref<1x64xf32, #tpu.memory_space<vmem>> -> memref<64xf32, #tpu.memory_space<vmem>>
      %dma_wait3A_561 = arith.constant 0 : i32
      %dma_wait3A_562 = tpu.memref_slice %arg8[%run_scoped3A_484, %dma_wait3A_561] : memref<8x64xi32, #tpu.memory_space<vmem>> -> memref<1x64xi32, #tpu.memory_space<vmem>>
      %dma_wait3A_563 = tpu.memref_squeeze %dma_wait3A_562 : memref<1x64xi32, #tpu.memory_space<vmem>> -> memref<64xi32, #tpu.memory_space<vmem>>
      %dma_wait3A_564 = arith.constant 0 : i32
      %dma_wait3A_565 = tpu.memref_slice %arg11[%dma_wait3A_564] : memref<16384xf32, #tpu.memory_space<vmem_shared>> -> memref<16384xf32, #tpu.memory_space<vmem_shared>>
      tpu.wait_indirect_dma semaphore(%run_scoped3A_549 : memref<!tpu.dma_semaphore, #tpu.memory_space<semaphore_mem>>) src(%dma_wait3A_560 : memref<64xf32, #tpu.memory_space<vmem>>) dst(%dma_wait3A_565 : memref<16384xf32, #tpu.memory_space<vmem_shared>>)
      tpu.yield
    }) : () -> ()
    %run_scoped3A_485 = arith.constant 6 : i32
    %run_scoped3A_486 = arith.constant 6 : i32
    "tpu.region"() ({
      %run_scoped3A_549 = tpu.sem_alloc : memref<!tpu.dma_semaphore, #tpu.memory_space<semaphore_mem>>
      %dma_start3A_550 = arith.constant 0 : i32
      %dma_start3A_551 = tpu.memref_slice %arg9[%run_scoped3A_485, %dma_start3A_550] : memref<8x64xf32, #tpu.memory_space<vmem>> -> memref<1x64xf32, #tpu.memory_space<vmem>>
      %dma_start3A_552 = tpu.memref_squeeze %dma_start3A_551 : memref<1x64xf32, #tpu.memory_space<vmem>> -> memref<64xf32, #tpu.memory_space<vmem>>
      %dma_start3A_553 = arith.constant 0 : i32
      %dma_start3A_554 = tpu.memref_slice %arg8[%run_scoped3A_486, %dma_start3A_553] : memref<8x64xi32, #tpu.memory_space<vmem>> -> memref<1x64xi32, #tpu.memory_space<vmem>>
      %dma_start3A_555 = tpu.memref_squeeze %dma_start3A_554 : memref<1x64xi32, #tpu.memory_space<vmem>> -> memref<64xi32, #tpu.memory_space<vmem>>
      %dma_start3A_556 = arith.constant 0 : i32
      %dma_start3A_557 = tpu.memref_slice %arg11[%dma_start3A_556] : memref<16384xf32, #tpu.memory_space<vmem_shared>> -> memref<16384xf32, #tpu.memory_space<vmem_shared>>
      tpu.enqueue_indirect_dma source(%dma_start3A_552 : memref<64xf32, #tpu.memory_space<vmem>>) target(%dma_start3A_557 : memref<16384xf32, #tpu.memory_space<vmem_shared>>) offsets(%dma_start3A_555 : memref<64xi32, #tpu.memory_space<vmem>>) semaphore(%run_scoped3A_549 : memref<!tpu.dma_semaphore, #tpu.memory_space<semaphore_mem>>)
      %dma_wait3A_558 = arith.constant 0 : i32
      %dma_wait3A_559 = tpu.memref_slice %arg9[%run_scoped3A_485, %dma_wait3A_558] : memref<8x64xf32, #tpu.memory_space<vmem>> -> memref<1x64xf32, #tpu.memory_space<vmem>>
      %dma_wait3A_560 = tpu.memref_squeeze %dma_wait3A_559 : memref<1x64xf32, #tpu.memory_space<vmem>> -> memref<64xf32, #tpu.memory_space<vmem>>
      %dma_wait3A_561 = arith.constant 0 : i32
      %dma_wait3A_562 = tpu.memref_slice %arg8[%run_scoped3A_486, %dma_wait3A_561] : memref<8x64xi32, #tpu.memory_space<vmem>> -> memref<1x64xi32, #tpu.memory_space<vmem>>
      %dma_wait3A_563 = tpu.memref_squeeze %dma_wait3A_562 : memref<1x64xi32, #tpu.memory_space<vmem>> -> memref<64xi32, #tpu.memory_space<vmem>>
      %dma_wait3A_564 = arith.constant 0 : i32
      %dma_wait3A_565 = tpu.memref_slice %arg11[%dma_wait3A_564] : memref<16384xf32, #tpu.memory_space<vmem_shared>> -> memref<16384xf32, #tpu.memory_space<vmem_shared>>
      tpu.wait_indirect_dma semaphore(%run_scoped3A_549 : memref<!tpu.dma_semaphore, #tpu.memory_space<semaphore_mem>>) src(%dma_wait3A_560 : memref<64xf32, #tpu.memory_space<vmem>>) dst(%dma_wait3A_565 : memref<16384xf32, #tpu.memory_space<vmem_shared>>)
      tpu.yield
    }) : () -> ()
    %run_scoped3A_487 = arith.constant 7 : i32
    %run_scoped3A_488 = arith.constant 7 : i32
    "tpu.region"() ({
      %run_scoped3A_549 = tpu.sem_alloc : memref<!tpu.dma_semaphore, #tpu.memory_space<semaphore_mem>>
      %dma_start3A_550 = arith.constant 0 : i32
      %dma_start3A_551 = tpu.memref_slice %arg9[%run_scoped3A_487, %dma_start3A_550] : memref<8x64xf32, #tpu.memory_space<vmem>> -> memref<1x64xf32, #tpu.memory_space<vmem>>
      %dma_start3A_552 = tpu.memref_squeeze %dma_start3A_551 : memref<1x64xf32, #tpu.memory_space<vmem>> -> memref<64xf32, #tpu.memory_space<vmem>>
      %dma_start3A_553 = arith.constant 0 : i32
      %dma_start3A_554 = tpu.memref_slice %arg8[%run_scoped3A_488, %dma_start3A_553] : memref<8x64xi32, #tpu.memory_space<vmem>> -> memref<1x64xi32, #tpu.memory_space<vmem>>
      %dma_start3A_555 = tpu.memref_squeeze %dma_start3A_554 : memref<1x64xi32, #tpu.memory_space<vmem>> -> memref<64xi32, #tpu.memory_space<vmem>>
      %dma_start3A_556 = arith.constant 0 : i32
      %dma_start3A_557 = tpu.memref_slice %arg11[%dma_start3A_556] : memref<16384xf32, #tpu.memory_space<vmem_shared>> -> memref<16384xf32, #tpu.memory_space<vmem_shared>>
      tpu.enqueue_indirect_dma source(%dma_start3A_552 : memref<64xf32, #tpu.memory_space<vmem>>) target(%dma_start3A_557 : memref<16384xf32, #tpu.memory_space<vmem_shared>>) offsets(%dma_start3A_555 : memref<64xi32, #tpu.memory_space<vmem>>) semaphore(%run_scoped3A_549 : memref<!tpu.dma_semaphore, #tpu.memory_space<semaphore_mem>>)
      %dma_wait3A_558 = arith.constant 0 : i32
      %dma_wait3A_559 = tpu.memref_slice %arg9[%run_scoped3A_487, %dma_wait3A_558] : memref<8x64xf32, #tpu.memory_space<vmem>> -> memref<1x64xf32, #tpu.memory_space<vmem>>
      %dma_wait3A_560 = tpu.memref_squeeze %dma_wait3A_559 : memref<1x64xf32, #tpu.memory_space<vmem>> -> memref<64xf32, #tpu.memory_space<vmem>>
      %dma_wait3A_561 = arith.constant 0 : i32
      %dma_wait3A_562 = tpu.memref_slice %arg8[%run_scoped3A_488, %dma_wait3A_561] : memref<8x64xi32, #tpu.memory_space<vmem>> -> memref<1x64xi32, #tpu.memory_space<vmem>>
      %dma_wait3A_563 = tpu.memref_squeeze %dma_wait3A_562 : memref<1x64xi32, #tpu.memory_space<vmem>> -> memref<64xi32, #tpu.memory_space<vmem>>
      %dma_wait3A_564 = arith.constant 0 : i32
      %dma_wait3A_565 = tpu.memref_slice %arg11[%dma_wait3A_564] : memref<16384xf32, #tpu.memory_space<vmem_shared>> -> memref<16384xf32, #tpu.memory_space<vmem_shared>>
      tpu.wait_indirect_dma semaphore(%run_scoped3A_549 : memref<!tpu.dma_semaphore, #tpu.memory_space<semaphore_mem>>) src(%dma_wait3A_560 : memref<64xf32, #tpu.memory_space<vmem>>) dst(%dma_wait3A_565 : memref<16384xf32, #tpu.memory_space<vmem_shared>>)
      tpu.yield
    }) : () -> ()
    %barrier3A_489 = arith.constant 0 : index
    tpu.barrier barrier_id(%barrier3A_489)
    %mul3A_490 = arith.constant 1024 : i32
    %mul3A_491 = arith.muli %arg1, %mul3A_490 : i32
    %mul3A_492 = arith.constant 1024 : i32
    %mul3A_493 = arith.muli %arg1, %mul3A_492 : i32
    "tpu.region"() ({
      %run_scoped3A_549 = tpu.sem_alloc : memref<!tpu.dma_semaphore, #tpu.memory_space<semaphore_mem>>
      %dma_start3A_550 = tpu.memref_slice %arg6[%arg0, %mul3A_493] : memref<2x16384xf32, #tpu.memory_space<hbm>> -> memref<1x1024xf32, #tpu.memory_space<hbm>>
      %dma_start3A_551 = tpu.memref_squeeze %dma_start3A_550 : memref<1x1024xf32, #tpu.memory_space<hbm>> -> memref<1024xf32, #tpu.memory_space<hbm>>
      %dma_start3A_552 = tpu.memref_slice %arg11[%mul3A_491] : memref<16384xf32, #tpu.memory_space<vmem_shared>> -> memref<1024xf32, #tpu.memory_space<vmem_shared>>
      tpu.enqueue_dma source(%dma_start3A_552 : memref<1024xf32, #tpu.memory_space<vmem_shared>>) target(%dma_start3A_551 : memref<1024xf32, #tpu.memory_space<hbm>>) target_semaphore(%run_scoped3A_549 : memref<!tpu.dma_semaphore, #tpu.memory_space<semaphore_mem>>)
      %dma_wait3A_553 = tpu.memref_slice %arg6[%arg0, %mul3A_493] : memref<2x16384xf32, #tpu.memory_space<hbm>> -> memref<1x1024xf32, #tpu.memory_space<hbm>>
      %dma_wait3A_554 = tpu.memref_squeeze %dma_wait3A_553 : memref<1x1024xf32, #tpu.memory_space<hbm>> -> memref<1024xf32, #tpu.memory_space<hbm>>
      %dma_wait3A_555 = tpu.memref_slice %arg11[%mul3A_491] : memref<16384xf32, #tpu.memory_space<vmem_shared>> -> memref<1024xf32, #tpu.memory_space<vmem_shared>>
      tpu.wait_dma2 semaphore(%run_scoped3A_549 : memref<!tpu.dma_semaphore, #tpu.memory_space<semaphore_mem>>) src(%dma_wait3A_555 : memref<1024xf32, #tpu.memory_space<vmem_shared>>) dst(%dma_wait3A_554 : memref<1024xf32, #tpu.memory_space<hbm>>)
      tpu.yield
    }) : () -> ()
    %dma_wait3A = arith.constant 0 : i32
    %dma_wait3A_494 = arith.constant 0 : i32
    %dma_wait3A_495 = tpu.memref_slice %arg8[%dma_wait3A, %dma_wait3A_494] : memref<8x64xi32, #tpu.memory_space<vmem>> -> memref<1x64xi32, #tpu.memory_space<vmem>>
    %dma_wait3A_496 = tpu.memref_squeeze %dma_wait3A_495 : memref<1x64xi32, #tpu.memory_space<vmem>> -> memref<64xi32, #tpu.memory_space<vmem>>
    %dma_wait3A_497 = arith.constant 0 : i32
    %dma_wait3A_498 = arith.constant 0 : i32
    %dma_wait3A_499 = tpu.memref_slice %arg5[%dma_wait3A_497, %dma_wait3A_498] : memref<16384x768xf32, #tpu.memory_space<hbm>> -> memref<16384x768xf32, #tpu.memory_space<hbm>>
    tpu.wait_indirect_dma semaphore(%arg12 : memref<!tpu.dma_semaphore, #tpu.memory_space<semaphore_mem>>) src(%arg7 : memref<64x768xf32, #tpu.memory_space<vmem>>) dst(%dma_wait3A_499 : memref<16384x768xf32, #tpu.memory_space<hbm>>)
    %dma_wait3A_500 = arith.constant 1 : i32
    %dma_wait3A_501 = arith.constant 0 : i32
    %dma_wait3A_502 = tpu.memref_slice %arg8[%dma_wait3A_500, %dma_wait3A_501] : memref<8x64xi32, #tpu.memory_space<vmem>> -> memref<1x64xi32, #tpu.memory_space<vmem>>
    %dma_wait3A_503 = tpu.memref_squeeze %dma_wait3A_502 : memref<1x64xi32, #tpu.memory_space<vmem>> -> memref<64xi32, #tpu.memory_space<vmem>>
    %dma_wait3A_504 = arith.constant 0 : i32
    %dma_wait3A_505 = arith.constant 0 : i32
    %dma_wait3A_506 = tpu.memref_slice %arg5[%dma_wait3A_504, %dma_wait3A_505] : memref<16384x768xf32, #tpu.memory_space<hbm>> -> memref<16384x768xf32, #tpu.memory_space<hbm>>
    tpu.wait_indirect_dma semaphore(%arg12 : memref<!tpu.dma_semaphore, #tpu.memory_space<semaphore_mem>>) src(%arg7 : memref<64x768xf32, #tpu.memory_space<vmem>>) dst(%dma_wait3A_506 : memref<16384x768xf32, #tpu.memory_space<hbm>>)
    %dma_wait3A_507 = arith.constant 2 : i32
    %dma_wait3A_508 = arith.constant 0 : i32
    %dma_wait3A_509 = tpu.memref_slice %arg8[%dma_wait3A_507, %dma_wait3A_508] : memref<8x64xi32, #tpu.memory_space<vmem>> -> memref<1x64xi32, #tpu.memory_space<vmem>>
    %dma_wait3A_510 = tpu.memref_squeeze %dma_wait3A_509 : memref<1x64xi32, #tpu.memory_space<vmem>> -> memref<64xi32, #tpu.memory_space<vmem>>
    %dma_wait3A_511 = arith.constant 0 : i32
    %dma_wait3A_512 = arith.constant 0 : i32
    %dma_wait3A_513 = tpu.memref_slice %arg5[%dma_wait3A_511, %dma_wait3A_512] : memref<16384x768xf32, #tpu.memory_space<hbm>> -> memref<16384x768xf32, #tpu.memory_space<hbm>>
    tpu.wait_indirect_dma semaphore(%arg12 : memref<!tpu.dma_semaphore, #tpu.memory_space<semaphore_mem>>) src(%arg7 : memref<64x768xf32, #tpu.memory_space<vmem>>) dst(%dma_wait3A_513 : memref<16384x768xf32, #tpu.memory_space<hbm>>)
    %dma_wait3A_514 = arith.constant 3 : i32
    %dma_wait3A_515 = arith.constant 0 : i32
    %dma_wait3A_516 = tpu.memref_slice %arg8[%dma_wait3A_514, %dma_wait3A_515] : memref<8x64xi32, #tpu.memory_space<vmem>> -> memref<1x64xi32, #tpu.memory_space<vmem>>
    %dma_wait3A_517 = tpu.memref_squeeze %dma_wait3A_516 : memref<1x64xi32, #tpu.memory_space<vmem>> -> memref<64xi32, #tpu.memory_space<vmem>>
    %dma_wait3A_518 = arith.constant 0 : i32
    %dma_wait3A_519 = arith.constant 0 : i32
    %dma_wait3A_520 = tpu.memref_slice %arg5[%dma_wait3A_518, %dma_wait3A_519] : memref<16384x768xf32, #tpu.memory_space<hbm>> -> memref<16384x768xf32, #tpu.memory_space<hbm>>
    tpu.wait_indirect_dma semaphore(%arg12 : memref<!tpu.dma_semaphore, #tpu.memory_space<semaphore_mem>>) src(%arg7 : memref<64x768xf32, #tpu.memory_space<vmem>>) dst(%dma_wait3A_520 : memref<16384x768xf32, #tpu.memory_space<hbm>>)
    %dma_wait3A_521 = arith.constant 4 : i32
    %dma_wait3A_522 = arith.constant 0 : i32
    %dma_wait3A_523 = tpu.memref_slice %arg8[%dma_wait3A_521, %dma_wait3A_522] : memref<8x64xi32, #tpu.memory_space<vmem>> -> memref<1x64xi32, #tpu.memory_space<vmem>>
    %dma_wait3A_524 = tpu.memref_squeeze %dma_wait3A_523 : memref<1x64xi32, #tpu.memory_space<vmem>> -> memref<64xi32, #tpu.memory_space<vmem>>
    %dma_wait3A_525 = arith.constant 0 : i32
    %dma_wait3A_526 = arith.constant 0 : i32
    %dma_wait3A_527 = tpu.memref_slice %arg5[%dma_wait3A_525, %dma_wait3A_526] : memref<16384x768xf32, #tpu.memory_space<hbm>> -> memref<16384x768xf32, #tpu.memory_space<hbm>>
    tpu.wait_indirect_dma semaphore(%arg12 : memref<!tpu.dma_semaphore, #tpu.memory_space<semaphore_mem>>) src(%arg7 : memref<64x768xf32, #tpu.memory_space<vmem>>) dst(%dma_wait3A_527 : memref<16384x768xf32, #tpu.memory_space<hbm>>)
    %dma_wait3A_528 = arith.constant 5 : i32
    %dma_wait3A_529 = arith.constant 0 : i32
    %dma_wait3A_530 = tpu.memref_slice %arg8[%dma_wait3A_528, %dma_wait3A_529] : memref<8x64xi32, #tpu.memory_space<vmem>> -> memref<1x64xi32, #tpu.memory_space<vmem>>
    %dma_wait3A_531 = tpu.memref_squeeze %dma_wait3A_530 : memref<1x64xi32, #tpu.memory_space<vmem>> -> memref<64xi32, #tpu.memory_space<vmem>>
    %dma_wait3A_532 = arith.constant 0 : i32
    %dma_wait3A_533 = arith.constant 0 : i32
    %dma_wait3A_534 = tpu.memref_slice %arg5[%dma_wait3A_532, %dma_wait3A_533] : memref<16384x768xf32, #tpu.memory_space<hbm>> -> memref<16384x768xf32, #tpu.memory_space<hbm>>
    tpu.wait_indirect_dma semaphore(%arg12 : memref<!tpu.dma_semaphore, #tpu.memory_space<semaphore_mem>>) src(%arg7 : memref<64x768xf32, #tpu.memory_space<vmem>>) dst(%dma_wait3A_534 : memref<16384x768xf32, #tpu.memory_space<hbm>>)
    %dma_wait3A_535 = arith.constant 6 : i32
    %dma_wait3A_536 = arith.constant 0 : i32
    %dma_wait3A_537 = tpu.memref_slice %arg8[%dma_wait3A_535, %dma_wait3A_536] : memref<8x64xi32, #tpu.memory_space<vmem>> -> memref<1x64xi32, #tpu.memory_space<vmem>>
    %dma_wait3A_538 = tpu.memref_squeeze %dma_wait3A_537 : memref<1x64xi32, #tpu.memory_space<vmem>> -> memref<64xi32, #tpu.memory_space<vmem>>
    %dma_wait3A_539 = arith.constant 0 : i32
    %dma_wait3A_540 = arith.constant 0 : i32
    %dma_wait3A_541 = tpu.memref_slice %arg5[%dma_wait3A_539, %dma_wait3A_540] : memref<16384x768xf32, #tpu.memory_space<hbm>> -> memref<16384x768xf32, #tpu.memory_space<hbm>>
    tpu.wait_indirect_dma semaphore(%arg12 : memref<!tpu.dma_semaphore, #tpu.memory_space<semaphore_mem>>) src(%arg7 : memref<64x768xf32, #tpu.memory_space<vmem>>) dst(%dma_wait3A_541 : memref<16384x768xf32, #tpu.memory_space<hbm>>)
    %dma_wait3A_542 = arith.constant 7 : i32
    %dma_wait3A_543 = arith.constant 0 : i32
    %dma_wait3A_544 = tpu.memref_slice %arg8[%dma_wait3A_542, %dma_wait3A_543] : memref<8x64xi32, #tpu.memory_space<vmem>> -> memref<1x64xi32, #tpu.memory_space<vmem>>
    %dma_wait3A_545 = tpu.memref_squeeze %dma_wait3A_544 : memref<1x64xi32, #tpu.memory_space<vmem>> -> memref<64xi32, #tpu.memory_space<vmem>>
    %dma_wait3A_546 = arith.constant 0 : i32
    %dma_wait3A_547 = arith.constant 0 : i32
    %dma_wait3A_548 = tpu.memref_slice %arg5[%dma_wait3A_546, %dma_wait3A_547] : memref<16384x768xf32, #tpu.memory_space<hbm>> -> memref<16384x768xf32, #tpu.memory_space<hbm>>
    tpu.wait_indirect_dma semaphore(%arg12 : memref<!tpu.dma_semaphore, #tpu.memory_space<semaphore_mem>>) src(%arg7 : memref<64x768xf32, #tpu.memory_space<vmem>>) dst(%dma_wait3A_548 : memref<16384x768xf32, #tpu.memory_space<hbm>>)
    return
  }
}

module attributes {stable_mosaic.version = 14 : i64} {
  func.func @_routersort_body(%arg0: i32, %arg1: memref<1024x768xf32, #tpu.memory_space<vmem>>, %arg2: memref<768x64xf32, #tpu.memory_space<vmem>>, %arg3: memref<1024x64xf32, #tpu.memory_space<vmem>>, %arg4: memref<1024x8xf32, #tpu.memory_space<vmem>>, %arg5: memref<2048x8xi32, #tpu.memory_space<vmem>>, %arg6: memref<128x128xi32, #tpu.memory_space<vmem>>, %arg7: memref<2048x8xf32, #tpu.memory_space<vmem>>, %arg8: memref<2048x8xi32, #tpu.memory_space<vmem>>, %arg9: memref<8x128xf32, #tpu.memory_space<vmem>>) attributes {dimension_semantics = [#tpu.dimension_semantics<arbitrary>], iteration_bounds = array<i64: 4>, scalar_prefetch = 0 : i64, scratch_operands = 3 : i64, tpu.core_type = #tpu.core_type<tc>, window_params = [{transform_indices = @transform_0, window_bounds = array<i64: 1024, 768>}, {pipeline_mode = #tpu.pipeline_mode<synchronous>, transform_indices = @transform_1, window_bounds = array<i64: 768, 64>}, {transform_indices = @transform_2, window_bounds = array<i64: 1024, 64>}, {transform_indices = @transform_3, window_bounds = array<i64: 1024, 8>}, {pipeline_mode = #tpu.pipeline_mode<synchronous>, transform_indices = @transform_4, window_bounds = array<i64: 2048, 8>}, {pipeline_mode = #tpu.pipeline_mode<synchronous>, transform_indices = @transform_5, window_bounds = array<i64: 128, 128>}]} {
    %eq3A = arith.constant 0 : i32
    %eq3A_0 = arith.cmpi eq, %arg0, %eq3A : i32
    %convert_element_type3A = arith.extui %eq3A_0 : i1 to i32
    %cond3A = arith.constant 0 : i32
    %cond3A_1 = arith.cmpi ne, %convert_element_type3A, %cond3A : i32
    scf.if %cond3A_1 {
      %broadcast_in_dim3A = arith.constant 0.000000e+00 : f32
      %broadcast_in_dim3A_15 = vector.broadcast %broadcast_in_dim3A : f32 to vector<8x128xf32>
      %swap3A = arith.constant 0 : index
      %swap3A_16 = arith.constant 0 : index
      %swap3A_17 = vector.load %arg9[%swap3A, %swap3A_16] : memref<8x128xf32, #tpu.memory_space<vmem>>, vector<8x128xf32>
      tpu.vector_store %arg9[%swap3A, %swap3A_16], %broadcast_in_dim3A_15 {strides = array<i32>} : memref<8x128xf32, #tpu.memory_space<vmem>>, vector<8x128xf32>,
    } else {
    }
    %lt3A = arith.constant 2 : i32
    %lt3A_2 = arith.cmpi slt, %arg0, %lt3A : i32
    %convert_element_type3A_3 = arith.extui %lt3A_2 : i1 to i32
    %cond3A_4 = arith.constant 0 : i32
    %cond3A_5 = arith.cmpi ne, %convert_element_type3A_3, %cond3A_4 : i32
    scf.if %cond3A_5 {
      %get3A = arith.constant 0 : index
      %get3A_15 = arith.constant 0 : index
      %get3A_16 = vector.load %arg1[%get3A, %get3A_15] : memref<1024x768xf32, #tpu.memory_space<vmem>>, vector<1024x768xf32>
      %get3A_17 = arith.constant 0 : index
      %get3A_18 = arith.constant 0 : index
      %get3A_19 = vector.load %arg2[%get3A_17, %get3A_18] : memref<768x64xf32, #tpu.memory_space<vmem>>, vector<768x64xf32>
      %dot_general3A = arith.constant dense<0.000000e+00> : vector<1024x64xf32>
      %dot_general3A_20 = tpu.matmul %get3A_16, %get3A_19, %dot_general3A {dimension_numbers = #tpu.dot_dimension_numbers<[1], [0], [0], [1], [0, 0, 1, 1], [], []>, transpose_lhs_hint = false} : vector<1024x768xf32>, vector<768x64xf32>, vector<1024x64xf32> -> vector<1024x64xf32>
      %swap3A = arith.constant 0 : index
      %swap3A_21 = arith.constant 0 : index
      %swap3A_22 = vector.load %arg3[%swap3A, %swap3A_21] : memref<1024x64xf32, #tpu.memory_space<vmem>>, vector<1024x64xf32>
      tpu.vector_store %arg3[%swap3A, %swap3A_21], %dot_general3A_20 {strides = array<i32>} : memref<1024x64xf32, #tpu.memory_space<vmem>>, vector<1024x64xf32>,
      %reduce_max3A = arith.constant dense<0xFF800000> : vector<1024xf32>
      %reduce_max3A_23 = vector.multi_reduction <maximumf>, %dot_general3A_20, %reduce_max3A [1] : vector<1024x64xf32> to vector<1024xf32>
      %broadcast_in_dim3A = vector.shape_cast %reduce_max3A_23 : vector<1024xf32> to vector<1024x1xf32>
      %sub3A = vector.broadcast %broadcast_in_dim3A : vector<1024x1xf32> to vector<1024x64xf32>
      %sub3A_24 = arith.subf %dot_general3A_20, %sub3A : vector<1024x64xf32>
      %exp3A = math.exp %sub3A_24 : vector<1024x64xf32>
      %reduce_sum3A = arith.constant dense<0.000000e+00> : vector<1024xf32>
      %reduce_sum3A_25 = vector.multi_reduction <add>, %exp3A, %reduce_sum3A [1] : vector<1024x64xf32> to vector<1024xf32>
      %broadcast_in_dim3A_26 = vector.shape_cast %reduce_sum3A_25 : vector<1024xf32> to vector<1024x1xf32>
      %div3A = vector.broadcast %broadcast_in_dim3A_26 : vector<1024x1xf32> to vector<1024x64xf32>
      %div3A_27 = arith.divf %exp3A, %div3A : vector<1024x64xf32>
      %iota3A = tpu.iota {dimensions = array<i32: 1>} : vector<1024x64xi32>
      %reduce_max3A_28 = arith.constant dense<0xFF800000> : vector<1024xf32>
      %reduce_max3A_29 = vector.multi_reduction <maximumf>, %div3A_27, %reduce_max3A_28 [1] : vector<1024x64xf32> to vector<1024xf32>
      %broadcast_in_dim3A_30 = vector.shape_cast %reduce_max3A_29 : vector<1024xf32> to vector<1024x1xf32>
      %eq3A_31 = vector.broadcast %broadcast_in_dim3A_30 : vector<1024x1xf32> to vector<1024x64xf32>
      %eq3A_32 = arith.cmpf oeq, %div3A_27, %eq3A_31 : vector<1024x64xf32>
      %jit3A = arith.constant 64 : i32
      %broadcast_in_dim3A_33 = vector.broadcast %jit3A : i32 to vector<1024x64xi32>
      %select_n3A = arith.select %eq3A_32, %iota3A, %broadcast_in_dim3A_33 : vector<1024x64xi1>, vector<1024x64xi32>
      %reduce_min3A = arith.constant dense<2147483647> : vector<1024xi32>
      %reduce_min3A_34 = vector.multi_reduction <minsi>, %select_n3A, %reduce_min3A [1] : vector<1024x64xi32> to vector<1024xi32>
      %broadcast_in_dim3A_35 = vector.shape_cast %reduce_min3A_34 : vector<1024xi32> to vector<1024x1xi32>
      %eq3A_36 = vector.broadcast %broadcast_in_dim3A_35 : vector<1024x1xi32> to vector<1024x64xi32>
      %eq3A_37 = arith.cmpi eq, %iota3A, %eq3A_36 : vector<1024x64xi32>
      %jit3A_38 = arith.constant -1.000000e+00 : f32
      %broadcast_in_dim3A_39 = vector.broadcast %jit3A_38 : f32 to vector<1024x64xf32>
      %select_n3A_40 = arith.select %eq3A_37, %broadcast_in_dim3A_39, %div3A_27 : vector<1024x64xi1>, vector<1024x64xf32>
      %reduce_max3A_41 = arith.constant dense<0xFF800000> : vector<1024xf32>
      %reduce_max3A_42 = vector.multi_reduction <maximumf>, %select_n3A_40, %reduce_max3A_41 [1] : vector<1024x64xf32> to vector<1024xf32>
      %broadcast_in_dim3A_43 = vector.shape_cast %reduce_max3A_42 : vector<1024xf32> to vector<1024x1xf32>
      %eq3A_44 = vector.broadcast %broadcast_in_dim3A_43 : vector<1024x1xf32> to vector<1024x64xf32>
      %eq3A_45 = arith.cmpf oeq, %select_n3A_40, %eq3A_44 : vector<1024x64xf32>
      %jit3A_46 = arith.constant 64 : i32
      %broadcast_in_dim3A_47 = vector.broadcast %jit3A_46 : i32 to vector<1024x64xi32>
      %select_n3A_48 = arith.select %eq3A_45, %iota3A, %broadcast_in_dim3A_47 : vector<1024x64xi1>, vector<1024x64xi32>
      %reduce_min3A_49 = arith.constant dense<2147483647> : vector<1024xi32>
      %reduce_min3A_50 = vector.multi_reduction <minsi>, %select_n3A_48, %reduce_min3A_49 [1] : vector<1024x64xi32> to vector<1024xi32>
      %broadcast_in_dim3A_51 = vector.shape_cast %reduce_min3A_50 : vector<1024xi32> to vector<1024x1xi32>
      %eq3A_52 = vector.broadcast %broadcast_in_dim3A_51 : vector<1024x1xi32> to vector<1024x64xi32>
      %eq3A_53 = arith.cmpi eq, %iota3A, %eq3A_52 : vector<1024x64xi32>
      %jit3A_54 = arith.constant -1.000000e+00 : f32
      %broadcast_in_dim3A_55 = vector.broadcast %jit3A_54 : f32 to vector<1024x64xf32>
      %select_n3A_56 = arith.select %eq3A_53, %broadcast_in_dim3A_55, %select_n3A_40 : vector<1024x64xi1>, vector<1024x64xf32>
      %reduce_max3A_57 = arith.constant dense<0xFF800000> : vector<1024xf32>
      %reduce_max3A_58 = vector.multi_reduction <maximumf>, %select_n3A_56, %reduce_max3A_57 [1] : vector<1024x64xf32> to vector<1024xf32>
      %broadcast_in_dim3A_59 = vector.shape_cast %reduce_max3A_58 : vector<1024xf32> to vector<1024x1xf32>
      %eq3A_60 = vector.broadcast %broadcast_in_dim3A_59 : vector<1024x1xf32> to vector<1024x64xf32>
      %eq3A_61 = arith.cmpf oeq, %select_n3A_56, %eq3A_60 : vector<1024x64xf32>
      %jit3A_62 = arith.constant 64 : i32
      %broadcast_in_dim3A_63 = vector.broadcast %jit3A_62 : i32 to vector<1024x64xi32>
      %select_n3A_64 = arith.select %eq3A_61, %iota3A, %broadcast_in_dim3A_63 : vector<1024x64xi1>, vector<1024x64xi32>
      %reduce_min3A_65 = arith.constant dense<2147483647> : vector<1024xi32>
      %reduce_min3A_66 = vector.multi_reduction <minsi>, %select_n3A_64, %reduce_min3A_65 [1] : vector<1024x64xi32> to vector<1024xi32>
      %broadcast_in_dim3A_67 = vector.shape_cast %reduce_min3A_66 : vector<1024xi32> to vector<1024x1xi32>
      %eq3A_68 = vector.broadcast %broadcast_in_dim3A_67 : vector<1024x1xi32> to vector<1024x64xi32>
      %eq3A_69 = arith.cmpi eq, %iota3A, %eq3A_68 : vector<1024x64xi32>
      %jit3A_70 = arith.constant -1.000000e+00 : f32
      %broadcast_in_dim3A_71 = vector.broadcast %jit3A_70 : f32 to vector<1024x64xf32>
      %select_n3A_72 = arith.select %eq3A_69, %broadcast_in_dim3A_71, %select_n3A_56 : vector<1024x64xi1>, vector<1024x64xf32>
      %reduce_max3A_73 = arith.constant dense<0xFF800000> : vector<1024xf32>
      %reduce_max3A_74 = vector.multi_reduction <maximumf>, %select_n3A_72, %reduce_max3A_73 [1] : vector<1024x64xf32> to vector<1024xf32>
      %broadcast_in_dim3A_75 = vector.shape_cast %reduce_max3A_74 : vector<1024xf32> to vector<1024x1xf32>
      %eq3A_76 = vector.broadcast %broadcast_in_dim3A_75 : vector<1024x1xf32> to vector<1024x64xf32>
      %eq3A_77 = arith.cmpf oeq, %select_n3A_72, %eq3A_76 : vector<1024x64xf32>
      %jit3A_78 = arith.constant 64 : i32
      %broadcast_in_dim3A_79 = vector.broadcast %jit3A_78 : i32 to vector<1024x64xi32>
      %select_n3A_80 = arith.select %eq3A_77, %iota3A, %broadcast_in_dim3A_79 : vector<1024x64xi1>, vector<1024x64xi32>
      %reduce_min3A_81 = arith.constant dense<2147483647> : vector<1024xi32>
      %reduce_min3A_82 = vector.multi_reduction <minsi>, %select_n3A_80, %reduce_min3A_81 [1] : vector<1024x64xi32> to vector<1024xi32>
      %broadcast_in_dim3A_83 = vector.shape_cast %reduce_min3A_82 : vector<1024xi32> to vector<1024x1xi32>
      %eq3A_84 = vector.broadcast %broadcast_in_dim3A_83 : vector<1024x1xi32> to vector<1024x64xi32>
      %eq3A_85 = arith.cmpi eq, %iota3A, %eq3A_84 : vector<1024x64xi32>
      %jit3A_86 = arith.constant -1.000000e+00 : f32
      %broadcast_in_dim3A_87 = vector.broadcast %jit3A_86 : f32 to vector<1024x64xf32>
      %select_n3A_88 = arith.select %eq3A_85, %broadcast_in_dim3A_87, %select_n3A_72 : vector<1024x64xi1>, vector<1024x64xf32>
      %reduce_max3A_89 = arith.constant dense<0xFF800000> : vector<1024xf32>
      %reduce_max3A_90 = vector.multi_reduction <maximumf>, %select_n3A_88, %reduce_max3A_89 [1] : vector<1024x64xf32> to vector<1024xf32>
      %broadcast_in_dim3A_91 = vector.shape_cast %reduce_max3A_90 : vector<1024xf32> to vector<1024x1xf32>
      %eq3A_92 = vector.broadcast %broadcast_in_dim3A_91 : vector<1024x1xf32> to vector<1024x64xf32>
      %eq3A_93 = arith.cmpf oeq, %select_n3A_88, %eq3A_92 : vector<1024x64xf32>
      %jit3A_94 = arith.constant 64 : i32
      %broadcast_in_dim3A_95 = vector.broadcast %jit3A_94 : i32 to vector<1024x64xi32>
      %select_n3A_96 = arith.select %eq3A_93, %iota3A, %broadcast_in_dim3A_95 : vector<1024x64xi1>, vector<1024x64xi32>
      %reduce_min3A_97 = arith.constant dense<2147483647> : vector<1024xi32>
      %reduce_min3A_98 = vector.multi_reduction <minsi>, %select_n3A_96, %reduce_min3A_97 [1] : vector<1024x64xi32> to vector<1024xi32>
      %broadcast_in_dim3A_99 = vector.shape_cast %reduce_min3A_98 : vector<1024xi32> to vector<1024x1xi32>
      %eq3A_100 = vector.broadcast %broadcast_in_dim3A_99 : vector<1024x1xi32> to vector<1024x64xi32>
      %eq3A_101 = arith.cmpi eq, %iota3A, %eq3A_100 : vector<1024x64xi32>
      %jit3A_102 = arith.constant -1.000000e+00 : f32
      %broadcast_in_dim3A_103 = vector.broadcast %jit3A_102 : f32 to vector<1024x64xf32>
      %select_n3A_104 = arith.select %eq3A_101, %broadcast_in_dim3A_103, %select_n3A_88 : vector<1024x64xi1>, vector<1024x64xf32>
      %reduce_max3A_105 = arith.constant dense<0xFF800000> : vector<1024xf32>
      %reduce_max3A_106 = vector.multi_reduction <maximumf>, %select_n3A_104, %reduce_max3A_105 [1] : vector<1024x64xf32> to vector<1024xf32>
      %broadcast_in_dim3A_107 = vector.shape_cast %reduce_max3A_106 : vector<1024xf32> to vector<1024x1xf32>
      %eq3A_108 = vector.broadcast %broadcast_in_dim3A_107 : vector<1024x1xf32> to vector<1024x64xf32>
      %eq3A_109 = arith.cmpf oeq, %select_n3A_104, %eq3A_108 : vector<1024x64xf32>
      %jit3A_110 = arith.constant 64 : i32
      %broadcast_in_dim3A_111 = vector.broadcast %jit3A_110 : i32 to vector<1024x64xi32>
      %select_n3A_112 = arith.select %eq3A_109, %iota3A, %broadcast_in_dim3A_111 : vector<1024x64xi1>, vector<1024x64xi32>
      %reduce_min3A_113 = arith.constant dense<2147483647> : vector<1024xi32>
      %reduce_min3A_114 = vector.multi_reduction <minsi>, %select_n3A_112, %reduce_min3A_113 [1] : vector<1024x64xi32> to vector<1024xi32>
      %broadcast_in_dim3A_115 = vector.shape_cast %reduce_min3A_114 : vector<1024xi32> to vector<1024x1xi32>
      %eq3A_116 = vector.broadcast %broadcast_in_dim3A_115 : vector<1024x1xi32> to vector<1024x64xi32>
      %eq3A_117 = arith.cmpi eq, %iota3A, %eq3A_116 : vector<1024x64xi32>
      %jit3A_118 = arith.constant -1.000000e+00 : f32
      %broadcast_in_dim3A_119 = vector.broadcast %jit3A_118 : f32 to vector<1024x64xf32>
      %select_n3A_120 = arith.select %eq3A_117, %broadcast_in_dim3A_119, %select_n3A_104 : vector<1024x64xi1>, vector<1024x64xf32>
      %reduce_max3A_121 = arith.constant dense<0xFF800000> : vector<1024xf32>
      %reduce_max3A_122 = vector.multi_reduction <maximumf>, %select_n3A_120, %reduce_max3A_121 [1] : vector<1024x64xf32> to vector<1024xf32>
      %broadcast_in_dim3A_123 = vector.shape_cast %reduce_max3A_122 : vector<1024xf32> to vector<1024x1xf32>
      %eq3A_124 = vector.broadcast %broadcast_in_dim3A_123 : vector<1024x1xf32> to vector<1024x64xf32>
      %eq3A_125 = arith.cmpf oeq, %select_n3A_120, %eq3A_124 : vector<1024x64xf32>
      %jit3A_126 = arith.constant 64 : i32
      %broadcast_in_dim3A_127 = vector.broadcast %jit3A_126 : i32 to vector<1024x64xi32>
      %select_n3A_128 = arith.select %eq3A_125, %iota3A, %broadcast_in_dim3A_127 : vector<1024x64xi1>, vector<1024x64xi32>
      %reduce_min3A_129 = arith.constant dense<2147483647> : vector<1024xi32>
      %reduce_min3A_130 = vector.multi_reduction <minsi>, %select_n3A_128, %reduce_min3A_129 [1] : vector<1024x64xi32> to vector<1024xi32>
      %broadcast_in_dim3A_131 = vector.shape_cast %reduce_min3A_130 : vector<1024xi32> to vector<1024x1xi32>
      %eq3A_132 = vector.broadcast %broadcast_in_dim3A_131 : vector<1024x1xi32> to vector<1024x64xi32>
      %eq3A_133 = arith.cmpi eq, %iota3A, %eq3A_132 : vector<1024x64xi32>
      %jit3A_134 = arith.constant -1.000000e+00 : f32
      %broadcast_in_dim3A_135 = vector.broadcast %jit3A_134 : f32 to vector<1024x64xf32>
      %select_n3A_136 = arith.select %eq3A_133, %broadcast_in_dim3A_135, %select_n3A_120 : vector<1024x64xi1>, vector<1024x64xf32>
      %reduce_max3A_137 = arith.constant dense<0xFF800000> : vector<1024xf32>
      %reduce_max3A_138 = vector.multi_reduction <maximumf>, %select_n3A_136, %reduce_max3A_137 [1] : vector<1024x64xf32> to vector<1024xf32>
      %broadcast_in_dim3A_139 = vector.shape_cast %reduce_max3A_138 : vector<1024xf32> to vector<1024x1xf32>
      %eq3A_140 = vector.broadcast %broadcast_in_dim3A_139 : vector<1024x1xf32> to vector<1024x64xf32>
      %eq3A_141 = arith.cmpf oeq, %select_n3A_136, %eq3A_140 : vector<1024x64xf32>
      %jit3A_142 = arith.constant 64 : i32
      %broadcast_in_dim3A_143 = vector.broadcast %jit3A_142 : i32 to vector<1024x64xi32>
      %select_n3A_144 = arith.select %eq3A_141, %iota3A, %broadcast_in_dim3A_143 : vector<1024x64xi1>, vector<1024x64xi32>
      %reduce_min3A_145 = arith.constant dense<2147483647> : vector<1024xi32>
      %reduce_min3A_146 = vector.multi_reduction <minsi>, %select_n3A_144, %reduce_min3A_145 [1] : vector<1024x64xi32> to vector<1024xi32>
      %broadcast_in_dim3A_147 = vector.shape_cast %reduce_min3A_146 : vector<1024xi32> to vector<1024x1xi32>
      %concatenate3A = tpu.concatenate %broadcast_in_dim3A_30, %broadcast_in_dim3A_43, %broadcast_in_dim3A_59, %broadcast_in_dim3A_75, %broadcast_in_dim3A_91, %broadcast_in_dim3A_107, %broadcast_in_dim3A_123, %broadcast_in_dim3A_139 in 1 : vector<1024x1xf32>, vector<1024x1xf32>, vector<1024x1xf32>, vector<1024x1xf32>, vector<1024x1xf32>, vector<1024x1xf32>, vector<1024x1xf32>, vector<1024x1xf32> -> vector<1024x8xf32>
      %reduce_sum3A_148 = arith.constant dense<0.000000e+00> : vector<1024xf32>
      %reduce_sum3A_149 = vector.multi_reduction <add>, %concatenate3A, %reduce_sum3A_148 [1] : vector<1024x8xf32> to vector<1024xf32>
      %broadcast_in_dim3A_150 = vector.shape_cast %reduce_sum3A_149 : vector<1024xf32> to vector<1024x1xf32>
      %div3A_151 = vector.broadcast %broadcast_in_dim3A_150 : vector<1024x1xf32> to vector<1024x8xf32>
      %div3A_152 = arith.divf %concatenate3A, %div3A_151 : vector<1024x8xf32>
      %swap3A_153 = arith.constant 0 : index
      %swap3A_154 = arith.constant 0 : index
      %swap3A_155 = vector.load %arg4[%swap3A_153, %swap3A_154] : memref<1024x8xf32, #tpu.memory_space<vmem>>, vector<1024x8xf32>
      tpu.vector_store %arg4[%swap3A_153, %swap3A_154], %div3A_152 {strides = array<i32>} : memref<1024x8xf32, #tpu.memory_space<vmem>>, vector<1024x8xf32>,
      %concatenate3A_156 = tpu.concatenate %broadcast_in_dim3A_35, %broadcast_in_dim3A_51, %broadcast_in_dim3A_67, %broadcast_in_dim3A_83, %broadcast_in_dim3A_99, %broadcast_in_dim3A_115, %broadcast_in_dim3A_131, %broadcast_in_dim3A_147 in 1 : vector<1024x1xi32>, vector<1024x1xi32>, vector<1024x1xi32>, vector<1024x1xi32>, vector<1024x1xi32>, vector<1024x1xi32>, vector<1024x1xi32>, vector<1024x1xi32> -> vector<1024x8xi32>
      %mul3A = arith.constant 1024 : i32
      %mul3A_157 = arith.muli %arg0, %mul3A : i32
      %swap3A_158 = arith.index_cast %mul3A_157 : i32 to index
      %swap3A_159 = arith.constant 0 : index
      %swap3A_160 = vector.load %arg8[%swap3A_158, %swap3A_159] : memref<2048x8xi32, #tpu.memory_space<vmem>>, vector<1024x8xi32>
      tpu.vector_store %arg8[%swap3A_158, %swap3A_159], %concatenate3A_156 {strides = array<i32>} : memref<2048x8xi32, #tpu.memory_space<vmem>>, vector<1024x8xi32>,
      %iota3A_161 = tpu.iota {dimensions = array<i32: 1>} : vector<1024x64xi32>
      %broadcast_in_dim3A_162 = vector.shape_cast %broadcast_in_dim3A_35 : vector<1024x1xi32> to vector<1024x1xi32>
      %broadcast_in_dim3A_163 = vector.broadcast %broadcast_in_dim3A_162 : vector<1024x1xi32> to vector<1024x64xi32>
      %eq3A_164 = arith.cmpi eq, %broadcast_in_dim3A_163, %iota3A_161 : vector<1024x64xi32>
      %convert_element_type3A_165 = arith.extui %eq3A_164 : vector<1024x64xi1> to vector<1024x64xi32>
      %convert_element_type3A_166 = arith.sitofp %convert_element_type3A_165 : vector<1024x64xi32> to vector<1024x64xf32>
      %broadcast_in_dim3A_167 = vector.shape_cast %broadcast_in_dim3A_51 : vector<1024x1xi32> to vector<1024x1xi32>
      %broadcast_in_dim3A_168 = vector.broadcast %broadcast_in_dim3A_167 : vector<1024x1xi32> to vector<1024x64xi32>
      %eq3A_169 = arith.cmpi eq, %broadcast_in_dim3A_168, %iota3A_161 : vector<1024x64xi32>
      %convert_element_type3A_170 = arith.extui %eq3A_169 : vector<1024x64xi1> to vector<1024x64xi32>
      %convert_element_type3A_171 = arith.sitofp %convert_element_type3A_170 : vector<1024x64xi32> to vector<1024x64xf32>
      %broadcast_in_dim3A_172 = vector.shape_cast %broadcast_in_dim3A_67 : vector<1024x1xi32> to vector<1024x1xi32>
      %broadcast_in_dim3A_173 = vector.broadcast %broadcast_in_dim3A_172 : vector<1024x1xi32> to vector<1024x64xi32>
      %eq3A_174 = arith.cmpi eq, %broadcast_in_dim3A_173, %iota3A_161 : vector<1024x64xi32>
      %convert_element_type3A_175 = arith.extui %eq3A_174 : vector<1024x64xi1> to vector<1024x64xi32>
      %convert_element_type3A_176 = arith.sitofp %convert_element_type3A_175 : vector<1024x64xi32> to vector<1024x64xf32>
      %broadcast_in_dim3A_177 = vector.shape_cast %broadcast_in_dim3A_83 : vector<1024x1xi32> to vector<1024x1xi32>
      %broadcast_in_dim3A_178 = vector.broadcast %broadcast_in_dim3A_177 : vector<1024x1xi32> to vector<1024x64xi32>
      %eq3A_179 = arith.cmpi eq, %broadcast_in_dim3A_178, %iota3A_161 : vector<1024x64xi32>
      %convert_element_type3A_180 = arith.extui %eq3A_179 : vector<1024x64xi1> to vector<1024x64xi32>
      %convert_element_type3A_181 = arith.sitofp %convert_element_type3A_180 : vector<1024x64xi32> to vector<1024x64xf32>
      %broadcast_in_dim3A_182 = vector.shape_cast %broadcast_in_dim3A_99 : vector<1024x1xi32> to vector<1024x1xi32>
      %broadcast_in_dim3A_183 = vector.broadcast %broadcast_in_dim3A_182 : vector<1024x1xi32> to vector<1024x64xi32>
      %eq3A_184 = arith.cmpi eq, %broadcast_in_dim3A_183, %iota3A_161 : vector<1024x64xi32>
      %convert_element_type3A_185 = arith.extui %eq3A_184 : vector<1024x64xi1> to vector<1024x64xi32>
      %convert_element_type3A_186 = arith.sitofp %convert_element_type3A_185 : vector<1024x64xi32> to vector<1024x64xf32>
      %broadcast_in_dim3A_187 = vector.shape_cast %broadcast_in_dim3A_115 : vector<1024x1xi32> to vector<1024x1xi32>
      %broadcast_in_dim3A_188 = vector.broadcast %broadcast_in_dim3A_187 : vector<1024x1xi32> to vector<1024x64xi32>
      %eq3A_189 = arith.cmpi eq, %broadcast_in_dim3A_188, %iota3A_161 : vector<1024x64xi32>
      %convert_element_type3A_190 = arith.extui %eq3A_189 : vector<1024x64xi1> to vector<1024x64xi32>
      %convert_element_type3A_191 = arith.sitofp %convert_element_type3A_190 : vector<1024x64xi32> to vector<1024x64xf32>
      %broadcast_in_dim3A_192 = vector.shape_cast %broadcast_in_dim3A_131 : vector<1024x1xi32> to vector<1024x1xi32>
      %broadcast_in_dim3A_193 = vector.broadcast %broadcast_in_dim3A_192 : vector<1024x1xi32> to vector<1024x64xi32>
      %eq3A_194 = arith.cmpi eq, %broadcast_in_dim3A_193, %iota3A_161 : vector<1024x64xi32>
      %convert_element_type3A_195 = arith.extui %eq3A_194 : vector<1024x64xi1> to vector<1024x64xi32>
      %convert_element_type3A_196 = arith.sitofp %convert_element_type3A_195 : vector<1024x64xi32> to vector<1024x64xf32>
      %broadcast_in_dim3A_197 = vector.shape_cast %broadcast_in_dim3A_147 : vector<1024x1xi32> to vector<1024x1xi32>
      %broadcast_in_dim3A_198 = vector.broadcast %broadcast_in_dim3A_197 : vector<1024x1xi32> to vector<1024x64xi32>
      %eq3A_199 = arith.cmpi eq, %broadcast_in_dim3A_198, %iota3A_161 : vector<1024x64xi32>
      %convert_element_type3A_200 = arith.extui %eq3A_199 : vector<1024x64xi1> to vector<1024x64xi32>
      %convert_element_type3A_201 = arith.sitofp %convert_element_type3A_200 : vector<1024x64xi32> to vector<1024x64xf32>
      %add3A = arith.addf %convert_element_type3A_166, %convert_element_type3A_171 : vector<1024x64xf32>
      %add3A_202 = arith.addf %add3A, %convert_element_type3A_176 : vector<1024x64xf32>
      %add3A_203 = arith.addf %add3A_202, %convert_element_type3A_181 : vector<1024x64xf32>
      %add3A_204 = arith.addf %add3A_203, %convert_element_type3A_186 : vector<1024x64xf32>
      %add3A_205 = arith.addf %add3A_204, %convert_element_type3A_191 : vector<1024x64xf32>
      %add3A_206 = arith.addf %add3A_205, %convert_element_type3A_196 : vector<1024x64xf32>
      %add3A_207 = arith.addf %add3A_206, %convert_element_type3A_201 : vector<1024x64xf32>
      %iota3A_208 = tpu.iota {dimensions = array<i32: 0>} : vector<1024x1024xi32>
      %iota3A_209 = tpu.iota {dimensions = array<i32: 1>} : vector<1024x1024xi32>
      %gt3A_210 = arith.cmpi sgt, %iota3A_208, %iota3A_209 : vector<1024x1024xi32>
      %convert_element_type3A_211 = arith.extui %gt3A_210 : vector<1024x1024xi1> to vector<1024x1024xi32>
      %convert_element_type3A_212 = arith.sitofp %convert_element_type3A_211 : vector<1024x1024xi32> to vector<1024x1024xf32>
      %dot_general3A_213 = arith.constant dense<0.000000e+00> : vector<1024x64xf32>
      %dot_general3A_214 = tpu.matmul %convert_element_type3A_212, %add3A_207, %dot_general3A_213 {dimension_numbers = #tpu.dot_dimension_numbers<[1], [0], [0], [1], [0, 0, 1, 1], [], []>, transpose_lhs_hint = false} : vector<1024x1024xf32>, vector<1024x64xf32>, vector<1024x64xf32> -> vector<1024x64xf32>
      %get3A_215 = arith.constant 0 : index
      %get3A_216 = arith.constant 0 : index
      %get3A_217 = vector.load %arg9[%get3A_215, %get3A_216] : memref<8x128xf32, #tpu.memory_space<vmem>>, vector<1x64xf32>
      %broadcast_in_dim3A_218 = vector.shape_cast %get3A_217 : vector<1x64xf32> to vector<1x64xf32>
      %broadcast_in_dim3A_219 = vector.broadcast %broadcast_in_dim3A_218 : vector<1x64xf32> to vector<1024x64xf32>
      %add3A_220 = arith.addf %dot_general3A_214, %broadcast_in_dim3A_219 : vector<1024x64xf32>
      %broadcast_in_dim3A_221 = arith.constant 0.000000e+00 : f32
      %broadcast_in_dim3A_222 = vector.broadcast %broadcast_in_dim3A_221 : f32 to vector<1024x1xf32>
      %mul3A_223 = arith.mulf %add3A_220, %convert_element_type3A_166 : vector<1024x64xf32>
      %reduce_sum3A_224 = arith.constant dense<0.000000e+00> : vector<1024xf32>
      %reduce_sum3A_225 = vector.multi_reduction <add>, %mul3A_223, %reduce_sum3A_224 [1] : vector<1024x64xf32> to vector<1024xf32>
      %broadcast_in_dim3A_226 = vector.shape_cast %reduce_sum3A_225 : vector<1024xf32> to vector<1024x1xf32>
      %add3A_227 = arith.addf %broadcast_in_dim3A_226, %broadcast_in_dim3A_222 : vector<1024x1xf32>
      %broadcast_in_dim3A_228 = arith.constant 0.000000e+00 : f32
      %broadcast_in_dim3A_229 = vector.broadcast %broadcast_in_dim3A_228 : f32 to vector<1024x1xf32>
      %eq3A_230 = arith.cmpi eq, %broadcast_in_dim3A_35, %broadcast_in_dim3A_51 : vector<1024x1xi32>
      %convert_element_type3A_231 = arith.extui %eq3A_230 : vector<1024x1xi1> to vector<1024x1xi32>
      %convert_element_type3A_232 = arith.sitofp %convert_element_type3A_231 : vector<1024x1xi32> to vector<1024x1xf32>
      %add3A_233 = arith.addf %broadcast_in_dim3A_229, %convert_element_type3A_232 : vector<1024x1xf32>
      %mul3A_234 = arith.mulf %add3A_220, %convert_element_type3A_171 : vector<1024x64xf32>
      %reduce_sum3A_235 = arith.constant dense<0.000000e+00> : vector<1024xf32>
      %reduce_sum3A_236 = vector.multi_reduction <add>, %mul3A_234, %reduce_sum3A_235 [1] : vector<1024x64xf32> to vector<1024xf32>
      %broadcast_in_dim3A_237 = vector.shape_cast %reduce_sum3A_236 : vector<1024xf32> to vector<1024x1xf32>
      %add3A_238 = arith.addf %broadcast_in_dim3A_237, %add3A_233 : vector<1024x1xf32>
      %broadcast_in_dim3A_239 = arith.constant 0.000000e+00 : f32
      %broadcast_in_dim3A_240 = vector.broadcast %broadcast_in_dim3A_239 : f32 to vector<1024x1xf32>
      %eq3A_241 = arith.cmpi eq, %broadcast_in_dim3A_35, %broadcast_in_dim3A_67 : vector<1024x1xi32>
      %convert_element_type3A_242 = arith.extui %eq3A_241 : vector<1024x1xi1> to vector<1024x1xi32>
      %convert_element_type3A_243 = arith.sitofp %convert_element_type3A_242 : vector<1024x1xi32> to vector<1024x1xf32>
      %add3A_244 = arith.addf %broadcast_in_dim3A_240, %convert_element_type3A_243 : vector<1024x1xf32>
      %eq3A_245 = arith.cmpi eq, %broadcast_in_dim3A_51, %broadcast_in_dim3A_67 : vector<1024x1xi32>
      %convert_element_type3A_246 = arith.extui %eq3A_245 : vector<1024x1xi1> to vector<1024x1xi32>
      %convert_element_type3A_247 = arith.sitofp %convert_element_type3A_246 : vector<1024x1xi32> to vector<1024x1xf32>
      %add3A_248 = arith.addf %add3A_244, %convert_element_type3A_247 : vector<1024x1xf32>
      %mul3A_249 = arith.mulf %add3A_220, %convert_element_type3A_176 : vector<1024x64xf32>
      %reduce_sum3A_250 = arith.constant dense<0.000000e+00> : vector<1024xf32>
      %reduce_sum3A_251 = vector.multi_reduction <add>, %mul3A_249, %reduce_sum3A_250 [1] : vector<1024x64xf32> to vector<1024xf32>
      %broadcast_in_dim3A_252 = vector.shape_cast %reduce_sum3A_251 : vector<1024xf32> to vector<1024x1xf32>
      %add3A_253 = arith.addf %broadcast_in_dim3A_252, %add3A_248 : vector<1024x1xf32>
      %broadcast_in_dim3A_254 = arith.constant 0.000000e+00 : f32
      %broadcast_in_dim3A_255 = vector.broadcast %broadcast_in_dim3A_254 : f32 to vector<1024x1xf32>
      %eq3A_256 = arith.cmpi eq, %broadcast_in_dim3A_35, %broadcast_in_dim3A_83 : vector<1024x1xi32>
      %convert_element_type3A_257 = arith.extui %eq3A_256 : vector<1024x1xi1> to vector<1024x1xi32>
      %convert_element_type3A_258 = arith.sitofp %convert_element_type3A_257 : vector<1024x1xi32> to vector<1024x1xf32>
      %add3A_259 = arith.addf %broadcast_in_dim3A_255, %convert_element_type3A_258 : vector<1024x1xf32>
      %eq3A_260 = arith.cmpi eq, %broadcast_in_dim3A_51, %broadcast_in_dim3A_83 : vector<1024x1xi32>
      %convert_element_type3A_261 = arith.extui %eq3A_260 : vector<1024x1xi1> to vector<1024x1xi32>
      %convert_element_type3A_262 = arith.sitofp %convert_element_type3A_261 : vector<1024x1xi32> to vector<1024x1xf32>
      %add3A_263 = arith.addf %add3A_259, %convert_element_type3A_262 : vector<1024x1xf32>
      %eq3A_264 = arith.cmpi eq, %broadcast_in_dim3A_67, %broadcast_in_dim3A_83 : vector<1024x1xi32>
      %convert_element_type3A_265 = arith.extui %eq3A_264 : vector<1024x1xi1> to vector<1024x1xi32>
      %convert_element_type3A_266 = arith.sitofp %convert_element_type3A_265 : vector<1024x1xi32> to vector<1024x1xf32>
      %add3A_267 = arith.addf %add3A_263, %convert_element_type3A_266 : vector<1024x1xf32>
      %mul3A_268 = arith.mulf %add3A_220, %convert_element_type3A_181 : vector<1024x64xf32>
      %reduce_sum3A_269 = arith.constant dense<0.000000e+00> : vector<1024xf32>
      %reduce_sum3A_270 = vector.multi_reduction <add>, %mul3A_268, %reduce_sum3A_269 [1] : vector<1024x64xf32> to vector<1024xf32>
      %broadcast_in_dim3A_271 = vector.shape_cast %reduce_sum3A_270 : vector<1024xf32> to vector<1024x1xf32>
      %add3A_272 = arith.addf %broadcast_in_dim3A_271, %add3A_267 : vector<1024x1xf32>
      %broadcast_in_dim3A_273 = arith.constant 0.000000e+00 : f32
      %broadcast_in_dim3A_274 = vector.broadcast %broadcast_in_dim3A_273 : f32 to vector<1024x1xf32>
      %eq3A_275 = arith.cmpi eq, %broadcast_in_dim3A_35, %broadcast_in_dim3A_99 : vector<1024x1xi32>
      %convert_element_type3A_276 = arith.extui %eq3A_275 : vector<1024x1xi1> to vector<1024x1xi32>
      %convert_element_type3A_277 = arith.sitofp %convert_element_type3A_276 : vector<1024x1xi32> to vector<1024x1xf32>
      %add3A_278 = arith.addf %broadcast_in_dim3A_274, %convert_element_type3A_277 : vector<1024x1xf32>
      %eq3A_279 = arith.cmpi eq, %broadcast_in_dim3A_51, %broadcast_in_dim3A_99 : vector<1024x1xi32>
      %convert_element_type3A_280 = arith.extui %eq3A_279 : vector<1024x1xi1> to vector<1024x1xi32>
      %convert_element_type3A_281 = arith.sitofp %convert_element_type3A_280 : vector<1024x1xi32> to vector<1024x1xf32>
      %add3A_282 = arith.addf %add3A_278, %convert_element_type3A_281 : vector<1024x1xf32>
      %eq3A_283 = arith.cmpi eq, %broadcast_in_dim3A_67, %broadcast_in_dim3A_99 : vector<1024x1xi32>
      %convert_element_type3A_284 = arith.extui %eq3A_283 : vector<1024x1xi1> to vector<1024x1xi32>
      %convert_element_type3A_285 = arith.sitofp %convert_element_type3A_284 : vector<1024x1xi32> to vector<1024x1xf32>
      %add3A_286 = arith.addf %add3A_282, %convert_element_type3A_285 : vector<1024x1xf32>
      %eq3A_287 = arith.cmpi eq, %broadcast_in_dim3A_83, %broadcast_in_dim3A_99 : vector<1024x1xi32>
      %convert_element_type3A_288 = arith.extui %eq3A_287 : vector<1024x1xi1> to vector<1024x1xi32>
      %convert_element_type3A_289 = arith.sitofp %convert_element_type3A_288 : vector<1024x1xi32> to vector<1024x1xf32>
      %add3A_290 = arith.addf %add3A_286, %convert_element_type3A_289 : vector<1024x1xf32>
      %mul3A_291 = arith.mulf %add3A_220, %convert_element_type3A_186 : vector<1024x64xf32>
      %reduce_sum3A_292 = arith.constant dense<0.000000e+00> : vector<1024xf32>
      %reduce_sum3A_293 = vector.multi_reduction <add>, %mul3A_291, %reduce_sum3A_292 [1] : vector<1024x64xf32> to vector<1024xf32>
      %broadcast_in_dim3A_294 = vector.shape_cast %reduce_sum3A_293 : vector<1024xf32> to vector<1024x1xf32>
      %add3A_295 = arith.addf %broadcast_in_dim3A_294, %add3A_290 : vector<1024x1xf32>
      %broadcast_in_dim3A_296 = arith.constant 0.000000e+00 : f32
      %broadcast_in_dim3A_297 = vector.broadcast %broadcast_in_dim3A_296 : f32 to vector<1024x1xf32>
      %eq3A_298 = arith.cmpi eq, %broadcast_in_dim3A_35, %broadcast_in_dim3A_115 : vector<1024x1xi32>
      %convert_element_type3A_299 = arith.extui %eq3A_298 : vector<1024x1xi1> to vector<1024x1xi32>
      %convert_element_type3A_300 = arith.sitofp %convert_element_type3A_299 : vector<1024x1xi32> to vector<1024x1xf32>
      %add3A_301 = arith.addf %broadcast_in_dim3A_297, %convert_element_type3A_300 : vector<1024x1xf32>
      %eq3A_302 = arith.cmpi eq, %broadcast_in_dim3A_51, %broadcast_in_dim3A_115 : vector<1024x1xi32>
      %convert_element_type3A_303 = arith.extui %eq3A_302 : vector<1024x1xi1> to vector<1024x1xi32>
      %convert_element_type3A_304 = arith.sitofp %convert_element_type3A_303 : vector<1024x1xi32> to vector<1024x1xf32>
      %add3A_305 = arith.addf %add3A_301, %convert_element_type3A_304 : vector<1024x1xf32>
      %eq3A_306 = arith.cmpi eq, %broadcast_in_dim3A_67, %broadcast_in_dim3A_115 : vector<1024x1xi32>
      %convert_element_type3A_307 = arith.extui %eq3A_306 : vector<1024x1xi1> to vector<1024x1xi32>
      %convert_element_type3A_308 = arith.sitofp %convert_element_type3A_307 : vector<1024x1xi32> to vector<1024x1xf32>
      %add3A_309 = arith.addf %add3A_305, %convert_element_type3A_308 : vector<1024x1xf32>
      %eq3A_310 = arith.cmpi eq, %broadcast_in_dim3A_83, %broadcast_in_dim3A_115 : vector<1024x1xi32>
      %convert_element_type3A_311 = arith.extui %eq3A_310 : vector<1024x1xi1> to vector<1024x1xi32>
      %convert_element_type3A_312 = arith.sitofp %convert_element_type3A_311 : vector<1024x1xi32> to vector<1024x1xf32>
      %add3A_313 = arith.addf %add3A_309, %convert_element_type3A_312 : vector<1024x1xf32>
      %eq3A_314 = arith.cmpi eq, %broadcast_in_dim3A_99, %broadcast_in_dim3A_115 : vector<1024x1xi32>
      %convert_element_type3A_315 = arith.extui %eq3A_314 : vector<1024x1xi1> to vector<1024x1xi32>
      %convert_element_type3A_316 = arith.sitofp %convert_element_type3A_315 : vector<1024x1xi32> to vector<1024x1xf32>
      %add3A_317 = arith.addf %add3A_313, %convert_element_type3A_316 : vector<1024x1xf32>
      %mul3A_318 = arith.mulf %add3A_220, %convert_element_type3A_191 : vector<1024x64xf32>
      %reduce_sum3A_319 = arith.constant dense<0.000000e+00> : vector<1024xf32>
      %reduce_sum3A_320 = vector.multi_reduction <add>, %mul3A_318, %reduce_sum3A_319 [1] : vector<1024x64xf32> to vector<1024xf32>
      %broadcast_in_dim3A_321 = vector.shape_cast %reduce_sum3A_320 : vector<1024xf32> to vector<1024x1xf32>
      %add3A_322 = arith.addf %broadcast_in_dim3A_321, %add3A_317 : vector<1024x1xf32>
      %broadcast_in_dim3A_323 = arith.constant 0.000000e+00 : f32
      %broadcast_in_dim3A_324 = vector.broadcast %broadcast_in_dim3A_323 : f32 to vector<1024x1xf32>
      %eq3A_325 = arith.cmpi eq, %broadcast_in_dim3A_35, %broadcast_in_dim3A_131 : vector<1024x1xi32>
      %convert_element_type3A_326 = arith.extui %eq3A_325 : vector<1024x1xi1> to vector<1024x1xi32>
      %convert_element_type3A_327 = arith.sitofp %convert_element_type3A_326 : vector<1024x1xi32> to vector<1024x1xf32>
      %add3A_328 = arith.addf %broadcast_in_dim3A_324, %convert_element_type3A_327 : vector<1024x1xf32>
      %eq3A_329 = arith.cmpi eq, %broadcast_in_dim3A_51, %broadcast_in_dim3A_131 : vector<1024x1xi32>
      %convert_element_type3A_330 = arith.extui %eq3A_329 : vector<1024x1xi1> to vector<1024x1xi32>
      %convert_element_type3A_331 = arith.sitofp %convert_element_type3A_330 : vector<1024x1xi32> to vector<1024x1xf32>
      %add3A_332 = arith.addf %add3A_328, %convert_element_type3A_331 : vector<1024x1xf32>
      %eq3A_333 = arith.cmpi eq, %broadcast_in_dim3A_67, %broadcast_in_dim3A_131 : vector<1024x1xi32>
      %convert_element_type3A_334 = arith.extui %eq3A_333 : vector<1024x1xi1> to vector<1024x1xi32>
      %convert_element_type3A_335 = arith.sitofp %convert_element_type3A_334 : vector<1024x1xi32> to vector<1024x1xf32>
      %add3A_336 = arith.addf %add3A_332, %convert_element_type3A_335 : vector<1024x1xf32>
      %eq3A_337 = arith.cmpi eq, %broadcast_in_dim3A_83, %broadcast_in_dim3A_131 : vector<1024x1xi32>
      %convert_element_type3A_338 = arith.extui %eq3A_337 : vector<1024x1xi1> to vector<1024x1xi32>
      %convert_element_type3A_339 = arith.sitofp %convert_element_type3A_338 : vector<1024x1xi32> to vector<1024x1xf32>
      %add3A_340 = arith.addf %add3A_336, %convert_element_type3A_339 : vector<1024x1xf32>
      %eq3A_341 = arith.cmpi eq, %broadcast_in_dim3A_99, %broadcast_in_dim3A_131 : vector<1024x1xi32>
      %convert_element_type3A_342 = arith.extui %eq3A_341 : vector<1024x1xi1> to vector<1024x1xi32>
      %convert_element_type3A_343 = arith.sitofp %convert_element_type3A_342 : vector<1024x1xi32> to vector<1024x1xf32>
      %add3A_344 = arith.addf %add3A_340, %convert_element_type3A_343 : vector<1024x1xf32>
      %eq3A_345 = arith.cmpi eq, %broadcast_in_dim3A_115, %broadcast_in_dim3A_131 : vector<1024x1xi32>
      %convert_element_type3A_346 = arith.extui %eq3A_345 : vector<1024x1xi1> to vector<1024x1xi32>
      %convert_element_type3A_347 = arith.sitofp %convert_element_type3A_346 : vector<1024x1xi32> to vector<1024x1xf32>
      %add3A_348 = arith.addf %add3A_344, %convert_element_type3A_347 : vector<1024x1xf32>
      %mul3A_349 = arith.mulf %add3A_220, %convert_element_type3A_196 : vector<1024x64xf32>
      %reduce_sum3A_350 = arith.constant dense<0.000000e+00> : vector<1024xf32>
      %reduce_sum3A_351 = vector.multi_reduction <add>, %mul3A_349, %reduce_sum3A_350 [1] : vector<1024x64xf32> to vector<1024xf32>
      %broadcast_in_dim3A_352 = vector.shape_cast %reduce_sum3A_351 : vector<1024xf32> to vector<1024x1xf32>
      %add3A_353 = arith.addf %broadcast_in_dim3A_352, %add3A_348 : vector<1024x1xf32>
      %broadcast_in_dim3A_354 = arith.constant 0.000000e+00 : f32
      %broadcast_in_dim3A_355 = vector.broadcast %broadcast_in_dim3A_354 : f32 to vector<1024x1xf32>
      %eq3A_356 = arith.cmpi eq, %broadcast_in_dim3A_35, %broadcast_in_dim3A_147 : vector<1024x1xi32>
      %convert_element_type3A_357 = arith.extui %eq3A_356 : vector<1024x1xi1> to vector<1024x1xi32>
      %convert_element_type3A_358 = arith.sitofp %convert_element_type3A_357 : vector<1024x1xi32> to vector<1024x1xf32>
      %add3A_359 = arith.addf %broadcast_in_dim3A_355, %convert_element_type3A_358 : vector<1024x1xf32>
      %eq3A_360 = arith.cmpi eq, %broadcast_in_dim3A_51, %broadcast_in_dim3A_147 : vector<1024x1xi32>
      %convert_element_type3A_361 = arith.extui %eq3A_360 : vector<1024x1xi1> to vector<1024x1xi32>
      %convert_element_type3A_362 = arith.sitofp %convert_element_type3A_361 : vector<1024x1xi32> to vector<1024x1xf32>
      %add3A_363 = arith.addf %add3A_359, %convert_element_type3A_362 : vector<1024x1xf32>
      %eq3A_364 = arith.cmpi eq, %broadcast_in_dim3A_67, %broadcast_in_dim3A_147 : vector<1024x1xi32>
      %convert_element_type3A_365 = arith.extui %eq3A_364 : vector<1024x1xi1> to vector<1024x1xi32>
      %convert_element_type3A_366 = arith.sitofp %convert_element_type3A_365 : vector<1024x1xi32> to vector<1024x1xf32>
      %add3A_367 = arith.addf %add3A_363, %convert_element_type3A_366 : vector<1024x1xf32>
      %eq3A_368 = arith.cmpi eq, %broadcast_in_dim3A_83, %broadcast_in_dim3A_147 : vector<1024x1xi32>
      %convert_element_type3A_369 = arith.extui %eq3A_368 : vector<1024x1xi1> to vector<1024x1xi32>
      %convert_element_type3A_370 = arith.sitofp %convert_element_type3A_369 : vector<1024x1xi32> to vector<1024x1xf32>
      %add3A_371 = arith.addf %add3A_367, %convert_element_type3A_370 : vector<1024x1xf32>
      %eq3A_372 = arith.cmpi eq, %broadcast_in_dim3A_99, %broadcast_in_dim3A_147 : vector<1024x1xi32>
      %convert_element_type3A_373 = arith.extui %eq3A_372 : vector<1024x1xi1> to vector<1024x1xi32>
      %convert_element_type3A_374 = arith.sitofp %convert_element_type3A_373 : vector<1024x1xi32> to vector<1024x1xf32>
      %add3A_375 = arith.addf %add3A_371, %convert_element_type3A_374 : vector<1024x1xf32>
      %eq3A_376 = arith.cmpi eq, %broadcast_in_dim3A_115, %broadcast_in_dim3A_147 : vector<1024x1xi32>
      %convert_element_type3A_377 = arith.extui %eq3A_376 : vector<1024x1xi1> to vector<1024x1xi32>
      %convert_element_type3A_378 = arith.sitofp %convert_element_type3A_377 : vector<1024x1xi32> to vector<1024x1xf32>
      %add3A_379 = arith.addf %add3A_375, %convert_element_type3A_378 : vector<1024x1xf32>
      %eq3A_380 = arith.cmpi eq, %broadcast_in_dim3A_131, %broadcast_in_dim3A_147 : vector<1024x1xi32>
      %convert_element_type3A_381 = arith.extui %eq3A_380 : vector<1024x1xi1> to vector<1024x1xi32>
      %convert_element_type3A_382 = arith.sitofp %convert_element_type3A_381 : vector<1024x1xi32> to vector<1024x1xf32>
      %add3A_383 = arith.addf %add3A_379, %convert_element_type3A_382 : vector<1024x1xf32>
      %mul3A_384 = arith.mulf %add3A_220, %convert_element_type3A_201 : vector<1024x64xf32>
      %reduce_sum3A_385 = arith.constant dense<0.000000e+00> : vector<1024xf32>
      %reduce_sum3A_386 = vector.multi_reduction <add>, %mul3A_384, %reduce_sum3A_385 [1] : vector<1024x64xf32> to vector<1024xf32>
      %broadcast_in_dim3A_387 = vector.shape_cast %reduce_sum3A_386 : vector<1024xf32> to vector<1024x1xf32>
      %add3A_388 = arith.addf %broadcast_in_dim3A_387, %add3A_383 : vector<1024x1xf32>
      %concatenate3A_389 = tpu.concatenate %add3A_227, %add3A_238, %add3A_253, %add3A_272, %add3A_295, %add3A_322, %add3A_353, %add3A_388 in 1 : vector<1024x1xf32>, vector<1024x1xf32>, vector<1024x1xf32>, vector<1024x1xf32>, vector<1024x1xf32>, vector<1024x1xf32>, vector<1024x1xf32>, vector<1024x1xf32> -> vector<1024x8xf32>
      %mul3A_390 = arith.constant 1024 : i32
      %mul3A_391 = arith.muli %arg0, %mul3A_390 : i32
      %swap3A_392 = arith.index_cast %mul3A_391 : i32 to index
      %swap3A_393 = arith.constant 0 : index
      %swap3A_394 = vector.load %arg7[%swap3A_392, %swap3A_393] : memref<2048x8xf32, #tpu.memory_space<vmem>>, vector<1024x8xf32>
      tpu.vector_store %arg7[%swap3A_392, %swap3A_393], %concatenate3A_389 {strides = array<i32>} : memref<2048x8xf32, #tpu.memory_space<vmem>>, vector<1024x8xf32>,
      %get3A_395 = arith.constant 0 : index
      %get3A_396 = arith.constant 0 : index
      %get3A_397 = vector.load %arg9[%get3A_395, %get3A_396] : memref<8x128xf32, #tpu.memory_space<vmem>>, vector<1x64xf32>
      %reduce_sum3A_398 = arith.constant dense<0.000000e+00> : vector<64xf32>
      %reduce_sum3A_399 = vector.multi_reduction <add>, %add3A_207, %reduce_sum3A_398 [0] : vector<1024x64xf32> to vector<64xf32>
      %broadcast_in_dim3A_400 = vector.shape_cast %reduce_sum3A_399 : vector<64xf32> to vector<1x64xf32>
      %add3A_401 = arith.addf %get3A_397, %broadcast_in_dim3A_400 : vector<1x64xf32>
      %swap3A_402 = arith.constant 0 : index
      %swap3A_403 = arith.constant 0 : index
      %swap3A_404 = vector.load %arg9[%swap3A_402, %swap3A_403] : memref<8x128xf32, #tpu.memory_space<vmem>>, vector<1x64xf32>
      tpu.vector_store %arg9[%swap3A_402, %swap3A_403], %add3A_401 {strides = array<i32>} : memref<8x128xf32, #tpu.memory_space<vmem>>, vector<1x64xf32>,
    } else {
    }
    %eq3A_6 = arith.constant 2 : i32
    %eq3A_7 = arith.cmpi eq, %arg0, %eq3A_6 : i32
    %convert_element_type3A_8 = arith.extui %eq3A_7 : i1 to i32
    %cond3A_9 = arith.constant 0 : i32
    %cond3A_10 = arith.cmpi ne, %convert_element_type3A_8, %cond3A_9 : i32
    scf.if %cond3A_10 {
      %get3A = arith.constant 0 : index
      %get3A_15 = arith.constant 0 : index
      %get3A_16 = vector.load %arg9[%get3A, %get3A_15] : memref<8x128xf32, #tpu.memory_space<vmem>>, vector<1x64xf32>
      %broadcast_in_dim3A = vector.shape_cast %get3A_16 : vector<1x64xf32> to vector<1x64xf32>
      %broadcast_in_dim3A_17 = vector.broadcast %broadcast_in_dim3A : vector<1x64xf32> to vector<8x64xf32>
      %mul3A = arith.constant 3.906250e-03 : f32
      %mul3A_18 = vector.broadcast %mul3A : f32 to vector<8x64xf32>
      %mul3A_19 = arith.mulf %broadcast_in_dim3A_17, %mul3A_18 : vector<8x64xf32>
      %floor3A = math.floor %mul3A_19 : vector<8x64xf32>
      %mul3A_20 = arith.constant 2.560000e+02 : f32
      %mul3A_21 = vector.broadcast %mul3A_20 : f32 to vector<8x64xf32>
      %mul3A_22 = arith.mulf %floor3A, %mul3A_21 : vector<8x64xf32>
      %sub3A = arith.subf %broadcast_in_dim3A_17, %mul3A_22 : vector<8x64xf32>
      %iota3A = tpu.iota {dimensions = array<i32: 0>} : vector<64x64xi32>
      %iota3A_23 = tpu.iota {dimensions = array<i32: 1>} : vector<64x64xi32>
      %lt3A_24 = arith.cmpi slt, %iota3A, %iota3A_23 : vector<64x64xi32>
      %convert_element_type3A_25 = arith.extui %lt3A_24 : vector<64x64xi1> to vector<64x64xi32>
      %convert_element_type3A_26 = arith.sitofp %convert_element_type3A_25 : vector<64x64xi32> to vector<64x64xf32>
      %dot_general3A = arith.constant dense<0.000000e+00> : vector<8x64xf32>
      %dot_general3A_27 = tpu.matmul %floor3A, %convert_element_type3A_26, %dot_general3A {dimension_numbers = #tpu.dot_dimension_numbers<[1], [0], [0], [1], [0, 0, 1, 1], [], []>, transpose_lhs_hint = false} : vector<8x64xf32>, vector<64x64xf32>, vector<8x64xf32> -> vector<8x64xf32>
      %mul3A_28 = arith.constant 2.560000e+02 : f32
      %mul3A_29 = vector.broadcast %mul3A_28 : f32 to vector<8x64xf32>
      %mul3A_30 = arith.mulf %dot_general3A_27, %mul3A_29 : vector<8x64xf32>
      %dot_general3A_31 = arith.constant dense<0.000000e+00> : vector<8x64xf32>
      %dot_general3A_32 = tpu.matmul %sub3A, %convert_element_type3A_26, %dot_general3A_31 {dimension_numbers = #tpu.dot_dimension_numbers<[1], [0], [0], [1], [0, 0, 1, 1], [], []>, transpose_lhs_hint = false} : vector<8x64xf32>, vector<64x64xf32>, vector<8x64xf32> -> vector<8x64xf32>
      %add3A = arith.addf %mul3A_30, %dot_general3A_32 : vector<8x64xf32>
      %slice3A = vector.extract_strided_slice %add3A {offsets = [0, 0], sizes = [1, 64], strides = [1, 1]} : vector<8x64xf32> to vector<1x64xf32>
      %swap3A = arith.constant 1 : index
      %swap3A_33 = arith.constant 0 : index
      %swap3A_34 = vector.load %arg9[%swap3A, %swap3A_33] : memref<8x128xf32, #tpu.memory_space<vmem>>, vector<1x64xf32>
      tpu.vector_store %arg9[%swap3A, %swap3A_33], %slice3A {strides = array<i32>} : memref<8x128xf32, #tpu.memory_space<vmem>>, vector<1x64xf32>,
      %slice3A_35 = vector.extract_strided_slice %add3A {offsets = [0, 0], sizes = [1, 64], strides = [1, 1]} : vector<8x64xf32> to vector<1x64xf32>
      %broadcast_in_dim3A_36 = vector.shape_cast %slice3A_35 : vector<1x64xf32> to vector<1x64xf32>
      %broadcast_in_dim3A_37 = vector.broadcast %broadcast_in_dim3A_36 : vector<1x64xf32> to vector<128x64xf32>
      %iota3A_38 = tpu.iota {dimensions = array<i32: 0>} : vector<128x64xi32>
      %mul3A_39 = arith.constant 128 : i32
      %mul3A_40 = vector.broadcast %mul3A_39 : i32 to vector<128x64xi32>
      %mul3A_41 = arith.muli %mul3A_40, %iota3A_38 : vector<128x64xi32>
      %convert_element_type3A_42 = arith.sitofp %mul3A_41 : vector<128x64xi32> to vector<128x64xf32>
      %le3A = arith.cmpf ole, %broadcast_in_dim3A_37, %convert_element_type3A_42 : vector<128x64xf32>
      %convert_element_type3A_43 = arith.extui %le3A : vector<128x64xi1> to vector<128x64xi32>
      %convert_element_type3A_44 = arith.sitofp %convert_element_type3A_43 : vector<128x64xi32> to vector<128x64xf32>
      %reduce_sum3A = arith.constant dense<0.000000e+00> : vector<128xf32>
      %reduce_sum3A_45 = vector.multi_reduction <add>, %convert_element_type3A_44, %reduce_sum3A [1] : vector<128x64xf32> to vector<128xf32>
      %broadcast_in_dim3A_46 = vector.shape_cast %reduce_sum3A_45 : vector<128xf32> to vector<128x1xf32>
      %sub3A_47 = arith.constant 1.000000e+00 : f32
      %sub3A_48 = vector.broadcast %sub3A_47 : f32 to vector<128x1xf32>
      %sub3A_49 = arith.subf %broadcast_in_dim3A_46, %sub3A_48 : vector<128x1xf32>
      %broadcast_in_dim3A_50 = vector.shape_cast %sub3A_49 : vector<128x1xf32> to vector<128x1xf32>
      %broadcast_in_dim3A_51 = vector.broadcast %broadcast_in_dim3A_50 : vector<128x1xf32> to vector<128x128xf32>
      %convert_element_type3A_52 = arith.fptosi %broadcast_in_dim3A_51 : vector<128x128xf32> to vector<128x128xi32>
      %swap3A_53 = arith.constant 0 : index
      %swap3A_54 = arith.constant 0 : index
      %swap3A_55 = vector.load %arg6[%swap3A_53, %swap3A_54] : memref<128x128xi32, #tpu.memory_space<vmem>>, vector<128x128xi32>
      tpu.vector_store %arg6[%swap3A_53, %swap3A_54], %convert_element_type3A_52 {strides = array<i32>} : memref<128x128xi32, #tpu.memory_space<vmem>>, vector<128x128xi32>,
    } else {
    }
    %gt3A = arith.constant 2 : i32
    %gt3A_11 = arith.cmpi sgt, %arg0, %gt3A : i32
    %convert_element_type3A_12 = arith.extui %gt3A_11 : i1 to i32
    %cond3A_13 = arith.constant 0 : i32
    %cond3A_14 = arith.cmpi ne, %convert_element_type3A_12, %cond3A_13 : i32
    scf.if %cond3A_14 {
      %get3A = arith.constant 0 : index
      %get3A_15 = arith.constant 0 : index
      %get3A_16 = vector.load %arg8[%get3A, %get3A_15] : memref<2048x8xi32, #tpu.memory_space<vmem>>, vector<2048x8xi32>
      %get3A_17 = arith.constant 1 : index
      %get3A_18 = arith.constant 0 : index
      %get3A_19 = vector.load %arg9[%get3A_17, %get3A_18] : memref<8x128xf32, #tpu.memory_space<vmem>>, vector<1x64xf32>
      %broadcast_in_dim3A = vector.shape_cast %get3A_19 : vector<1x64xf32> to vector<1x64xf32>
      %broadcast_in_dim3A_20 = vector.broadcast %broadcast_in_dim3A : vector<1x64xf32> to vector<2048x64xf32>
      %iota3A = tpu.iota {dimensions = array<i32: 1>} : vector<2048x64xi32>
      %slice3A = vector.extract_strided_slice %get3A_16 {offsets = [0, 0], sizes = [2048, 1], strides = [1, 1]} : vector<2048x8xi32> to vector<2048x1xi32>
      %broadcast_in_dim3A_21 = vector.shape_cast %slice3A : vector<2048x1xi32> to vector<2048x1xi32>
      %broadcast_in_dim3A_22 = vector.broadcast %broadcast_in_dim3A_21 : vector<2048x1xi32> to vector<2048x64xi32>
      %eq3A_23 = arith.cmpi eq, %broadcast_in_dim3A_22, %iota3A : vector<2048x64xi32>
      %convert_element_type3A_24 = arith.extui %eq3A_23 : vector<2048x64xi1> to vector<2048x64xi32>
      %convert_element_type3A_25 = arith.sitofp %convert_element_type3A_24 : vector<2048x64xi32> to vector<2048x64xf32>
      %mul3A = arith.mulf %broadcast_in_dim3A_20, %convert_element_type3A_25 : vector<2048x64xf32>
      %reduce_sum3A = arith.constant dense<0.000000e+00> : vector<2048xf32>
      %reduce_sum3A_26 = vector.multi_reduction <add>, %mul3A, %reduce_sum3A [1] : vector<2048x64xf32> to vector<2048xf32>
      %broadcast_in_dim3A_27 = vector.shape_cast %reduce_sum3A_26 : vector<2048xf32> to vector<2048x1xf32>
      %slice3A_28 = vector.extract_strided_slice %get3A_16 {offsets = [0, 1], sizes = [2048, 1], strides = [1, 1]} : vector<2048x8xi32> to vector<2048x1xi32>
      %broadcast_in_dim3A_29 = vector.shape_cast %slice3A_28 : vector<2048x1xi32> to vector<2048x1xi32>
      %broadcast_in_dim3A_30 = vector.broadcast %broadcast_in_dim3A_29 : vector<2048x1xi32> to vector<2048x64xi32>
      %eq3A_31 = arith.cmpi eq, %broadcast_in_dim3A_30, %iota3A : vector<2048x64xi32>
      %convert_element_type3A_32 = arith.extui %eq3A_31 : vector<2048x64xi1> to vector<2048x64xi32>
      %convert_element_type3A_33 = arith.sitofp %convert_element_type3A_32 : vector<2048x64xi32> to vector<2048x64xf32>
      %mul3A_34 = arith.mulf %broadcast_in_dim3A_20, %convert_element_type3A_33 : vector<2048x64xf32>
      %reduce_sum3A_35 = arith.constant dense<0.000000e+00> : vector<2048xf32>
      %reduce_sum3A_36 = vector.multi_reduction <add>, %mul3A_34, %reduce_sum3A_35 [1] : vector<2048x64xf32> to vector<2048xf32>
      %broadcast_in_dim3A_37 = vector.shape_cast %reduce_sum3A_36 : vector<2048xf32> to vector<2048x1xf32>
      %slice3A_38 = vector.extract_strided_slice %get3A_16 {offsets = [0, 2], sizes = [2048, 1], strides = [1, 1]} : vector<2048x8xi32> to vector<2048x1xi32>
      %broadcast_in_dim3A_39 = vector.shape_cast %slice3A_38 : vector<2048x1xi32> to vector<2048x1xi32>
      %broadcast_in_dim3A_40 = vector.broadcast %broadcast_in_dim3A_39 : vector<2048x1xi32> to vector<2048x64xi32>
      %eq3A_41 = arith.cmpi eq, %broadcast_in_dim3A_40, %iota3A : vector<2048x64xi32>
      %convert_element_type3A_42 = arith.extui %eq3A_41 : vector<2048x64xi1> to vector<2048x64xi32>
      %convert_element_type3A_43 = arith.sitofp %convert_element_type3A_42 : vector<2048x64xi32> to vector<2048x64xf32>
      %mul3A_44 = arith.mulf %broadcast_in_dim3A_20, %convert_element_type3A_43 : vector<2048x64xf32>
      %reduce_sum3A_45 = arith.constant dense<0.000000e+00> : vector<2048xf32>
      %reduce_sum3A_46 = vector.multi_reduction <add>, %mul3A_44, %reduce_sum3A_45 [1] : vector<2048x64xf32> to vector<2048xf32>
      %broadcast_in_dim3A_47 = vector.shape_cast %reduce_sum3A_46 : vector<2048xf32> to vector<2048x1xf32>
      %slice3A_48 = vector.extract_strided_slice %get3A_16 {offsets = [0, 3], sizes = [2048, 1], strides = [1, 1]} : vector<2048x8xi32> to vector<2048x1xi32>
      %broadcast_in_dim3A_49 = vector.shape_cast %slice3A_48 : vector<2048x1xi32> to vector<2048x1xi32>
      %broadcast_in_dim3A_50 = vector.broadcast %broadcast_in_dim3A_49 : vector<2048x1xi32> to vector<2048x64xi32>
      %eq3A_51 = arith.cmpi eq, %broadcast_in_dim3A_50, %iota3A : vector<2048x64xi32>
      %convert_element_type3A_52 = arith.extui %eq3A_51 : vector<2048x64xi1> to vector<2048x64xi32>
      %convert_element_type3A_53 = arith.sitofp %convert_element_type3A_52 : vector<2048x64xi32> to vector<2048x64xf32>
      %mul3A_54 = arith.mulf %broadcast_in_dim3A_20, %convert_element_type3A_53 : vector<2048x64xf32>
      %reduce_sum3A_55 = arith.constant dense<0.000000e+00> : vector<2048xf32>
      %reduce_sum3A_56 = vector.multi_reduction <add>, %mul3A_54, %reduce_sum3A_55 [1] : vector<2048x64xf32> to vector<2048xf32>
      %broadcast_in_dim3A_57 = vector.shape_cast %reduce_sum3A_56 : vector<2048xf32> to vector<2048x1xf32>
      %slice3A_58 = vector.extract_strided_slice %get3A_16 {offsets = [0, 4], sizes = [2048, 1], strides = [1, 1]} : vector<2048x8xi32> to vector<2048x1xi32>
      %broadcast_in_dim3A_59 = vector.shape_cast %slice3A_58 : vector<2048x1xi32> to vector<2048x1xi32>
      %broadcast_in_dim3A_60 = vector.broadcast %broadcast_in_dim3A_59 : vector<2048x1xi32> to vector<2048x64xi32>
      %eq3A_61 = arith.cmpi eq, %broadcast_in_dim3A_60, %iota3A : vector<2048x64xi32>
      %convert_element_type3A_62 = arith.extui %eq3A_61 : vector<2048x64xi1> to vector<2048x64xi32>
      %convert_element_type3A_63 = arith.sitofp %convert_element_type3A_62 : vector<2048x64xi32> to vector<2048x64xf32>
      %mul3A_64 = arith.mulf %broadcast_in_dim3A_20, %convert_element_type3A_63 : vector<2048x64xf32>
      %reduce_sum3A_65 = arith.constant dense<0.000000e+00> : vector<2048xf32>
      %reduce_sum3A_66 = vector.multi_reduction <add>, %mul3A_64, %reduce_sum3A_65 [1] : vector<2048x64xf32> to vector<2048xf32>
      %broadcast_in_dim3A_67 = vector.shape_cast %reduce_sum3A_66 : vector<2048xf32> to vector<2048x1xf32>
      %slice3A_68 = vector.extract_strided_slice %get3A_16 {offsets = [0, 5], sizes = [2048, 1], strides = [1, 1]} : vector<2048x8xi32> to vector<2048x1xi32>
      %broadcast_in_dim3A_69 = vector.shape_cast %slice3A_68 : vector<2048x1xi32> to vector<2048x1xi32>
      %broadcast_in_dim3A_70 = vector.broadcast %broadcast_in_dim3A_69 : vector<2048x1xi32> to vector<2048x64xi32>
      %eq3A_71 = arith.cmpi eq, %broadcast_in_dim3A_70, %iota3A : vector<2048x64xi32>
      %convert_element_type3A_72 = arith.extui %eq3A_71 : vector<2048x64xi1> to vector<2048x64xi32>
      %convert_element_type3A_73 = arith.sitofp %convert_element_type3A_72 : vector<2048x64xi32> to vector<2048x64xf32>
      %mul3A_74 = arith.mulf %broadcast_in_dim3A_20, %convert_element_type3A_73 : vector<2048x64xf32>
      %reduce_sum3A_75 = arith.constant dense<0.000000e+00> : vector<2048xf32>
      %reduce_sum3A_76 = vector.multi_reduction <add>, %mul3A_74, %reduce_sum3A_75 [1] : vector<2048x64xf32> to vector<2048xf32>
      %broadcast_in_dim3A_77 = vector.shape_cast %reduce_sum3A_76 : vector<2048xf32> to vector<2048x1xf32>
      %slice3A_78 = vector.extract_strided_slice %get3A_16 {offsets = [0, 6], sizes = [2048, 1], strides = [1, 1]} : vector<2048x8xi32> to vector<2048x1xi32>
      %broadcast_in_dim3A_79 = vector.shape_cast %slice3A_78 : vector<2048x1xi32> to vector<2048x1xi32>
      %broadcast_in_dim3A_80 = vector.broadcast %broadcast_in_dim3A_79 : vector<2048x1xi32> to vector<2048x64xi32>
      %eq3A_81 = arith.cmpi eq, %broadcast_in_dim3A_80, %iota3A : vector<2048x64xi32>
      %convert_element_type3A_82 = arith.extui %eq3A_81 : vector<2048x64xi1> to vector<2048x64xi32>
      %convert_element_type3A_83 = arith.sitofp %convert_element_type3A_82 : vector<2048x64xi32> to vector<2048x64xf32>
      %mul3A_84 = arith.mulf %broadcast_in_dim3A_20, %convert_element_type3A_83 : vector<2048x64xf32>
      %reduce_sum3A_85 = arith.constant dense<0.000000e+00> : vector<2048xf32>
      %reduce_sum3A_86 = vector.multi_reduction <add>, %mul3A_84, %reduce_sum3A_85 [1] : vector<2048x64xf32> to vector<2048xf32>
      %broadcast_in_dim3A_87 = vector.shape_cast %reduce_sum3A_86 : vector<2048xf32> to vector<2048x1xf32>
      %slice3A_88 = vector.extract_strided_slice %get3A_16 {offsets = [0, 7], sizes = [2048, 1], strides = [1, 1]} : vector<2048x8xi32> to vector<2048x1xi32>
      %broadcast_in_dim3A_89 = vector.shape_cast %slice3A_88 : vector<2048x1xi32> to vector<2048x1xi32>
      %broadcast_in_dim3A_90 = vector.broadcast %broadcast_in_dim3A_89 : vector<2048x1xi32> to vector<2048x64xi32>
      %eq3A_91 = arith.cmpi eq, %broadcast_in_dim3A_90, %iota3A : vector<2048x64xi32>
      %convert_element_type3A_92 = arith.extui %eq3A_91 : vector<2048x64xi1> to vector<2048x64xi32>
      %convert_element_type3A_93 = arith.sitofp %convert_element_type3A_92 : vector<2048x64xi32> to vector<2048x64xf32>
      %mul3A_94 = arith.mulf %broadcast_in_dim3A_20, %convert_element_type3A_93 : vector<2048x64xf32>
      %reduce_sum3A_95 = arith.constant dense<0.000000e+00> : vector<2048xf32>
      %reduce_sum3A_96 = vector.multi_reduction <add>, %mul3A_94, %reduce_sum3A_95 [1] : vector<2048x64xf32> to vector<2048xf32>
      %broadcast_in_dim3A_97 = vector.shape_cast %reduce_sum3A_96 : vector<2048xf32> to vector<2048x1xf32>
      %concatenate3A = tpu.concatenate %broadcast_in_dim3A_27, %broadcast_in_dim3A_37, %broadcast_in_dim3A_47, %broadcast_in_dim3A_57, %broadcast_in_dim3A_67, %broadcast_in_dim3A_77, %broadcast_in_dim3A_87, %broadcast_in_dim3A_97 in 1 : vector<2048x1xf32>, vector<2048x1xf32>, vector<2048x1xf32>, vector<2048x1xf32>, vector<2048x1xf32>, vector<2048x1xf32>, vector<2048x1xf32>, vector<2048x1xf32> -> vector<2048x8xf32>
      %get3A_98 = arith.constant 0 : index
      %get3A_99 = arith.constant 0 : index
      %get3A_100 = vector.load %arg7[%get3A_98, %get3A_99] : memref<2048x8xf32, #tpu.memory_space<vmem>>, vector<2048x8xf32>
      %add3A = arith.addf %get3A_100, %concatenate3A : vector<2048x8xf32>
      %jit3A = arith.constant 0.000000e+00 : f32
      %jit3A_101 = arith.constant 1.638300e+04 : f32
      %max3A = vector.broadcast %jit3A : f32 to vector<2048x8xf32>
      %max3A_102 = arith.maximumf %max3A, %add3A : vector<2048x8xf32>
      %min3A = vector.broadcast %jit3A_101 : f32 to vector<2048x8xf32>
      %min3A_103 = arith.minimumf %min3A, %max3A_102 : vector<2048x8xf32>
      %convert_element_type3A_104 = arith.fptosi %min3A_103 : vector<2048x8xf32> to vector<2048x8xi32>
      %swap3A = arith.constant 0 : index
      %swap3A_105 = arith.constant 0 : index
      %swap3A_106 = vector.load %arg5[%swap3A, %swap3A_105] : memref<2048x8xi32, #tpu.memory_space<vmem>>, vector<2048x8xi32>
      tpu.vector_store %arg5[%swap3A, %swap3A_105], %convert_element_type3A_104 {strides = array<i32>} : memref<2048x8xi32, #tpu.memory_space<vmem>>, vector<2048x8xi32>,
    } else {
    }
    return
  }
  func.func @transform_0(%arg0: i32) -> (i32, i32) {
    %min3A = arith.constant 1 : i32
    %min3A_0 = arith.minsi %arg0, %min3A : i32
    %c0_i32 = arith.constant 0 : i32
    %c0_i32_1 = arith.constant 0 : i32
    return %min3A_0, %c0_i32 : i32, i32
  }
  func.func @transform_1(%arg0: i32) -> (i32, i32) {
    %c0_i32 = arith.constant 0 : i32
    %c0_i32_0 = arith.constant 0 : i32
    %c0_i32_1 = arith.constant 0 : i32
    return %c0_i32, %c0_i32_0 : i32, i32
  }
  func.func @transform_2(%arg0: i32) -> (i32, i32) {
    %min3A = arith.constant 1 : i32
    %min3A_0 = arith.minsi %arg0, %min3A : i32
    %c0_i32 = arith.constant 0 : i32
    %c0_i32_1 = arith.constant 0 : i32
    return %min3A_0, %c0_i32 : i32, i32
  }
  func.func @transform_3(%arg0: i32) -> (i32, i32) {
    %min3A = arith.constant 1 : i32
    %min3A_0 = arith.minsi %arg0, %min3A : i32
    %c0_i32 = arith.constant 0 : i32
    %c0_i32_1 = arith.constant 0 : i32
    return %min3A_0, %c0_i32 : i32, i32
  }
  func.func @transform_4(%arg0: i32) -> (i32, i32) {
    %c0_i32 = arith.constant 0 : i32
    %c0_i32_0 = arith.constant 0 : i32
    %c0_i32_1 = arith.constant 0 : i32
    return %c0_i32, %c0_i32_0 : i32, i32
  }
  func.func @transform_5(%arg0: i32) -> (i32, i32) {
    %c0_i32 = arith.constant 0 : i32
    %c0_i32_0 = arith.constant 0 : i32
    %c0_i32_1 = arith.constant 0 : i32
    return %c0_i32, %c0_i32_0 : i32, i32
  }
}

module attributes {stable_mosaic.version = 14 : i64} {
  func.func @_mm_body(%arg0: i32, %arg1: memref<128xi32, #tpu.memory_space<smem>>, %arg2: memref<128x768xf32, #tpu.memory_space<vmem>>, %arg3: memref<768x384xf32, #tpu.memory_space<vmem>>, %arg4: memref<128x1xf32, #tpu.memory_space<vmem>>, %arg5: memref<128x1xf32, #tpu.memory_space<vmem>>, %arg6: memref<128x384xf32, #tpu.memory_space<vmem>>) attributes {dimension_semantics = [#tpu.dimension_semantics<arbitrary>], iteration_bounds = array<i64: 128>, scalar_prefetch = 1 : i64, scratch_operands = 0 : i64, tpu.core_type = #tpu.core_type<tc>, window_params = [{transform_indices = @transform_0, window_bounds = array<i64: 128, 768>}, {transform_indices = @transform_1, window_bounds = array<i64: 768, 384>}, {transform_indices = @transform_2, window_bounds = array<i64: 128, 1>}, {transform_indices = @transform_3, window_bounds = array<i64: 128, 1>}, {transform_indices = @transform_4, window_bounds = array<i64: 128, 384>}]} {
    %get3A = arith.constant 0 : index
    %get3A_0 = arith.constant 0 : index
    %get3A_1 = vector.load %arg2[%get3A, %get3A_0] : memref<128x768xf32, #tpu.memory_space<vmem>>, vector<128x768xf32>
    %get3A_2 = arith.constant 0 : index
    %get3A_3 = arith.constant 0 : index
    %get3A_4 = vector.load %arg3[%get3A_2, %get3A_3] : memref<768x384xf32, #tpu.memory_space<vmem>>, vector<768x384xf32>
    %dot_general3A = arith.constant dense<0.000000e+00> : vector<128x384xf32>
    %dot_general3A_5 = tpu.matmul %get3A_1, %get3A_4, %dot_general3A {dimension_numbers = #tpu.dot_dimension_numbers<[1], [0], [0], [1], [0, 0, 1, 1], [], []>, transpose_lhs_hint = false} : vector<128x768xf32>, vector<768x384xf32>, vector<128x384xf32> -> vector<128x384xf32>
    %mul3A = arith.constant 5.000000e-01 : f32
    %mul3A_6 = vector.broadcast %mul3A : f32 to vector<128x384xf32>
    %mul3A_7 = arith.mulf %mul3A_6, %dot_general3A_5 : vector<128x384xf32>
    %mul3A_8 = arith.constant 0.707106769 : f32
    %mul3A_9 = vector.broadcast %mul3A_8 : f32 to vector<128x384xf32>
    %mul3A_10 = arith.mulf %dot_general3A_5, %mul3A_9 : vector<128x384xf32>
    %erf3A = math.erf %mul3A_10 : vector<128x384xf32>
    %add3A = arith.constant 1.000000e+00 : f32
    %add3A_11 = vector.broadcast %add3A : f32 to vector<128x384xf32>
    %add3A_12 = arith.addf %add3A_11, %erf3A : vector<128x384xf32>
    %mul3A_13 = arith.mulf %mul3A_7, %add3A_12 : vector<128x384xf32>
    %get3A_14 = arith.constant 0 : index
    %get3A_15 = arith.constant 0 : index
    %get3A_16 = vector.load %arg4[%get3A_14, %get3A_15] : memref<128x1xf32, #tpu.memory_space<vmem>>, vector<128x1xf32>
    %get3A_17 = arith.constant 0 : index
    %get3A_18 = arith.constant 0 : index
    %get3A_19 = vector.load %arg5[%get3A_17, %get3A_18] : memref<128x1xf32, #tpu.memory_space<vmem>>, vector<128x1xf32>
    %add3A_20 = arith.addf %get3A_16, %get3A_19 : vector<128x1xf32>
    %mul3A_21 = vector.broadcast %add3A_20 : vector<128x1xf32> to vector<128x384xf32>
    %mul3A_22 = arith.mulf %mul3A_13, %mul3A_21 : vector<128x384xf32>
    %swap3A = arith.constant 0 : index
    %swap3A_23 = arith.constant 0 : index
    %swap3A_24 = vector.load %arg6[%swap3A, %swap3A_23] : memref<128x384xf32, #tpu.memory_space<vmem>>, vector<128x384xf32>
    tpu.vector_store %arg6[%swap3A, %swap3A_23], %mul3A_22 {strides = array<i32>} : memref<128x384xf32, #tpu.memory_space<vmem>>, vector<128x384xf32>,
    return
  }
  func.func @transform_0(%arg0: i32, %arg1: memref<128xi32, #tpu.memory_space<smem>>) -> (i32, i32) {
    %c0_i32 = arith.constant 0 : i32
    %c0_i32_0 = arith.constant 0 : i32
    return %arg0, %c0_i32 : i32, i32
  }
  func.func @transform_1(%arg0: i32, %arg1: memref<128xi32, #tpu.memory_space<smem>>) -> (i32, i32) {
    %get3A = arith.index_cast %arg0 : i32 to index
    %get3A_0 = memref.load %arg1[%get3A] : memref<128xi32, #tpu.memory_space<smem>>
    %c0_i32 = arith.constant 0 : i32
    %c0_i32_1 = arith.constant 0 : i32
    return %c0_i32, %get3A_0 : i32, i32
  }
  func.func @transform_2(%arg0: i32, %arg1: memref<128xi32, #tpu.memory_space<smem>>) -> (i32, i32) {
    %c0_i32 = arith.constant 0 : i32
    %c0_i32_0 = arith.constant 0 : i32
    return %arg0, %c0_i32 : i32, i32
  }
  func.func @transform_3(%arg0: i32, %arg1: memref<128xi32, #tpu.memory_space<smem>>) -> (i32, i32) {
    %c0_i32 = arith.constant 0 : i32
    %c0_i32_0 = arith.constant 0 : i32
    return %arg0, %c0_i32 : i32, i32
  }
  func.func @transform_4(%arg0: i32, %arg1: memref<128xi32, #tpu.memory_space<smem>>) -> (i32, i32) {
    %c0_i32 = arith.constant 0 : i32
    %c0_i32_0 = arith.constant 0 : i32
    return %arg0, %c0_i32 : i32, i32
  }
}

</mosaic_0001>

<sc_bundles>
// kernel: kernel.5.cloned.1.call-start
scs
__scs_entry_jumppad:
0x0: {  	(pc) =	sbr.rel $0x88, $3  }
0x1: {  	(tag) =	ssettag $0x0;
	lr =	simm.s32 $0x1  }
0x2: {  	[smem:$0x3F9E] =	sst lr;
	_ =	strace $0xD0000000  }
0x3: {  	_ = 	snop  }
0x4: {  	_ = 	snop  }
0x5: {  	_ = 	snop  }
0x6: {  	_ = 	snop  }
0x7: {  	_ = 	snop  }
__scs_overlays_trampoline_lowered:
0x8: {  	[smem:$0x3FAD] =	sst s0  }
0x9: {  	[smem:$0x3FAE] =	sst s1  }
0xa: {  	[smem:$0x3FAF] =	sst s2  }
0xb: {  	[smem:$0x3FB0] =	sst s3  }
0xc: {  	[smem:$0x3FB1] =	sst s4  }
0xd: {  	[smem:$0x3FB2] =	sst s5  }
0xe: {  	[smem:$0x3FB3] =	sst s6  }
0xf: {  	[smem:$0x3FB4] =	sst s7  }
0x10: {  	[smem:$0x3FB5] =	sst s8  }
0x11: {  	[smem:$0x3FB6] =	sst s9;
	s0 =	simm.s32 @!p0 $0x0  }
0x12: {  	s1 =	sld [smem:$0x3F9C];
	s0 =	simm.s32 @p0 $0x1  }
0x13: {  	[smem:$0x3FB7] =	sst s0;
	s0 =	simm.s32 @!p1 $0x0  }
0x14: {  	s2 =	sld [smem:$0x3F9B];
	s0 =	simm.s32 @p1 $0x1  }
0x15: {  	[smem:$0x3FB8] =	sst s0;
	s0 =	simm.s32 @!p2 $0x0  }
0x16: {  	s3 =	sld [smem:$0x3FDB];
	s0 =	simm.s32 @p2 $0x1  }
0x17: {  	s4 =	simm.s32 $0x1BF5;
	[smem:$0x3FBA] =	sst s0  }
0x18: {  	s0 =	sld [smem:$0x3F9D];
	_ =	swait.ge [sflag:s4], $0x0  }
0x19: {  	s7 =	sld [smem:$0x3F9E]  }
0x1a: {  	s8 =	sadd.s32 $0xFFFFE003, lr  }
0x1b: {  	s9 =	sadd.s32 $0xFFFFFEF7, lr;
	s5 =	simm.s32 $0xFFFFFFFF;
	p2 =	slt.u32 s8, $0xFFFFF086  }
0x1c: {  	p1 =	slt.u32 s9, $0xF7A;
	s5 =	simm.s32 @!p2 $0x0  }
0x1d: {  	s5 =	simm.s32 @p1 $0x1;
	p0 =	seq.s32 s7, s2  }
0x1e: {  	s7 =	smul.u32 @!p0 $0xF7A, s2;
	p2 =	seq.s32 @!p0 s5, $0x0  }
0x1f: {  	s9 =	smul.u32 $0xF7A, s1;
	s8 =	simm.s32 @!p0 $0x1BF5;
	p2 =	por !p2, p0  }
0x20: {  	[sflag:s8] =	ssyncset.s32 @!p0 $0xFFFFF086;
	s6 =	sadd.s32 @!p0 s3, s7;
	s7 =	simm.s32 @!p0 $0x108  }
0x21: {  	s3 =	sadd.s32 s3, s9;
	s6 =	sadd.s32 @!p0 $0x88, s6;
	s7 =	simm.s32 @p2 $0x1082  }
0x22: {  	[simem:s7], [sflag:s8] =	dma.local @!p0 [hbm:s6], $0xF7A  }
0x23: {  	s9 =	sor.u32 $0xD0000000, s2;
	s6 =	simm.s32 $0x108;
	_ =	swait.ge @!p0 [sflag:s8], $0x0  }
0x24: {  	s3 =	sadd.s32 $0x88, s3;
	s6 =	simm.s32 @!p1 $0x1082;
	[sflag:s4] =	ssyncset.s32 $0xFFFFF086  }
0x25: {  	[simem:s6], [sflag:s4] =	dma.local [hbm:s3], $0xF7A  }
0x26: {  	[smem:$0x3F9E] =	sst s1;
	(tag) =	ssettag s2;
	_ =	strace s9  }
0x27: {  	s1 =	sld [smem:$0x3FAE]  }
0x28: {  	s2 =	sld [smem:$0x3FAF]  }
0x29: {  	s4 =	sld [smem:$0x3FB1]  }
0x2a: {  	p0 =	seq.s32 s5, $0x0;
	s5 =	sld [smem:$0x3FB2]  }
0x2b: {  	s6 =	sld [smem:$0x3FB3]  }
0x2c: {  	s7 =	sld [smem:$0x3FB4]  }
0x2d: {  	s3 =	simm.s32 $0x108;
	s8 =	sld [smem:$0x3FB5]  }
0x2e: {  	s3 =	simm.s32 @!p0 $0x1082;
	s9 =	sld [smem:$0x3FB6]  }
0x2f: {  	lr =	sadd.s32 s0, s3;
	s0 =	sld [smem:$0x3FAD]  }
0x30: {  	s3 =	sld [smem:$0x3FB0]  }
0x31: {  	[smem:$0x3FB9] =	sst s10  }
0x32: {  	s10 =	sld [smem:$0x3FB7];
	_ =	sdelay $0x3  }
0x33: {  	p0 =	seq.s32 s10, $0x1;
	s10 =	sld [smem:$0x3FB9];
	_ =	sdelay $0x3  }
0x34: {  	[smem:$0x3FB9] =	sst s10  }
0x35: {  	s10 =	sld [smem:$0x3FB8];
	_ =	sdelay $0x3  }
0x36: {  	p1 =	seq.s32 s10, $0x1;
	s10 =	sld [smem:$0x3FB9];
	_ =	sdelay $0x3  }
0x37: {  	[smem:$0x3FB9] =	sst s10  }
0x38: {  	s10 =	sld [smem:$0x3FBA]  }
0x39: {  	_ = 	snop;
	(pc) =	sbr.ind lr, $3  }
0x3a: {  	_ = 	snop  }
0x3b: {  	_ = 	snop  }
0x3c: {  	p2 =	seq.s32 s10, $0x1;
	s10 =	sld [smem:$0x3FB9]  }
0x3d: {  	_ =	shalt  }
0x3e: {  	_ =	shalt  }
0x3f: {  	_ =	shalt  }
0x40: {  	_ =	shalt  }
0x41: {  	_ =	shalt  }
0x42: {  	_ =	shalt  }
0x43: {  	_ =	shalt  }
0x44: {  	_ =	shalt  }
0x45: {  	_ =	shalt  }
0x46: {  	_ =	shalt  }
0x47: {  	_ =	shalt  }
0x48: {  	_ =	shalt  }
0x49: {  	_ =	shalt  }
0x4a: {  	_ =	shalt  }
0x4b: {  	_ =	shalt  }
0x4c: {  	_ =	shalt  }
0x4d: {  	_ =	shalt  }
0x4e: {  	_ =	shalt  }
0x4f: {  	_ =	shalt  }
0x50: {  	_ =	shalt  }
0x51: {  	_ =	shalt  }
0x52: {  	_ =	shalt  }
0x53: {  	_ =	shalt  }
0x54: {  	_ =	shalt  }
0x55: {  	_ =	shalt  }
0x56: {  	_ =	shalt  }
0x57: {  	_ =	shalt  }
0x58: {  	_ =	shalt  }
0x59: {  	_ =	shalt  }
0x5a: {  	_ =	shalt  }
0x5b: {  	_ =	shalt  }
0x5c: {  	_ =	shalt  }
0x5d: {  	_ =	shalt  }
0x5e: {  	_ =	shalt  }
0x5f: {  	_ =	shalt  }
0x60: {  	_ =	shalt  }
0x61: {  	_ =	shalt  }
0x62: {  	_ =	shalt  }
0x63: {  	_ =	shalt  }
0x64: {  	_ =	shalt  }
0x65: {  	_ =	shalt  }
0x66: {  	_ =	shalt  }
0x67: {  	_ =	shalt  }
0x68: {  	_ =	shalt  }
0x69: {  	_ =	shalt  }
0x6a: {  	_ =	shalt  }
0x6b: {  	_ =	shalt  }
0x6c: {  	_ =	shalt  }
0x6d: {  	_ =	shalt  }
0x6e: {  	_ =	shalt  }
0x6f: {  	_ =	shalt  }
0x70: {  	_ =	shalt  }
0x71: {  	_ =	shalt  }
0x72: {  	_ =	shalt  }
0x73: {  	_ =	shalt  }
0x74: {  	_ =	shalt  }
0x75: {  	_ =	shalt  }
0x76: {  	_ =	shalt  }
0x77: {  	_ =	shalt  }
0x78: {  	_ =	shalt  }
0x79: {  	_ =	shalt  }
0x7a: {  	_ =	shalt  }
0x7b: {  	_ =	shalt  }
0x7c: {  	_ =	shalt  }
0x7d: {  	_ =	shalt  }
0x7e: {  	_ =	shalt  }
0x7f: {  	_ =	shalt  }
0x80: {  	_ =	shalt  }
0x81: {  	_ =	shalt  }
0x82: {  	_ =	shalt  }
0x83: {  	_ =	shalt  }
0x84: {  	_ =	shalt  }
0x85: {  	_ =	shalt  }
0x86: {  	_ =	shalt  }
0x87: {  	_ =	shalt  }
.Lfunc_end0:
.L_simem_size_0:
called_computation_lowered:
.L_overlay_start_0:
0x88: {  	s2 =	sld [smem:$0x3FD9]  }
0x89: {  	s3 =	sld [smem:$0x3FFE];
	_ =	sdelay $0x1  }
0x8a: {  	s1 =	srdreg.scid  }
0x8b: {  	s0 =	sand.u32 $0x1, s1  }
0x8c: {  	s14 =	sshll.u32 s0, $0xA;
	s2 =	sadd.s32 s3, s2  }
0x8d: {  	s2 =	sadd.s32 s2, s14  }
0x8e: {  	[smem:$0x3FC5] =	sst s2  }
0x8f: {  	_ = 	snop  }
0x90: {  	s2 =	sld [smem:$0x3FD0];
	_ =	sdelay $0x2  }
0x91: {  	s4 =	simm.s32 $0xA;
	s5 =	simm.s32 $0x10;
	s15 =	sld [smem:$0x3FC9]  }
0x92: {  	[smem:s5], [sflag:s4] =	dma.local [hbm:s2], $0x1  }
0x93: {  	_ =	swait.eq [sflag:s4], $0x1  }
0x94: {  	[sflag:s4] =	ssyncset.done $0x0  }
0x95: {  	[sflag:s4] =	ssyncadd.s32 $0xFFFFFFFF  }
0x96: {  	s16 =	sld [smem:$0x10];
	(tm) =	ssettm $0x1  }
0x97: {  	s17 =	sld [smem:$0x3FFB];
	_ =	sdelay $0x3  }
0x98: {  	_ =	strace s17  }
0x99: {  	s4 =	sld [smem:$0x3FFC];
	_ =	sdelay $0x3  }
0x9a: {  	_ =	strace s4  }
0x9b: {  	s4 =	sld [smem:$0x3FFD];
	_ =	sdelay $0x3  }
0x9c: {  	_ =	strace s4  }
0x9d: {  	_ =	strace $0x8FFFFFFF  }
0x9e: {  	s18 =	sld [smem:$0x3FDB];
	_ =	sdelay $0x1  }
0x9f: {  	s19 =	simm.s32 $_scs_section_size  }
0xa0: {  	s6 =	simm.s32 $_size__tile_overlayer_lowered;
	s7 =	simm.s32 $_tile_overlayer_lowered  }
0xa1: {  	s22 =	simm.s32 $0x1BFF;
	s21 =	sshll.u32 s7, $0x1;
	s4 =	sadd.s32 s19, s18  }
0xa2: {  	s8 =	simm.s32 $0x0;
	s20 =	sshll.u32 s6, $0x1;
	s6 =	sadd.s32 s21, s4  }
0xa3: {  	[timem:s8], [sflag:s22] =	dma.local [hbm:s6], s20  }
0xa4: {  	_ =	swait.ge [sflag:s22], s20  }
0xa5: {  	s5 =	ssub.s32 $0x0, s20;
	[sflag:s22] =	ssyncset.done $0x0  }
0xa6: {  	[sflag:s22] =	ssyncadd.s32 s5;
	_ =	sdelay $0x1  }
0xa7: {  	s23 =	simm.s32 $0x1B8B  }
0xa8: {  	_ =	swait.ge [sflag:s23], $0x1  }
0xa9: {  	[sflag:s23] =	ssyncset.done $0x0  }
0xaa: {  	s25 =	simm.s32 $0x1B8E;
	s24 =	sld [smem:$0x3FFE];
	[sflag:s23] =	ssyncadd.s32 $0xFFFFFFFF  }
0xab: {  	s26 =	simm.s32 $execute0_lowered;
	[smem:$0x3FD2] =	sst s25  }
0xac: {  	s6 =	sshll.u32 s26, $0x1;
	_ =	strace $0x80000046;
	[dreg:$0x1] =	wrdreg $0xFFFFFFFF  }
0xad: {  	s28 =	simm.s32 $_size_execute0_lowered;
	s4 =	sadd.s32 s4, s6;
	[dreg:$0x0] =	wrdreg $0x0  }
0xae: {  	s6 =	sshll.u32 s28, $0x1;
	[dreg:$0x2] =	wrdreg s4  }
0xaf: {  	[dreg:$0x3] =	wrdreg s6  }
0xb0: {  	[dreg:$0x4] =	wrdreg $0xC0  }
0xb1: {  	_ =	task [dreg:s8], $0x5FFFF  }
0xb2: {  	[dreg:$0x1] =	wrdreg $0xFFFFFFFF  }
0xb3: {  	[dreg:$0x0] =	wrdreg $0x60  }
0xb4: {  	[dreg:$0x2] =	wrdreg s15  }
0xb5: {  	[dreg:$0x3] =	wrdreg s24  }
0xb6: {  	[dreg:$0x4] =	wrdreg s16  }
0xb7: {  	[dreg:$0x5] =	wrdreg $0xCC000  }
0xb8: {  	[dreg:$0x6] =	wrdreg $0x9  }
0xb9: {  	_ =	task.clear_ibuf [dreg:s8], $0x7FFFF;
	_ =	strace $0x90000046  }
0xba: {  	s29 =	simm.s32 $0x9;
	_ =	strace $0x80000048  }
0xbb: {  	_ =	swait.ge [sflag:s29], $0x1  }
0xbc: {  	[sflag:s29] =	ssyncadd.s32 $0xFFFFFFFF  }
0xbd: {  	_ =	strace $0x90000048  }
0xbe: {  	_ =	sfence  }
0xbf: {  	s30 =	sld [smem:$0x0];
	_ =	sdelay $0x2  }
0xc0: {  	s31 =	sshll.u32 s1, $0xD;
	s1 =	sshrl.u32 s1, $0x2  }
0xc1: {  	s3 =	sand.u32 $0x4000, s31;
	s1 =	sadd.s32 s1, s30  }
0xc2: {  	s0 =	sor.u32 s3, s0;
	s1 =	sshll.u32 s1, $0x11  }
0xc3: {  	s0 =	sor.u32 s1, s0  }
0xc4: {  	s0 =	sadd.s32 $0x8F2B, s0  }
0xc5: {  	[sflag:s0] =	ssyncadd.remote.s32 $0x1  }
0xc6: {  	_ =	sfence.sel $0xFFFF  }
0xc7: {  	[dreg:$0x0] =	wrdreg $0xFFFFFFFF;
	(pc) =	sbr.abs _section_cstart, $3  }
0xc8: {  	[dreg:$0x1] =	wrdreg $0xFFFFFFFF  }
0xc9: {  	_ =	task.clear_ibuf [dreg:s8], $0x2FFFF;
	_ =	strace $0x9FFFFFFF  }
0xca: {  	(tm) =	ssettm $0x7FFFFFFF  }
0xcb: {  	_ =	shalt  }
tec
execute0_lowered:
.L_overlay_start_1:
0x0: {  	(tag) =	ssettag $0x1  }
0x1: {  	s4 =	rddreg [dreg:$0x0]  }
0x2: {  	s1 =	srdreg.scid;
	s0 =	rddreg [dreg:$0x1]  }
0x3: {  	s13 =	stileid.u32;
	s14 =	rddreg [dreg:$0x3]  }
0x4: {  	s2 =	sand.u32 $0x1, s1;
	s1 =	rddreg [dreg:$0x2];
	s3 =	sshll.u32 s13, $0x7  }
0x5: {  	s8 =	sshll.u32 s13, $0xA;
	s9 =	sadd.s32 $0xA00, s0;
	s5 =	sshll.u32 s2, $0x6  }
0x6: {  	s31 =	sshll.u32 s2, $0x3;
	s6 =	sor.u32 s5, s3;
	s3 =	simm.s32 $0x0  }
0x7: {  	s5 =	sor.u32 s5, s8;
	s7 =	sshrl.u32 s6, $0x3;
	[smem:$0x7FF] =	sst s3  }
0x8: {  	s5 =	sshrl.u32 s5, $0x3;
	s6 =	sor.u32 s31, s6;
	s31 =	simm.s32 $0x10  }
0x9: {  	s7 =	smul.u32 $0x300, s7;
	_ =	strace $0x80000047;
	s23 =	sadd.s32 s9, s5  }
0xa: {  	s10 =	sor.u32 $0x10, s5;
	s28 =	sor.u32 $0x20, s5;
	[dreg:$0x19] =	wrdreg s31  }
0xb: {  	s16 =	sor.u32 $0x50, s6;
	[dreg:$0x6] =	wrdreg s23;
	s25 =	sadd.s32 s9, s10  }
0xc: {  	s19 =	sor.u32 $0x60, s6;
	s29 =	sadd.s32 s9, s28;
	[dreg:$0x8] =	wrdreg s25  }
0xd: {  	s17 =	sadd.s32 s9, s16;
	s20 =	sadd.s32 s9, s19;
	[dreg:$0xa] =	wrdreg s29  }
0xe: {  	s4 =	sadd.s32 s4, s7;
	s7 =	sadd.s32 $0x1200, s0;
	[dreg:$0x10] =	wrdreg s17  }
0xf: {  	[dreg:$0x12] =	wrdreg s20;
	s25 =	sshll.u32 s13, $0x8;
	s29 =	simm.s32 $0xC800  }
0x10: {  	s13 =	simm.s32 $0x4000;
	s17 =	simm.s32 $0x6000;
	s20 =	simm.s32 $0x7800  }
0x11: {  	[dreg:$0x5] =	wrdreg s4;
	s24 =	sadd.s32 s7, s5;
	s26 =	sadd.s32 s7, s10  }
0x12: {  	s30 =	sadd.s32 s7, s28;
	s5 =	sor.u32 $0x30, s5;
	[dreg:$0x17] =	wrdreg s29  }
0x13: {  	s10 =	sor.u32 $0x40, s6;
	s4 =	sadd.s32 $0x1A00, s0;
	[dreg:$0x7] =	wrdreg s24  }
0x14: {  	s18 =	sadd.s32 s7, s16;
	s21 =	sadd.s32 s7, s19;
	[dreg:$0x9] =	wrdreg s26  }
0x15: {  	s6 =	sor.u32 $0x70, s6;
	s28 =	sadd.s32 s8, s14;
	[dreg:$0xb] =	wrdreg s30  }
0x16: {  	s14 =	simm.s32 $0x4800;
	s16 =	simm.s32 $0x5800;
	[dreg:$0x11] =	wrdreg s18  }
0x17: {  	s19 =	simm.s32 $0x7000;
	s11 =	sadd.s32 s9, s5;
	[dreg:$0x13] =	wrdreg s21  }
0x18: {  	s5 =	sadd.s32 s7, s5;
	s12 =	sadd.s32 s9, s10;
	[dreg:$0x1a] =	wrdreg s28  }
0x19: {  	s15 =	sadd.s32 s7, s10;
	s23 =	sadd.s32 s9, s6;
	[dreg:$0xc] =	wrdreg s11  }
0x1a: {  	s24 =	sadd.s32 s7, s6;
	s6 =	sadd.s32 $0x1C00, s0;
	[dreg:$0xd] =	wrdreg s5  }
0x1b: {  	s9 =	simm.s32 $0x2;
	s30 =	simm.s32 $0x20;
	[dreg:$0xe] =	wrdreg s12  }
0x1c: {  	s10 =	simm.s32 $0x2800;
	s18 =	simm.s32 $0x6800;
	[dreg:$0xf] =	wrdreg s15  }
0x1d: {  	s21 =	simm.s32 $0x8000;
	s11 =	ssub.s32 $0x2, s2;
	[dreg:$0x14] =	wrdreg s23  }
0x1e: {  	s2 =	sshll.u32 s2, $0x4;
	[dreg:$0x15] =	wrdreg s24;
	s5 =	sadd.s32 $0x1B00, s0  }
0x1f: {  	[dreg:$0x18] =	wrdreg s30;
	s15 =	simm.s32 $0x5000;
	s23 =	simm.s32 $0x9000  }
0x20: {  	s24 =	simm.s32 $0x9800;
	s12 =	sshrl.u32 s11, $0x1;
	s1 =	sadd.s32 s1, s2  }
0x21: {  	v2 =	vlaneseq.u32;
	s2 =	simm.s32 $0x1;
	s22 =	ssub.s32 s11, s12;
	s26 =	sadd.s32 s25, s1  }
0x22: {  	vm0 =	vmmov $0xffff;
	v3 =	vimm.f32 $0.0e+00;
	v1 =	vshrl.u32 v2, $0x3;
	s11 =	simm.s32 $0x3000;
	s12 =	simm.s32 $0x3800;
	s25 =	simm.s32 $0xA000  }
0x23: {  	v0 =	vand.u32 $0x7, v2;
	v2 =	vor.u32 $0x8, v2;
	v1 =	vmul.u32 $0x8, v1;
	[dreg:$0x16] =	wrdreg s26;
	s1 =	smax.u32 s22, $0x1;
	s22 =	simm.s32 $0x8800  }
.LBB2_1:
0x24: {  	s26 =	rddreg [dreg:$0x5]  }
0x25: {  	[tilespmem:s3], [sflag:$0x2] =	stream.linear.gather [hbm4b:s26+s3], $0xC000, $0x38;
	[tilespmem:$0xD000] =	vst v63  }
0x26: {  	_ =	swait.ge [sflag:s9], $0xC000  }
0x27: {  	[sflag:s9] =	ssyncset.done $0x0  }
0x28: {  	s0 =	simm.s32 $0xC000;
	s8 =	rddreg [dreg:$0x6];
	[sflag:s9] =	ssyncadd.s32 $0xFFFF4000  }
0x29: {  	[tilespmem:s0], [sflag:$0x2] =	stream.linear.gather [hbm4b:s8+s3], $0x40, $0x38;
	[tilespmem:$0xD000] =	vst v63  }
0x2a: {  	_ =	swait.ge [sflag:s9], $0x40  }
0x2b: {  	[sflag:s9] =	ssyncset.done $0x0  }
0x2c: {  	s29 =	simm.s32 $0xC400;
	s28 =	rddreg [dreg:$0x7];
	[sflag:s9] =	ssyncadd.s32 $0xFFFFFFC0  }
0x2d: {  	[tilespmem:s29], [sflag:$0x2] =	stream.linear.gather [hbm4b:s28+s3], $0x40, $0x38;
	[tilespmem:$0xD000] =	vst v63  }
0x2e: {  	_ =	swait.ge [sflag:s9], $0x40  }
0x2f: {  	[sflag:s9] =	ssyncset.done $0x0  }
0x30: {  	s31 =	simm.s32 $0xC080;
	s30 =	rddreg [dreg:$0x8];
	[sflag:s9] =	ssyncadd.s32 $0xFFFFFFC0  }
0x31: {  	[tilespmem:s31], [sflag:$0x2] =	stream.linear.gather [hbm4b:s30+s3], $0x40, $0x38;
	[tilespmem:$0xD000] =	vst v63  }
0x32: {  	_ =	swait.ge [sflag:s9], $0x40  }
0x33: {  	[sflag:s9] =	ssyncset.done $0x0  }
0x34: {  	s8 =	simm.s32 $0xC480;
	s7 =	rddreg [dreg:$0x9];
	[sflag:s9] =	ssyncadd.s32 $0xFFFFFFC0  }
0x35: {  	[tilespmem:s8], [sflag:$0x2] =	stream.linear.gather [hbm4b:s7+s3], $0x40, $0x38;
	[tilespmem:$0xD000] =	vst v63  }
0x36: {  	_ =	swait.ge [sflag:s9], $0x40  }
0x37: {  	[sflag:s9] =	ssyncset.done $0x0  }
0x38: {  	s29 =	simm.s32 $0xC100;
	s28 =	rddreg [dreg:$0xa];
	[sflag:s9] =	ssyncadd.s32 $0xFFFFFFC0  }
0x39: {  	[tilespmem:s29], [sflag:$0x2] =	stream.linear.gather [hbm4b:s28+s3], $0x40, $0x38;
	[tilespmem:$0xD000] =	vst v63  }
0x3a: {  	_ =	swait.ge [sflag:s9], $0x40  }
0x3b: {  	[sflag:s9] =	ssyncset.done $0x0  }
0x3c: {  	s31 =	simm.s32 $0xC500;
	s30 =	rddreg [dreg:$0xb];
	[sflag:s9] =	ssyncadd.s32 $0xFFFFFFC0  }
0x3d: {  	[tilespmem:s31], [sflag:$0x2] =	stream.linear.gather [hbm4b:s30+s3], $0x40, $0x38;
	[tilespmem:$0xD000] =	vst v63  }
0x3e: {  	_ =	swait.ge [sflag:s9], $0x40  }
0x3f: {  	[sflag:s9] =	ssyncset.done $0x0  }
0x40: {  	s8 =	simm.s32 $0xC180;
	s7 =	rddreg [dreg:$0xc];
	[sflag:s9] =	ssyncadd.s32 $0xFFFFFFC0  }
0x41: {  	[tilespmem:s8], [sflag:$0x2] =	stream.linear.gather [hbm4b:s7+s3], $0x40, $0x38;
	[tilespmem:$0xD000] =	vst v63  }
0x42: {  	_ =	swait.ge [sflag:s9], $0x40  }
0x43: {  	[sflag:s9] =	ssyncset.done $0x0  }
0x44: {  	s29 =	simm.s32 $0xC580;
	s28 =	rddreg [dreg:$0xd];
	[sflag:s9] =	ssyncadd.s32 $0xFFFFFFC0  }
0x45: {  	[tilespmem:s29], [sflag:$0x2] =	stream.linear.gather [hbm4b:s28+s3], $0x40, $0x38;
	[tilespmem:$0xD000] =	vst v63  }
0x46: {  	_ =	swait.ge [sflag:s9], $0x40  }
0x47: {  	[sflag:s9] =	ssyncset.done $0x0  }
0x48: {  	s31 =	simm.s32 $0xC200;
	s30 =	rddreg [dreg:$0xe];
	[sflag:s9] =	ssyncadd.s32 $0xFFFFFFC0  }
0x49: {  	[tilespmem:s31], [sflag:$0x2] =	stream.linear.gather [hbm4b:s30+s3], $0x40, $0x38;
	[tilespmem:$0xD000] =	vst v63  }
0x4a: {  	_ =	swait.ge [sflag:s9], $0x40  }
0x4b: {  	[sflag:s9] =	ssyncset.done $0x0  }
0x4c: {  	s8 =	simm.s32 $0xC600;
	s7 =	rddreg [dreg:$0xf];
	[sflag:s9] =	ssyncadd.s32 $0xFFFFFFC0  }
0x4d: {  	[tilespmem:s8], [sflag:$0x2] =	stream.linear.gather [hbm4b:s7+s3], $0x40, $0x38;
	[tilespmem:$0xD000] =	vst v63  }
0x4e: {  	_ =	swait.ge [sflag:s9], $0x40  }
0x4f: {  	[sflag:s9] =	ssyncset.done $0x0  }
0x50: {  	s29 =	simm.s32 $0xC280;
	s28 =	rddreg [dreg:$0x10];
	[sflag:s9] =	ssyncadd.s32 $0xFFFFFFC0  }
0x51: {  	[tilespmem:s29], [sflag:$0x2] =	stream.linear.gather [hbm4b:s28+s3], $0x40, $0x38;
	[tilespmem:$0xD000] =	vst v63  }
0x52: {  	_ =	swait.ge [sflag:s9], $0x40  }
0x53: {  	[sflag:s9] =	ssyncset.done $0x0  }
0x54: {  	s31 =	simm.s32 $0xC680;
	s30 =	rddreg [dreg:$0x11];
	[sflag:s9] =	ssyncadd.s32 $0xFFFFFFC0  }
0x55: {  	[tilespmem:s31], [sflag:$0x2] =	stream.linear.gather [hbm4b:s30+s3], $0x40, $0x38;
	[tilespmem:$0xD000] =	vst v63  }
0x56: {  	_ =	swait.ge [sflag:s9], $0x40  }
0x57: {  	[sflag:s9] =	ssyncset.done $0x0  }
0x58: {  	s8 =	simm.s32 $0xC300;
	s7 =	rddreg [dreg:$0x12];
	[sflag:s9] =	ssyncadd.s32 $0xFFFFFFC0  }
0x59: {  	[tilespmem:s8], [sflag:$0x2] =	stream.linear.gather [hbm4b:s7+s3], $0x40, $0x38;
	[tilespmem:$0xD000] =	vst v63  }
0x5a: {  	_ =	swait.ge [sflag:s9], $0x40  }
0x5b: {  	[sflag:s9] =	ssyncset.done $0x0  }
0x5c: {  	s29 =	simm.s32 $0xC700;
	s28 =	rddreg [dreg:$0x13];
	[sflag:s9] =	ssyncadd.s32 $0xFFFFFFC0  }
0x5d: {  	[tilespmem:s29], [sflag:$0x2] =	stream.linear.gather [hbm4b:s28+s3], $0x40, $0x38;
	[tilespmem:$0xD000] =	vst v63  }
0x5e: {  	_ =	swait.ge [sflag:s9], $0x40  }
0x5f: {  	[sflag:s9] =	ssyncset.done $0x0  }
0x60: {  	s31 =	simm.s32 $0xC380;
	s30 =	rddreg [dreg:$0x14];
	[sflag:s9] =	ssyncadd.s32 $0xFFFFFFC0  }
0x61: {  	[tilespmem:s31], [sflag:$0x2] =	stream.linear.gather [hbm4b:s30+s3], $0x40, $0x38;
	[tilespmem:$0xD000] =	vst v63  }
0x62: {  	_ =	swait.ge [sflag:s9], $0x40  }
0x63: {  	[sflag:s9] =	ssyncset.done $0x0  }
0x64: {  	s30 =	simm.s32 $0xC780;
	s7 =	rddreg [dreg:$0x15];
	[sflag:s9] =	ssyncadd.s32 $0xFFFFFFC0  }
0x65: {  	[tilespmem:s30], [sflag:$0x2] =	stream.linear.gather [hbm4b:s7+s3], $0x40, $0x38;
	[tilespmem:$0xD000] =	vst v63  }
0x66: {  	_ =	swait.ge [sflag:s9], $0x40  }
0x67: {  	[sflag:s9] =	ssyncset.done $0x0  }
0x68: {  	[sflag:s9] =	ssyncadd.s32 $0xFFFFFFC0  }
0x69: {  	v4 =	vld [tilespmem:$0xC000];
	_ =	sdelay $0x4  }
0x6a: {  	v5 =	vshrl.u32 v4, $0x3  }
0x6b: {  	v5 =	vmul.u32 $0x30, v5  }
0x6c: {  	v4 =	vand.u32 $0x7, v4  }
0x6d: {  	v4 =	vor.u32 v4, v5  }
0x6e: {  	v5 =	vperm.xlane v4, v0;
	_ =	sdelay $0x1  }
0x6f: {  	v5 =	vadd.s32 v1, v5;
	_ =	sdelay $0x3  }
0x70: {  	v4 =	vperm.xlane v4, v2  }
0x71: {  	[hbm4b:s4+s3] =	stream.indirect_vreg.scatter [tilespmem:s3], [sflag:$0x1], $0x80, v5, vm0, $0xb8;
	[tilespmem:$0xD000] =	vst v63  }
0x72: {  	s26 =	simm.s32 $0x800;
	v4 =	vadd.s32 v1, v4  }
0x73: {  	[hbm4b:s5+s3] =	stream.indirect_vreg.scatter [tilespmem:s26], [sflag:$0x1], $0x80, v5, vm0, $0xb8;
	[tilespmem:$0xD000] =	vst v63  }
0x74: {  	s31 =	simm.s32 $0x1000  }
0x75: {  	[hbm4b:s6+s3] =	stream.indirect_vreg.scatter [tilespmem:s31], [sflag:$0x1], $0x80, v5, vm0, $0xb8;
	[tilespmem:$0xD000] =	vst v63  }
0x76: {  	s29 =	smov.u32 s1;
	s1 =	simm.s32 $0x1800  }
0x77: {  	[hbm4b:s4+s3] =	stream.indirect_vreg.scatter [tilespmem:s1], [sflag:$0x1], $0x80, v4, vm0, $0xb8;
	[tilespmem:$0xD000] =	vst v63  }
0x78: {  	s0 =	simm.s32 $0x2000  }
0x79: {  	[hbm4b:s5+s3] =	stream.indirect_vreg.scatter [tilespmem:s0], [sflag:$0x1], $0x80, v4, vm0, $0xb8;
	[tilespmem:$0xD000] =	vst v63  }
0x7a: {  	_ = 	snop  }
0x7b: {  	[hbm4b:s6+s3] =	stream.indirect_vreg.scatter [tilespmem:s10], [sflag:$0x1], $0x80, v4, vm0, $0xb8;
	[tilespmem:$0xD000] =	vst v63  }
0x7c: {  	v4 =	vld [tilespmem:$0xC010];
	_ =	sdelay $0x4  }
0x7d: {  	v5 =	vshrl.u32 v4, $0x3  }
0x7e: {  	v5 =	vmul.u32 $0x30, v5  }
0x7f: {  	v4 =	vand.u32 $0x7, v4  }
0x80: {  	v4 =	vor.u32 v4, v5  }
0x81: {  	v5 =	vperm.xlane v4, v0;
	_ =	sdelay $0x1  }
0x82: {  	v5 =	vadd.s32 v1, v5;
	_ =	sdelay $0x3  }
0x83: {  	v4 =	vperm.xlane v4, v2  }
0x84: {  	[hbm4b:s4+s3] =	stream.indirect_vreg.scatter [tilespmem:s11], [sflag:$0x1], $0x80, v5, vm0, $0xb8;
	[tilespmem:$0xD000] =	vst v63  }
0x85: {  	v4 =	vadd.s32 v1, v4  }
0x86: {  	[hbm4b:s5+s3] =	stream.indirect_vreg.scatter [tilespmem:s12], [sflag:$0x1], $0x80, v5, vm0, $0xb8;
	[tilespmem:$0xD000] =	vst v63  }
0x87: {  	_ = 	snop  }
0x88: {  	[hbm4b:s6+s3] =	stream.indirect_vreg.scatter [tilespmem:s13], [sflag:$0x1], $0x80, v5, vm0, $0xb8;
	[tilespmem:$0xD000] =	vst v63  }
0x89: {  	_ = 	snop  }
0x8a: {  	[hbm4b:s4+s3] =	stream.indirect_vreg.scatter [tilespmem:s14], [sflag:$0x1], $0x80, v4, vm0, $0xb8;
	[tilespmem:$0xD000] =	vst v63  }
0x8b: {  	_ = 	snop  }
0x8c: {  	[hbm4b:s5+s3] =	stream.indirect_vreg.scatter [tilespmem:s15], [sflag:$0x1], $0x80, v4, vm0, $0xb8;
	[tilespmem:$0xD000] =	vst v63  }
0x8d: {  	_ = 	snop  }
0x8e: {  	[hbm4b:s6+s3] =	stream.indirect_vreg.scatter [tilespmem:s16], [sflag:$0x1], $0x80, v4, vm0, $0xb8;
	[tilespmem:$0xD000] =	vst v63  }
0x8f: {  	v4 =	vld [tilespmem:$0xC020];
	_ =	sdelay $0x4  }
0x90: {  	v5 =	vshrl.u32 v4, $0x3  }
0x91: {  	v5 =	vmul.u32 $0x30, v5  }
0x92: {  	v4 =	vand.u32 $0x7, v4  }
0x93: {  	v4 =	vor.u32 v4, v5  }
0x94: {  	v5 =	vperm.xlane v4, v0;
	_ =	sdelay $0x1  }
0x95: {  	v5 =	vadd.s32 v1, v5;
	_ =	sdelay $0x3  }
0x96: {  	v4 =	vperm.xlane v4, v2  }
0x97: {  	[hbm4b:s4+s3] =	stream.indirect_vreg.scatter [tilespmem:s17], [sflag:$0x1], $0x80, v5, vm0, $0xb8;
	[tilespmem:$0xD000] =	vst v63  }
0x98: {  	v4 =	vadd.s32 v1, v4  }
0x99: {  	[hbm4b:s5+s3] =	stream.indirect_vreg.scatter [tilespmem:s18], [sflag:$0x1], $0x80, v5, vm0, $0xb8;
	[tilespmem:$0xD000] =	vst v63  }
0x9a: {  	_ = 	snop  }
0x9b: {  	[hbm4b:s6+s3] =	stream.indirect_vreg.scatter [tilespmem:s19], [sflag:$0x1], $0x80, v5, vm0, $0xb8;
	[tilespmem:$0xD000] =	vst v63  }
0x9c: {  	_ = 	snop  }
0x9d: {  	[hbm4b:s4+s3] =	stream.indirect_vreg.scatter [tilespmem:s20], [sflag:$0x1], $0x80, v4, vm0, $0xb8;
	[tilespmem:$0xD000] =	vst v63  }
0x9e: {  	_ = 	snop  }
0x9f: {  	[hbm4b:s5+s3] =	stream.indirect_vreg.scatter [tilespmem:s21], [sflag:$0x1], $0x80, v4, vm0, $0xb8;
	[tilespmem:$0xD000] =	vst v63  }
0xa0: {  	_ = 	snop  }
0xa1: {  	[hbm4b:s6+s3] =	stream.indirect_vreg.scatter [tilespmem:s22], [sflag:$0x1], $0x80, v4, vm0, $0xb8;
	[tilespmem:$0xD000] =	vst v63  }
0xa2: {  	v4 =	vld [tilespmem:$0xC030];
	_ =	sdelay $0x4  }
0xa3: {  	v5 =	vshrl.u32 v4, $0x3  }
0xa4: {  	v5 =	vmul.u32 $0x30, v5  }
0xa5: {  	v4 =	vand.u32 $0x7, v4  }
0xa6: {  	v4 =	vor.u32 v4, v5  }
0xa7: {  	v5 =	vperm.xlane v4, v0;
	_ =	sdelay $0x1  }
0xa8: {  	v5 =	vadd.s32 v1, v5;
	_ =	sdelay $0x3  }
0xa9: {  	v4 =	vperm.xlane v4, v2  }
0xaa: {  	[hbm4b:s4+s3] =	stream.indirect_vreg.scatter [tilespmem:s23], [sflag:$0x1], $0x80, v5, vm0, $0xb8;
	[tilespmem:$0xD000] =	vst v63  }
0xab: {  	v4 =	vadd.s32 v1, v4  }
0xac: {  	[hbm4b:s5+s3] =	stream.indirect_vreg.scatter [tilespmem:s24], [sflag:$0x1], $0x80, v5, vm0, $0xb8;
	[tilespmem:$0xD000] =	vst v63  }
0xad: {  	_ = 	snop  }
0xae: {  	[hbm4b:s6+s3] =	stream.indirect_vreg.scatter [tilespmem:s25], [sflag:$0x1], $0x80, v5, vm0, $0xb8;
	[tilespmem:$0xD000] =	vst v63  }
0xaf: {  	s7 =	simm.s32 $0xA800  }
0xb0: {  	[hbm4b:s4+s3] =	stream.indirect_vreg.scatter [tilespmem:s7], [sflag:$0x1], $0x80, v4, vm0, $0xb8;
	[tilespmem:$0xD000] =	vst v63  }
0xb1: {  	s8 =	simm.s32 $0xB000  }
0xb2: {  	[hbm4b:s5+s3] =	stream.indirect_vreg.scatter [tilespmem:s8], [sflag:$0x1], $0x80, v4, vm0, $0xb8;
	[tilespmem:$0xD000] =	vst v63  }
0xb3: {  	s28 =	simm.s32 $0xB800  }
0xb4: {  	[hbm4b:s6+s3] =	stream.indirect_vreg.scatter [tilespmem:s28], [sflag:$0x1], $0x80, v4, vm0, $0xb8;
	[tilespmem:$0xD000] =	vst v63  }
0xb5: {  	v4 =	vld [tilespmem:$0xC080];
	_ =	sdelay $0x4  }
0xb6: {  	v5 =	vshrl.u32 v4, $0x3  }
0xb7: {  	v5 =	vmul.u32 $0x30, v5  }
0xb8: {  	v4 =	vand.u32 $0x7, v4  }
0xb9: {  	v4 =	vor.u32 v4, v5  }
0xba: {  	v5 =	vperm.xlane v4, v0;
	_ =	sdelay $0x1  }
0xbb: {  	v5 =	vadd.s32 v1, v5;
	_ =	sdelay $0x3  }
0xbc: {  	v4 =	vperm.xlane v4, v2  }
0xbd: {  	[hbm4b:s4+s3] =	stream.indirect_vreg.scatter [tilespmem:s3], [sflag:$0x1], $0x80, v5, vm0, $0xb8;
	[tilespmem:$0xD000] =	vst v63  }
0xbe: {  	v4 =	vadd.s32 v1, v4  }
0xbf: {  	[hbm4b:s5+s3] =	stream.indirect_vreg.scatter [tilespmem:s26], [sflag:$0x1], $0x80, v5, vm0, $0xb8;
	[tilespmem:$0xD000] =	vst v63  }
0xc0: {  	_ = 	snop  }
0xc1: {  	[hbm4b:s6+s3] =	stream.indirect_vreg.scatter [tilespmem:s31], [sflag:$0x1], $0x80, v5, vm0, $0xb8;
	[tilespmem:$0xD000] =	vst v63  }
0xc2: {  	_ = 	snop  }
0xc3: {  	[hbm4b:s4+s3] =	stream.indirect_vreg.scatter [tilespmem:s1], [sflag:$0x1], $0x80, v4, vm0, $0xb8;
	[tilespmem:$0xD000] =	vst v63  }
0xc4: {  	_ = 	snop  }
0xc5: {  	[hbm4b:s5+s3] =	stream.indirect_vreg.scatter [tilespmem:s0], [sflag:$0x1], $0x80, v4, vm0, $0xb8;
	[tilespmem:$0xD000] =	vst v63  }
0xc6: {  	_ = 	snop  }
0xc7: {  	[hbm4b:s6+s3] =	stream.indirect_vreg.scatter [tilespmem:s10], [sflag:$0x1], $0x80, v4, vm0, $0xb8;
	[tilespmem:$0xD000] =	vst v63  }
0xc8: {  	v4 =	vld [tilespmem:$0xC090];
	_ =	sdelay $0x4  }
0xc9: {  	v5 =	vshrl.u32 v4, $0x3  }
0xca: {  	v5 =	vmul.u32 $0x30, v5  }
0xcb: {  	v4 =	vand.u32 $0x7, v4  }
0xcc: {  	v4 =	vor.u32 v4, v5  }
0xcd: {  	v5 =	vperm.xlane v4, v0;
	_ =	sdelay $0x1  }
0xce: {  	v5 =	vadd.s32 v1, v5;
	_ =	sdelay $0x3  }
0xcf: {  	v4 =	vperm.xlane v4, v2  }
0xd0: {  	[hbm4b:s4+s3] =	stream.indirect_vreg.scatter [tilespmem:s11], [sflag:$0x1], $0x80, v5, vm0, $0xb8;
	[tilespmem:$0xD000] =	vst v63  }
0xd1: {  	v4 =	vadd.s32 v1, v4  }
0xd2: {  	[hbm4b:s5+s3] =	stream.indirect_vreg.scatter [tilespmem:s12], [sflag:$0x1], $0x80, v5, vm0, $0xb8;
	[tilespmem:$0xD000] =	vst v63  }
0xd3: {  	_ = 	snop  }
0xd4: {  	[hbm4b:s6+s3] =	stream.indirect_vreg.scatter [tilespmem:s13], [sflag:$0x1], $0x80, v5, vm0, $0xb8;
	[tilespmem:$0xD000] =	vst v63  }
0xd5: {  	_ = 	snop  }
0xd6: {  	[hbm4b:s4+s3] =	stream.indirect_vreg.scatter [tilespmem:s14], [sflag:$0x1], $0x80, v4, vm0, $0xb8;
	[tilespmem:$0xD000] =	vst v63  }
0xd7: {  	_ = 	snop  }
0xd8: {  	[hbm4b:s5+s3] =	stream.indirect_vreg.scatter [tilespmem:s15], [sflag:$0x1], $0x80, v4, vm0, $0xb8;
	[tilespmem:$0xD000] =	vst v63  }
0xd9: {  	_ = 	snop  }
0xda: {  	[hbm4b:s6+s3] =	stream.indirect_vreg.scatter [tilespmem:s16], [sflag:$0x1], $0x80, v4, vm0, $0xb8;
	[tilespmem:$0xD000] =	vst v63  }
0xdb: {  	v4 =	vld [tilespmem:$0xC0A0];
	_ =	sdelay $0x4  }
0xdc: {  	v5 =	vshrl.u32 v4, $0x3  }
0xdd: {  	v5 =	vmul.u32 $0x30, v5  }
0xde: {  	v4 =	vand.u32 $0x7, v4  }
0xdf: {  	v4 =	vor.u32 v4, v5  }
0xe0: {  	v5 =	vperm.xlane v4, v0;
	_ =	sdelay $0x1  }
0xe1: {  	v5 =	vadd.s32 v1, v5;
	_ =	sdelay $0x3  }
0xe2: {  	v4 =	vperm.xlane v4, v2  }
0xe3: {  	[hbm4b:s4+s3] =	stream.indirect_vreg.scatter [tilespmem:s17], [sflag:$0x1], $0x80, v5, vm0, $0xb8;
	[tilespmem:$0xD000] =	vst v63  }
0xe4: {  	v4 =	vadd.s32 v1, v4  }
0xe5: {  	[hbm4b:s5+s3] =	stream.indirect_vreg.scatter [tilespmem:s18], [sflag:$0x1], $0x80, v5, vm0, $0xb8;
	[tilespmem:$0xD000] =	vst v63  }
0xe6: {  	_ = 	snop  }
0xe7: {  	[hbm4b:s6+s3] =	stream.indirect_vreg.scatter [tilespmem:s19], [sflag:$0x1], $0x80, v5, vm0, $0xb8;
	[tilespmem:$0xD000] =	vst v63  }
0xe8: {  	_ = 	snop  }
0xe9: {  	[hbm4b:s4+s3] =	stream.indirect_vreg.scatter [tilespmem:s20], [sflag:$0x1], $0x80, v4, vm0, $0xb8;
	[tilespmem:$0xD000] =	vst v63  }
0xea: {  	_ = 	snop  }
0xeb: {  	[hbm4b:s5+s3] =	stream.indirect_vreg.scatter [tilespmem:s21], [sflag:$0x1], $0x80, v4, vm0, $0xb8;
	[tilespmem:$0xD000] =	vst v63  }
0xec: {  	_ = 	snop  }
0xed: {  	[hbm4b:s6+s3] =	stream.indirect_vreg.scatter [tilespmem:s22], [sflag:$0x1], $0x80, v4, vm0, $0xb8;
	[tilespmem:$0xD000] =	vst v63  }
0xee: {  	v4 =	vld [tilespmem:$0xC0B0];
	_ =	sdelay $0x4  }
0xef: {  	v5 =	vshrl.u32 v4, $0x3  }
0xf0: {  	v5 =	vmul.u32 $0x30, v5  }
0xf1: {  	v4 =	vand.u32 $0x7, v4  }
0xf2: {  	v4 =	vor.u32 v4, v5  }
0xf3: {  	v5 =	vperm.xlane v4, v0;
	_ =	sdelay $0x1  }
0xf4: {  	v5 =	vadd.s32 v1, v5;
	_ =	sdelay $0x3  }
0xf5: {  	v4 =	vperm.xlane v4, v2  }
0xf6: {  	[hbm4b:s4+s3] =	stream.indirect_vreg.scatter [tilespmem:s23], [sflag:$0x1], $0x80, v5, vm0, $0xb8;
	[tilespmem:$0xD000] =	vst v63  }
0xf7: {  	v4 =	vadd.s32 v1, v4  }
0xf8: {  	[hbm4b:s5+s3] =	stream.indirect_vreg.scatter [tilespmem:s24], [sflag:$0x1], $0x80, v5, vm0, $0xb8;
	[tilespmem:$0xD000] =	vst v63  }
0xf9: {  	_ = 	snop  }
0xfa: {  	[hbm4b:s6+s3] =	stream.indirect_vreg.scatter [tilespmem:s25], [sflag:$0x1], $0x80, v5, vm0, $0xb8;
	[tilespmem:$0xD000] =	vst v63  }
0xfb: {  	_ = 	snop  }
0xfc: {  	[hbm4b:s4+s3] =	stream.indirect_vreg.scatter [tilespmem:s7], [sflag:$0x1], $0x80, v4, vm0, $0xb8;
	[tilespmem:$0xD000] =	vst v63  }
0xfd: {  	_ = 	snop  }
0xfe: {  	[hbm4b:s5+s3] =	stream.indirect_vreg.scatter [tilespmem:s8], [sflag:$0x1], $0x80, v4, vm0, $0xb8;
	[tilespmem:$0xD000] =	vst v63  }
0xff: {  	_ = 	snop  }
0x100: {  	[hbm4b:s6+s3] =	stream.indirect_vreg.scatter [tilespmem:s28], [sflag:$0x1], $0x80, v4, vm0, $0xb8;
	[tilespmem:$0xD000] =	vst v63  }
0x101: {  	v4 =	vld [tilespmem:$0xC100];
	_ =	sdelay $0x4  }
0x102: {  	v5 =	vshrl.u32 v4, $0x3  }
0x103: {  	v5 =	vmul.u32 $0x30, v5  }
0x104: {  	v4 =	vand.u32 $0x7, v4  }
0x105: {  	v4 =	vor.u32 v4, v5  }
0x106: {  	v5 =	vperm.xlane v4, v0;
	_ =	sdelay $0x1  }
0x107: {  	v5 =	vadd.s32 v1, v5;
	_ =	sdelay $0x3  }
0x108: {  	v4 =	vperm.xlane v4, v2  }
0x109: {  	[hbm4b:s4+s3] =	stream.indirect_vreg.scatter [tilespmem:s3], [sflag:$0x1], $0x80, v5, vm0, $0xb8;
	[tilespmem:$0xD000] =	vst v63  }
0x10a: {  	v4 =	vadd.s32 v1, v4  }
0x10b: {  	[hbm4b:s5+s3] =	stream.indirect_vreg.scatter [tilespmem:s26], [sflag:$0x1], $0x80, v5, vm0, $0xb8;
	[tilespmem:$0xD000] =	vst v63  }
0x10c: {  	_ = 	snop  }
0x10d: {  	[hbm4b:s6+s3] =	stream.indirect_vreg.scatter [tilespmem:s31], [sflag:$0x1], $0x80, v5, vm0, $0xb8;
	[tilespmem:$0xD000] =	vst v63  }
0x10e: {  	_ = 	snop  }
0x10f: {  	[hbm4b:s4+s3] =	stream.indirect_vreg.scatter [tilespmem:s1], [sflag:$0x1], $0x80, v4, vm0, $0xb8;
	[tilespmem:$0xD000] =	vst v63  }
0x110: {  	_ = 	snop  }
0x111: {  	[hbm4b:s5+s3] =	stream.indirect_vreg.scatter [tilespmem:s0], [sflag:$0x1], $0x80, v4, vm0, $0xb8;
	[tilespmem:$0xD000] =	vst v63  }
0x112: {  	_ = 	snop  }
0x113: {  	[hbm4b:s6+s3] =	stream.indirect_vreg.scatter [tilespmem:s10], [sflag:$0x1], $0x80, v4, vm0, $0xb8;
	[tilespmem:$0xD000] =	vst v63  }
0x114: {  	v4 =	vld [tilespmem:$0xC110];
	_ =	sdelay $0x4  }
0x115: {  	v5 =	vshrl.u32 v4, $0x3  }
0x116: {  	v5 =	vmul.u32 $0x30, v5  }
0x117: {  	v4 =	vand.u32 $0x7, v4  }
0x118: {  	v4 =	vor.u32 v4, v5  }
0x119: {  	v5 =	vperm.xlane v4, v0;
	_ =	sdelay $0x1  }
0x11a: {  	v5 =	vadd.s32 v1, v5;
	_ =	sdelay $0x3  }
0x11b: {  	v4 =	vperm.xlane v4, v2  }
0x11c: {  	[hbm4b:s4+s3] =	stream.indirect_vreg.scatter [tilespmem:s11], [sflag:$0x1], $0x80, v5, vm0, $0xb8;
	[tilespmem:$0xD000] =	vst v63  }
0x11d: {  	v4 =	vadd.s32 v1, v4  }
0x11e: {  	[hbm4b:s5+s3] =	stream.indirect_vreg.scatter [tilespmem:s12], [sflag:$0x1], $0x80, v5, vm0, $0xb8;
	[tilespmem:$0xD000] =	vst v63  }
0x11f: {  	_ = 	snop  }
0x120: {  	[hbm4b:s6+s3] =	stream.indirect_vreg.scatter [tilespmem:s13], [sflag:$0x1], $0x80, v5, vm0, $0xb8;
	[tilespmem:$0xD000] =	vst v63  }
0x121: {  	_ = 	snop  }
0x122: {  	[hbm4b:s4+s3] =	stream.indirect_vreg.scatter [tilespmem:s14], [sflag:$0x1], $0x80, v4, vm0, $0xb8;
	[tilespmem:$0xD000] =	vst v63  }
0x123: {  	_ = 	snop  }
0x124: {  	[hbm4b:s5+s3] =	stream.indirect_vreg.scatter [tilespmem:s15], [sflag:$0x1], $0x80, v4, vm0, $0xb8;
	[tilespmem:$0xD000] =	vst v63  }
0x125: {  	_ = 	snop  }
0x126: {  	[hbm4b:s6+s3] =	stream.indirect_vreg.scatter [tilespmem:s16], [sflag:$0x1], $0x80, v4, vm0, $0xb8;
	[tilespmem:$0xD000] =	vst v63  }
0x127: {  	v4 =	vld [tilespmem:$0xC120];
	_ =	sdelay $0x4  }
0x128: {  	v5 =	vshrl.u32 v4, $0x3  }
0x129: {  	v5 =	vmul.u32 $0x30, v5  }
0x12a: {  	v4 =	vand.u32 $0x7, v4  }
0x12b: {  	v4 =	vor.u32 v4, v5  }
0x12c: {  	v5 =	vperm.xlane v4, v0;
	_ =	sdelay $0x1  }
0x12d: {  	v5 =	vadd.s32 v1, v5;
	_ =	sdelay $0x3  }
0x12e: {  	v4 =	vperm.xlane v4, v2  }
0x12f: {  	[hbm4b:s4+s3] =	stream.indirect_vreg.scatter [tilespmem:s17], [sflag:$0x1], $0x80, v5, vm0, $0xb8;
	[tilespmem:$0xD000] =	vst v63  }
0x130: {  	v4 =	vadd.s32 v1, v4  }
0x131: {  	[hbm4b:s5+s3] =	stream.indirect_vreg.scatter [tilespmem:s18], [sflag:$0x1], $0x80, v5, vm0, $0xb8;
	[tilespmem:$0xD000] =	vst v63  }
0x132: {  	_ = 	snop  }
0x133: {  	[hbm4b:s6+s3] =	stream.indirect_vreg.scatter [tilespmem:s19], [sflag:$0x1], $0x80, v5, vm0, $0xb8;
	[tilespmem:$0xD000] =	vst v63  }
0x134: {  	_ = 	snop  }
0x135: {  	[hbm4b:s4+s3] =	stream.indirect_vreg.scatter [tilespmem:s20], [sflag:$0x1], $0x80, v4, vm0, $0xb8;
	[tilespmem:$0xD000] =	vst v63  }
0x136: {  	_ = 	snop  }
0x137: {  	[hbm4b:s5+s3] =	stream.indirect_vreg.scatter [tilespmem:s21], [sflag:$0x1], $0x80, v4, vm0, $0xb8;
	[tilespmem:$0xD000] =	vst v63  }
0x138: {  	_ = 	snop  }
0x139: {  	[hbm4b:s6+s3] =	stream.indirect_vreg.scatter [tilespmem:s22], [sflag:$0x1], $0x80, v4, vm0, $0xb8;
	[tilespmem:$0xD000] =	vst v63  }
0x13a: {  	v4 =	vld [tilespmem:$0xC130];
	_ =	sdelay $0x4  }
0x13b: {  	v5 =	vshrl.u32 v4, $0x3  }
0x13c: {  	v5 =	vmul.u32 $0x30, v5  }
0x13d: {  	v4 =	vand.u32 $0x7, v4  }
0x13e: {  	v4 =	vor.u32 v4, v5  }
0x13f: {  	v5 =	vperm.xlane v4, v0;
	_ =	sdelay $0x1  }
0x140: {  	v5 =	vadd.s32 v1, v5;
	_ =	sdelay $0x3  }
0x141: {  	v4 =	vperm.xlane v4, v2  }
0x142: {  	[hbm4b:s4+s3] =	stream.indirect_vreg.scatter [tilespmem:s23], [sflag:$0x1], $0x80, v5, vm0, $0xb8;
	[tilespmem:$0xD000] =	vst v63  }
0x143: {  	v4 =	vadd.s32 v1, v4  }
0x144: {  	[hbm4b:s5+s3] =	stream.indirect_vreg.scatter [tilespmem:s24], [sflag:$0x1], $0x80, v5, vm0, $0xb8;
	[tilespmem:$0xD000] =	vst v63  }
0x145: {  	_ = 	snop  }
0x146: {  	[hbm4b:s6+s3] =	stream.indirect_vreg.scatter [tilespmem:s25], [sflag:$0x1], $0x80, v5, vm0, $0xb8;
	[tilespmem:$0xD000] =	vst v63  }
0x147: {  	_ = 	snop  }
0x148: {  	[hbm4b:s4+s3] =	stream.indirect_vreg.scatter [tilespmem:s7], [sflag:$0x1], $0x80, v4, vm0, $0xb8;
	[tilespmem:$0xD000] =	vst v63  }
0x149: {  	_ = 	snop  }
0x14a: {  	[hbm4b:s5+s3] =	stream.indirect_vreg.scatter [tilespmem:s8], [sflag:$0x1], $0x80, v4, vm0, $0xb8;
	[tilespmem:$0xD000] =	vst v63  }
0x14b: {  	_ = 	snop  }
0x14c: {  	[hbm4b:s6+s3] =	stream.indirect_vreg.scatter [tilespmem:s28], [sflag:$0x1], $0x80, v4, vm0, $0xb8;
	[tilespmem:$0xD000] =	vst v63  }
0x14d: {  	v4 =	vld [tilespmem:$0xC180];
	_ =	sdelay $0x4  }
0x14e: {  	v5 =	vshrl.u32 v4, $0x3  }
0x14f: {  	v5 =	vmul.u32 $0x30, v5  }
0x150: {  	v4 =	vand.u32 $0x7, v4  }
0x151: {  	v4 =	vor.u32 v4, v5  }
0x152: {  	v5 =	vperm.xlane v4, v0;
	_ =	sdelay $0x1  }
0x153: {  	v5 =	vadd.s32 v1, v5;
	_ =	sdelay $0x3  }
0x154: {  	v4 =	vperm.xlane v4, v2  }
0x155: {  	[hbm4b:s4+s3] =	stream.indirect_vreg.scatter [tilespmem:s3], [sflag:$0x1], $0x80, v5, vm0, $0xb8;
	[tilespmem:$0xD000] =	vst v63  }
0x156: {  	v4 =	vadd.s32 v1, v4  }
0x157: {  	[hbm4b:s5+s3] =	stream.indirect_vreg.scatter [tilespmem:s26], [sflag:$0x1], $0x80, v5, vm0, $0xb8;
	[tilespmem:$0xD000] =	vst v63  }
0x158: {  	_ = 	snop  }
0x159: {  	[hbm4b:s6+s3] =	stream.indirect_vreg.scatter [tilespmem:s31], [sflag:$0x1], $0x80, v5, vm0, $0xb8;
	[tilespmem:$0xD000] =	vst v63  }
0x15a: {  	_ = 	snop  }
0x15b: {  	[hbm4b:s4+s3] =	stream.indirect_vreg.scatter [tilespmem:s1], [sflag:$0x1], $0x80, v4, vm0, $0xb8;
	[tilespmem:$0xD000] =	vst v63  }
0x15c: {  	_ = 	snop  }
0x15d: {  	[hbm4b:s5+s3] =	stream.indirect_vreg.scatter [tilespmem:s0], [sflag:$0x1], $0x80, v4, vm0, $0xb8;
	[tilespmem:$0xD000] =	vst v63  }
0x15e: {  	_ = 	snop  }
0x15f: {  	[hbm4b:s6+s3] =	stream.indirect_vreg.scatter [tilespmem:s10], [sflag:$0x1], $0x80, v4, vm0, $0xb8;
	[tilespmem:$0xD000] =	vst v63  }
0x160: {  	v4 =	vld [tilespmem:$0xC190];
	_ =	sdelay $0x4  }
0x161: {  	v5 =	vshrl.u32 v4, $0x3  }
0x162: {  	v5 =	vmul.u32 $0x30, v5  }
0x163: {  	v4 =	vand.u32 $0x7, v4  }
0x164: {  	v4 =	vor.u32 v4, v5  }
0x165: {  	v5 =	vperm.xlane v4, v0;
	_ =	sdelay $0x1  }
0x166: {  	v5 =	vadd.s32 v1, v5;
	_ =	sdelay $0x3  }
0x167: {  	v4 =	vperm.xlane v4, v2  }
0x168: {  	[hbm4b:s4+s3] =	stream.indirect_vreg.scatter [tilespmem:s11], [sflag:$0x1], $0x80, v5, vm0, $0xb8;
	[tilespmem:$0xD000] =	vst v63  }
0x169: {  	v4 =	vadd.s32 v1, v4  }
0x16a: {  	[hbm4b:s5+s3] =	stream.indirect_vreg.scatter [tilespmem:s12], [sflag:$0x1], $0x80, v5, vm0, $0xb8;
	[tilespmem:$0xD000] =	vst v63  }
0x16b: {  	_ = 	snop  }
0x16c: {  	[hbm4b:s6+s3] =	stream.indirect_vreg.scatter [tilespmem:s13], [sflag:$0x1], $0x80, v5, vm0, $0xb8;
	[tilespmem:$0xD000] =	vst v63  }
0x16d: {  	_ = 	snop  }
0x16e: {  	[hbm4b:s4+s3] =	stream.indirect_vreg.scatter [tilespmem:s14], [sflag:$0x1], $0x80, v4, vm0, $0xb8;
	[tilespmem:$0xD000] =	vst v63  }
0x16f: {  	_ = 	snop  }
0x170: {  	[hbm4b:s5+s3] =	stream.indirect_vreg.scatter [tilespmem:s15], [sflag:$0x1], $0x80, v4, vm0, $0xb8;
	[tilespmem:$0xD000] =	vst v63  }
0x171: {  	_ = 	snop  }
0x172: {  	[hbm4b:s6+s3] =	stream.indirect_vreg.scatter [tilespmem:s16], [sflag:$0x1], $0x80, v4, vm0, $0xb8;
	[tilespmem:$0xD000] =	vst v63  }
0x173: {  	v4 =	vld [tilespmem:$0xC1A0];
	_ =	sdelay $0x4  }
0x174: {  	v5 =	vshrl.u32 v4, $0x3  }
0x175: {  	v5 =	vmul.u32 $0x30, v5  }
0x176: {  	v4 =	vand.u32 $0x7, v4  }
0x177: {  	v4 =	vor.u32 v4, v5  }
0x178: {  	v5 =	vperm.xlane v4, v0;
	_ =	sdelay $0x1  }
0x179: {  	v5 =	vadd.s32 v1, v5;
	_ =	sdelay $0x3  }
0x17a: {  	v4 =	vperm.xlane v4, v2  }
0x17b: {  	[hbm4b:s4+s3] =	stream.indirect_vreg.scatter [tilespmem:s17], [sflag:$0x1], $0x80, v5, vm0, $0xb8;
	[tilespmem:$0xD000] =	vst v63  }
0x17c: {  	v4 =	vadd.s32 v1, v4  }
0x17d: {  	[hbm4b:s5+s3] =	stream.indirect_vreg.scatter [tilespmem:s18], [sflag:$0x1], $0x80, v5, vm0, $0xb8;
	[tilespmem:$0xD000] =	vst v63  }
0x17e: {  	_ = 	snop  }
0x17f: {  	[hbm4b:s6+s3] =	stream.indirect_vreg.scatter [tilespmem:s19], [sflag:$0x1], $0x80, v5, vm0, $0xb8;
	[tilespmem:$0xD000] =	vst v63  }
0x180: {  	_ = 	snop  }
0x181: {  	[hbm4b:s4+s3] =	stream.indirect_vreg.scatter [tilespmem:s20], [sflag:$0x1], $0x80, v4, vm0, $0xb8;
	[tilespmem:$0xD000] =	vst v63  }
0x182: {  	_ = 	snop  }
0x183: {  	[hbm4b:s5+s3] =	stream.indirect_vreg.scatter [tilespmem:s21], [sflag:$0x1], $0x80, v4, vm0, $0xb8;
	[tilespmem:$0xD000] =	vst v63  }
0x184: {  	_ = 	snop  }
0x185: {  	[hbm4b:s6+s3] =	stream.indirect_vreg.scatter [tilespmem:s22], [sflag:$0x1], $0x80, v4, vm0, $0xb8;
	[tilespmem:$0xD000] =	vst v63  }
0x186: {  	v4 =	vld [tilespmem:$0xC1B0];
	_ =	sdelay $0x4  }
0x187: {  	v5 =	vshrl.u32 v4, $0x3  }
0x188: {  	v5 =	vmul.u32 $0x30, v5  }
0x189: {  	v4 =	vand.u32 $0x7, v4  }
0x18a: {  	v4 =	vor.u32 v4, v5  }
0x18b: {  	v5 =	vperm.xlane v4, v0;
	_ =	sdelay $0x1  }
0x18c: {  	v5 =	vadd.s32 v1, v5;
	_ =	sdelay $0x3  }
0x18d: {  	v4 =	vperm.xlane v4, v2  }
0x18e: {  	[hbm4b:s4+s3] =	stream.indirect_vreg.scatter [tilespmem:s23], [sflag:$0x1], $0x80, v5, vm0, $0xb8;
	[tilespmem:$0xD000] =	vst v63  }
0x18f: {  	v4 =	vadd.s32 v1, v4  }
0x190: {  	[hbm4b:s5+s3] =	stream.indirect_vreg.scatter [tilespmem:s24], [sflag:$0x1], $0x80, v5, vm0, $0xb8;
	[tilespmem:$0xD000] =	vst v63  }
0x191: {  	_ = 	snop  }
0x192: {  	[hbm4b:s6+s3] =	stream.indirect_vreg.scatter [tilespmem:s25], [sflag:$0x1], $0x80, v5, vm0, $0xb8;
	[tilespmem:$0xD000] =	vst v63  }
0x193: {  	_ = 	snop  }
0x194: {  	[hbm4b:s4+s3] =	stream.indirect_vreg.scatter [tilespmem:s7], [sflag:$0x1], $0x80, v4, vm0, $0xb8;
	[tilespmem:$0xD000] =	vst v63  }
0x195: {  	_ = 	snop  }
0x196: {  	[hbm4b:s5+s3] =	stream.indirect_vreg.scatter [tilespmem:s8], [sflag:$0x1], $0x80, v4, vm0, $0xb8;
	[tilespmem:$0xD000] =	vst v63  }
0x197: {  	_ = 	snop  }
0x198: {  	[hbm4b:s6+s3] =	stream.indirect_vreg.scatter [tilespmem:s28], [sflag:$0x1], $0x80, v4, vm0, $0xb8;
	[tilespmem:$0xD000] =	vst v63  }
0x199: {  	v4 =	vld [tilespmem:$0xC200];
	_ =	sdelay $0x4  }
0x19a: {  	v5 =	vshrl.u32 v4, $0x3  }
0x19b: {  	v5 =	vmul.u32 $0x30, v5  }
0x19c: {  	v4 =	vand.u32 $0x7, v4  }
0x19d: {  	v4 =	vor.u32 v4, v5  }
0x19e: {  	v5 =	vperm.xlane v4, v0;
	_ =	sdelay $0x1  }
0x19f: {  	v5 =	vadd.s32 v1, v5;
	_ =	sdelay $0x3  }
0x1a0: {  	v4 =	vperm.xlane v4, v2  }
0x1a1: {  	[hbm4b:s4+s3] =	stream.indirect_vreg.scatter [tilespmem:s3], [sflag:$0x1], $0x80, v5, vm0, $0xb8;
	[tilespmem:$0xD000] =	vst v63  }
0x1a2: {  	v4 =	vadd.s32 v1, v4  }
0x1a3: {  	[hbm4b:s5+s3] =	stream.indirect_vreg.scatter [tilespmem:s26], [sflag:$0x1], $0x80, v5, vm0, $0xb8;
	[tilespmem:$0xD000] =	vst v63  }
0x1a4: {  	_ = 	snop  }
0x1a5: {  	[hbm4b:s6+s3] =	stream.indirect_vreg.scatter [tilespmem:s31], [sflag:$0x1], $0x80, v5, vm0, $0xb8;
	[tilespmem:$0xD000] =	vst v63  }
0x1a6: {  	_ = 	snop  }
0x1a7: {  	[hbm4b:s4+s3] =	stream.indirect_vreg.scatter [tilespmem:s1], [sflag:$0x1], $0x80, v4, vm0, $0xb8;
	[tilespmem:$0xD000] =	vst v63  }
0x1a8: {  	_ = 	snop  }
0x1a9: {  	[hbm4b:s5+s3] =	stream.indirect_vreg.scatter [tilespmem:s0], [sflag:$0x1], $0x80, v4, vm0, $0xb8;
	[tilespmem:$0xD000] =	vst v63  }
0x1aa: {  	_ = 	snop  }
0x1ab: {  	[hbm4b:s6+s3] =	stream.indirect_vreg.scatter [tilespmem:s10], [sflag:$0x1], $0x80, v4, vm0, $0xb8;
	[tilespmem:$0xD000] =	vst v63  }
0x1ac: {  	v4 =	vld [tilespmem:$0xC210];
	_ =	sdelay $0x4  }
0x1ad: {  	v5 =	vshrl.u32 v4, $0x3  }
0x1ae: {  	v5 =	vmul.u32 $0x30, v5  }
0x1af: {  	v4 =	vand.u32 $0x7, v4  }
0x1b0: {  	v4 =	vor.u32 v4, v5  }
0x1b1: {  	v5 =	vperm.xlane v4, v0;
	_ =	sdelay $0x1  }
0x1b2: {  	v5 =	vadd.s32 v1, v5;
	_ =	sdelay $0x3  }
0x1b3: {  	v4 =	vperm.xlane v4, v2  }
0x1b4: {  	[hbm4b:s4+s3] =	stream.indirect_vreg.scatter [tilespmem:s11], [sflag:$0x1], $0x80, v5, vm0, $0xb8;
	[tilespmem:$0xD000] =	vst v63  }
0x1b5: {  	v4 =	vadd.s32 v1, v4  }
0x1b6: {  	[hbm4b:s5+s3] =	stream.indirect_vreg.scatter [tilespmem:s12], [sflag:$0x1], $0x80, v5, vm0, $0xb8;
	[tilespmem:$0xD000] =	vst v63  }
0x1b7: {  	_ = 	snop  }
0x1b8: {  	[hbm4b:s6+s3] =	stream.indirect_vreg.scatter [tilespmem:s13], [sflag:$0x1], $0x80, v5, vm0, $0xb8;
	[tilespmem:$0xD000] =	vst v63  }
0x1b9: {  	_ = 	snop  }
0x1ba: {  	[hbm4b:s4+s3] =	stream.indirect_vreg.scatter [tilespmem:s14], [sflag:$0x1], $0x80, v4, vm0, $0xb8;
	[tilespmem:$0xD000] =	vst v63  }
0x1bb: {  	_ = 	snop  }
0x1bc: {  	[hbm4b:s5+s3] =	stream.indirect_vreg.scatter [tilespmem:s15], [sflag:$0x1], $0x80, v4, vm0, $0xb8;
	[tilespmem:$0xD000] =	vst v63  }
0x1bd: {  	_ = 	snop  }
0x1be: {  	[hbm4b:s6+s3] =	stream.indirect_vreg.scatter [tilespmem:s16], [sflag:$0x1], $0x80, v4, vm0, $0xb8;
	[tilespmem:$0xD000] =	vst v63  }
0x1bf: {  	v4 =	vld [tilespmem:$0xC220];
	_ =	sdelay $0x4  }
0x1c0: {  	v5 =	vshrl.u32 v4, $0x3  }
0x1c1: {  	v5 =	vmul.u32 $0x30, v5  }
0x1c2: {  	v4 =	vand.u32 $0x7, v4  }
0x1c3: {  	v4 =	vor.u32 v4, v5  }
0x1c4: {  	v5 =	vperm.xlane v4, v0;
	_ =	sdelay $0x1  }
0x1c5: {  	v5 =	vadd.s32 v1, v5;
	_ =	sdelay $0x3  }
0x1c6: {  	v4 =	vperm.xlane v4, v2  }
0x1c7: {  	[hbm4b:s4+s3] =	stream.indirect_vreg.scatter [tilespmem:s17], [sflag:$0x1], $0x80, v5, vm0, $0xb8;
	[tilespmem:$0xD000] =	vst v63  }
0x1c8: {  	v4 =	vadd.s32 v1, v4  }
0x1c9: {  	[hbm4b:s5+s3] =	stream.indirect_vreg.scatter [tilespmem:s18], [sflag:$0x1], $0x80, v5, vm0, $0xb8;
	[tilespmem:$0xD000] =	vst v63  }
0x1ca: {  	_ = 	snop  }
0x1cb: {  	[hbm4b:s6+s3] =	stream.indirect_vreg.scatter [tilespmem:s19], [sflag:$0x1], $0x80, v5, vm0, $0xb8;
	[tilespmem:$0xD000] =	vst v63  }
0x1cc: {  	_ = 	snop  }
0x1cd: {  	[hbm4b:s4+s3] =	stream.indirect_vreg.scatter [tilespmem:s20], [sflag:$0x1], $0x80, v4, vm0, $0xb8;
	[tilespmem:$0xD000] =	vst v63  }
0x1ce: {  	_ = 	snop  }
0x1cf: {  	[hbm4b:s5+s3] =	stream.indirect_vreg.scatter [tilespmem:s21], [sflag:$0x1], $0x80, v4, vm0, $0xb8;
	[tilespmem:$0xD000] =	vst v63  }
0x1d0: {  	_ = 	snop  }
0x1d1: {  	[hbm4b:s6+s3] =	stream.indirect_vreg.scatter [tilespmem:s22], [sflag:$0x1], $0x80, v4, vm0, $0xb8;
	[tilespmem:$0xD000] =	vst v63  }
0x1d2: {  	v4 =	vld [tilespmem:$0xC230];
	_ =	sdelay $0x4  }
0x1d3: {  	v5 =	vshrl.u32 v4, $0x3  }
0x1d4: {  	v5 =	vmul.u32 $0x30, v5  }
0x1d5: {  	v4 =	vand.u32 $0x7, v4  }
0x1d6: {  	v4 =	vor.u32 v4, v5  }
0x1d7: {  	v5 =	vperm.xlane v4, v0;
	_ =	sdelay $0x1  }
0x1d8: {  	v5 =	vadd.s32 v1, v5;
	_ =	sdelay $0x3  }
0x1d9: {  	v4 =	vperm.xlane v4, v2  }
0x1da: {  	[hbm4b:s4+s3] =	stream.indirect_vreg.scatter [tilespmem:s23], [sflag:$0x1], $0x80, v5, vm0, $0xb8;
	[tilespmem:$0xD000] =	vst v63  }
0x1db: {  	v4 =	vadd.s32 v1, v4  }
0x1dc: {  	[hbm4b:s5+s3] =	stream.indirect_vreg.scatter [tilespmem:s24], [sflag:$0x1], $0x80, v5, vm0, $0xb8;
	[tilespmem:$0xD000] =	vst v63  }
0x1dd: {  	_ = 	snop  }
0x1de: {  	[hbm4b:s6+s3] =	stream.indirect_vreg.scatter [tilespmem:s25], [sflag:$0x1], $0x80, v5, vm0, $0xb8;
	[tilespmem:$0xD000] =	vst v63  }
0x1df: {  	_ = 	snop  }
0x1e0: {  	[hbm4b:s4+s3] =	stream.indirect_vreg.scatter [tilespmem:s7], [sflag:$0x1], $0x80, v4, vm0, $0xb8;
	[tilespmem:$0xD000] =	vst v63  }
0x1e1: {  	_ = 	snop  }
0x1e2: {  	[hbm4b:s5+s3] =	stream.indirect_vreg.scatter [tilespmem:s8], [sflag:$0x1], $0x80, v4, vm0, $0xb8;
	[tilespmem:$0xD000] =	vst v63  }
0x1e3: {  	_ = 	snop  }
0x1e4: {  	[hbm4b:s6+s3] =	stream.indirect_vreg.scatter [tilespmem:s28], [sflag:$0x1], $0x80, v4, vm0, $0xb8;
	[tilespmem:$0xD000] =	vst v63  }
0x1e5: {  	v4 =	vld [tilespmem:$0xC280];
	_ =	sdelay $0x4  }
0x1e6: {  	v5 =	vshrl.u32 v4, $0x3  }
0x1e7: {  	v5 =	vmul.u32 $0x30, v5  }
0x1e8: {  	v4 =	vand.u32 $0x7, v4  }
0x1e9: {  	v4 =	vor.u32 v4, v5  }
0x1ea: {  	v5 =	vperm.xlane v4, v0;
	_ =	sdelay $0x1  }
0x1eb: {  	v5 =	vadd.s32 v1, v5;
	_ =	sdelay $0x3  }
0x1ec: {  	v4 =	vperm.xlane v4, v2  }
0x1ed: {  	[hbm4b:s4+s3] =	stream.indirect_vreg.scatter [tilespmem:s3], [sflag:$0x1], $0x80, v5, vm0, $0xb8;
	[tilespmem:$0xD000] =	vst v63  }
0x1ee: {  	v4 =	vadd.s32 v1, v4  }
0x1ef: {  	[hbm4b:s5+s3] =	stream.indirect_vreg.scatter [tilespmem:s26], [sflag:$0x1], $0x80, v5, vm0, $0xb8;
	[tilespmem:$0xD000] =	vst v63  }
0x1f0: {  	_ = 	snop  }
0x1f1: {  	[hbm4b:s6+s3] =	stream.indirect_vreg.scatter [tilespmem:s31], [sflag:$0x1], $0x80, v5, vm0, $0xb8;
	[tilespmem:$0xD000] =	vst v63  }
0x1f2: {  	_ = 	snop  }
0x1f3: {  	[hbm4b:s4+s3] =	stream.indirect_vreg.scatter [tilespmem:s1], [sflag:$0x1], $0x80, v4, vm0, $0xb8;
	[tilespmem:$0xD000] =	vst v63  }
0x1f4: {  	_ = 	snop  }
0x1f5: {  	[hbm4b:s5+s3] =	stream.indirect_vreg.scatter [tilespmem:s0], [sflag:$0x1], $0x80, v4, vm0, $0xb8;
	[tilespmem:$0xD000] =	vst v63  }
0x1f6: {  	_ = 	snop  }
0x1f7: {  	[hbm4b:s6+s3] =	stream.indirect_vreg.scatter [tilespmem:s10], [sflag:$0x1], $0x80, v4, vm0, $0xb8;
	[tilespmem:$0xD000] =	vst v63  }
0x1f8: {  	v4 =	vld [tilespmem:$0xC290];
	_ =	sdelay $0x4  }
0x1f9: {  	v5 =	vshrl.u32 v4, $0x3  }
0x1fa: {  	v5 =	vmul.u32 $0x30, v5  }
0x1fb: {  	v4 =	vand.u32 $0x7, v4  }
0x1fc: {  	v4 =	vor.u32 v4, v5  }
0x1fd: {  	v5 =	vperm.xlane v4, v0;
	_ =	sdelay $0x1  }
0x1fe: {  	v5 =	vadd.s32 v1, v5;
	_ =	sdelay $0x3  }
0x1ff: {  	v4 =	vperm.xlane v4, v2  }
0x200: {  	[hbm4b:s4+s3] =	stream.indirect_vreg.scatter [tilespmem:s11], [sflag:$0x1], $0x80, v5, vm0, $0xb8;
	[tilespmem:$0xD000] =	vst v63  }
0x201: {  	v4 =	vadd.s32 v1, v4  }
0x202: {  	[hbm4b:s5+s3] =	stream.indirect_vreg.scatter [tilespmem:s12], [sflag:$0x1], $0x80, v5, vm0, $0xb8;
	[tilespmem:$0xD000] =	vst v63  }
0x203: {  	_ = 	snop  }
0x204: {  	[hbm4b:s6+s3] =	stream.indirect_vreg.scatter [tilespmem:s13], [sflag:$0x1], $0x80, v5, vm0, $0xb8;
	[tilespmem:$0xD000] =	vst v63  }
0x205: {  	_ = 	snop  }
0x206: {  	[hbm4b:s4+s3] =	stream.indirect_vreg.scatter [tilespmem:s14], [sflag:$0x1], $0x80, v4, vm0, $0xb8;
	[tilespmem:$0xD000] =	vst v63  }
0x207: {  	_ = 	snop  }
0x208: {  	[hbm4b:s5+s3] =	stream.indirect_vreg.scatter [tilespmem:s15], [sflag:$0x1], $0x80, v4, vm0, $0xb8;
	[tilespmem:$0xD000] =	vst v63  }
0x209: {  	_ = 	snop  }
0x20a: {  	[hbm4b:s6+s3] =	stream.indirect_vreg.scatter [tilespmem:s16], [sflag:$0x1], $0x80, v4, vm0, $0xb8;
	[tilespmem:$0xD000] =	vst v63  }
0x20b: {  	v4 =	vld [tilespmem:$0xC2A0];
	_ =	sdelay $0x4  }
0x20c: {  	v5 =	vshrl.u32 v4, $0x3  }
0x20d: {  	v5 =	vmul.u32 $0x30, v5  }
0x20e: {  	v4 =	vand.u32 $0x7, v4  }
0x20f: {  	v4 =	vor.u32 v4, v5  }
0x210: {  	v5 =	vperm.xlane v4, v0;
	_ =	sdelay $0x1  }
0x211: {  	v5 =	vadd.s32 v1, v5;
	_ =	sdelay $0x3  }
0x212: {  	v4 =	vperm.xlane v4, v2  }
0x213: {  	[hbm4b:s4+s3] =	stream.indirect_vreg.scatter [tilespmem:s17], [sflag:$0x1], $0x80, v5, vm0, $0xb8;
	[tilespmem:$0xD000] =	vst v63  }
0x214: {  	v4 =	vadd.s32 v1, v4  }
0x215: {  	[hbm4b:s5+s3] =	stream.indirect_vreg.scatter [tilespmem:s18], [sflag:$0x1], $0x80, v5, vm0, $0xb8;
	[tilespmem:$0xD000] =	vst v63  }
0x216: {  	_ = 	snop  }
0x217: {  	[hbm4b:s6+s3] =	stream.indirect_vreg.scatter [tilespmem:s19], [sflag:$0x1], $0x80, v5, vm0, $0xb8;
	[tilespmem:$0xD000] =	vst v63  }
0x218: {  	_ = 	snop  }
0x219: {  	[hbm4b:s4+s3] =	stream.indirect_vreg.scatter [tilespmem:s20], [sflag:$0x1], $0x80, v4, vm0, $0xb8;
	[tilespmem:$0xD000] =	vst v63  }
0x21a: {  	_ = 	snop  }
0x21b: {  	[hbm4b:s5+s3] =	stream.indirect_vreg.scatter [tilespmem:s21], [sflag:$0x1], $0x80, v4, vm0, $0xb8;
	[tilespmem:$0xD000] =	vst v63  }
0x21c: {  	_ = 	snop  }
0x21d: {  	[hbm4b:s6+s3] =	stream.indirect_vreg.scatter [tilespmem:s22], [sflag:$0x1], $0x80, v4, vm0, $0xb8;
	[tilespmem:$0xD000] =	vst v63  }
0x21e: {  	v4 =	vld [tilespmem:$0xC2B0];
	_ =	sdelay $0x4  }
0x21f: {  	v5 =	vshrl.u32 v4, $0x3  }
0x220: {  	v5 =	vmul.u32 $0x30, v5  }
0x221: {  	v4 =	vand.u32 $0x7, v4  }
0x222: {  	v4 =	vor.u32 v4, v5  }
0x223: {  	v5 =	vperm.xlane v4, v0;
	_ =	sdelay $0x1  }
0x224: {  	v5 =	vadd.s32 v1, v5;
	_ =	sdelay $0x3  }
0x225: {  	v4 =	vperm.xlane v4, v2  }
0x226: {  	[hbm4b:s4+s3] =	stream.indirect_vreg.scatter [tilespmem:s23], [sflag:$0x1], $0x80, v5, vm0, $0xb8;
	[tilespmem:$0xD000] =	vst v63  }
0x227: {  	v4 =	vadd.s32 v1, v4  }
0x228: {  	[hbm4b:s5+s3] =	stream.indirect_vreg.scatter [tilespmem:s24], [sflag:$0x1], $0x80, v5, vm0, $0xb8;
	[tilespmem:$0xD000] =	vst v63  }
0x229: {  	_ = 	snop  }
0x22a: {  	[hbm4b:s6+s3] =	stream.indirect_vreg.scatter [tilespmem:s25], [sflag:$0x1], $0x80, v5, vm0, $0xb8;
	[tilespmem:$0xD000] =	vst v63  }
0x22b: {  	_ = 	snop  }
0x22c: {  	[hbm4b:s4+s3] =	stream.indirect_vreg.scatter [tilespmem:s7], [sflag:$0x1], $0x80, v4, vm0, $0xb8;
	[tilespmem:$0xD000] =	vst v63  }
0x22d: {  	_ = 	snop  }
0x22e: {  	[hbm4b:s5+s3] =	stream.indirect_vreg.scatter [tilespmem:s8], [sflag:$0x1], $0x80, v4, vm0, $0xb8;
	[tilespmem:$0xD000] =	vst v63  }
0x22f: {  	_ = 	snop  }
0x230: {  	[hbm4b:s6+s3] =	stream.indirect_vreg.scatter [tilespmem:s28], [sflag:$0x1], $0x80, v4, vm0, $0xb8;
	[tilespmem:$0xD000] =	vst v63  }
0x231: {  	v4 =	vld [tilespmem:$0xC300];
	_ =	sdelay $0x4  }
0x232: {  	v5 =	vshrl.u32 v4, $0x3  }
0x233: {  	v5 =	vmul.u32 $0x30, v5  }
0x234: {  	v4 =	vand.u32 $0x7, v4  }
0x235: {  	v4 =	vor.u32 v4, v5  }
0x236: {  	v5 =	vperm.xlane v4, v0;
	_ =	sdelay $0x1  }
0x237: {  	v5 =	vadd.s32 v1, v5;
	_ =	sdelay $0x3  }
0x238: {  	v4 =	vperm.xlane v4, v2  }
0x239: {  	[hbm4b:s4+s3] =	stream.indirect_vreg.scatter [tilespmem:s3], [sflag:$0x1], $0x80, v5, vm0, $0xb8;
	[tilespmem:$0xD000] =	vst v63  }
0x23a: {  	v4 =	vadd.s32 v1, v4  }
0x23b: {  	[hbm4b:s5+s3] =	stream.indirect_vreg.scatter [tilespmem:s26], [sflag:$0x1], $0x80, v5, vm0, $0xb8;
	[tilespmem:$0xD000] =	vst v63  }
0x23c: {  	_ = 	snop  }
0x23d: {  	[hbm4b:s6+s3] =	stream.indirect_vreg.scatter [tilespmem:s31], [sflag:$0x1], $0x80, v5, vm0, $0xb8;
	[tilespmem:$0xD000] =	vst v63  }
0x23e: {  	_ = 	snop  }
0x23f: {  	[hbm4b:s4+s3] =	stream.indirect_vreg.scatter [tilespmem:s1], [sflag:$0x1], $0x80, v4, vm0, $0xb8;
	[tilespmem:$0xD000] =	vst v63  }
0x240: {  	_ = 	snop  }
0x241: {  	[hbm4b:s5+s3] =	stream.indirect_vreg.scatter [tilespmem:s0], [sflag:$0x1], $0x80, v4, vm0, $0xb8;
	[tilespmem:$0xD000] =	vst v63  }
0x242: {  	_ = 	snop  }
0x243: {  	[hbm4b:s6+s3] =	stream.indirect_vreg.scatter [tilespmem:s10], [sflag:$0x1], $0x80, v4, vm0, $0xb8;
	[tilespmem:$0xD000] =	vst v63  }
0x244: {  	v4 =	vld [tilespmem:$0xC310];
	_ =	sdelay $0x4  }
0x245: {  	v5 =	vshrl.u32 v4, $0x3  }
0x246: {  	v5 =	vmul.u32 $0x30, v5  }
0x247: {  	v4 =	vand.u32 $0x7, v4  }
0x248: {  	v4 =	vor.u32 v4, v5  }
0x249: {  	v5 =	vperm.xlane v4, v0;
	_ =	sdelay $0x1  }
0x24a: {  	v5 =	vadd.s32 v1, v5;
	_ =	sdelay $0x3  }
0x24b: {  	v4 =	vperm.xlane v4, v2  }
0x24c: {  	[hbm4b:s4+s3] =	stream.indirect_vreg.scatter [tilespmem:s11], [sflag:$0x1], $0x80, v5, vm0, $0xb8;
	[tilespmem:$0xD000] =	vst v63  }
0x24d: {  	v4 =	vadd.s32 v1, v4  }
0x24e: {  	[hbm4b:s5+s3] =	stream.indirect_vreg.scatter [tilespmem:s12], [sflag:$0x1], $0x80, v5, vm0, $0xb8;
	[tilespmem:$0xD000] =	vst v63  }
0x24f: {  	_ = 	snop  }
0x250: {  	[hbm4b:s6+s3] =	stream.indirect_vreg.scatter [tilespmem:s13], [sflag:$0x1], $0x80, v5, vm0, $0xb8;
	[tilespmem:$0xD000] =	vst v63  }
0x251: {  	_ = 	snop  }
0x252: {  	[hbm4b:s4+s3] =	stream.indirect_vreg.scatter [tilespmem:s14], [sflag:$0x1], $0x80, v4, vm0, $0xb8;
	[tilespmem:$0xD000] =	vst v63  }
0x253: {  	_ = 	snop  }
0x254: {  	[hbm4b:s5+s3] =	stream.indirect_vreg.scatter [tilespmem:s15], [sflag:$0x1], $0x80, v4, vm0, $0xb8;
	[tilespmem:$0xD000] =	vst v63  }
0x255: {  	_ = 	snop  }
0x256: {  	[hbm4b:s6+s3] =	stream.indirect_vreg.scatter [tilespmem:s16], [sflag:$0x1], $0x80, v4, vm0, $0xb8;
	[tilespmem:$0xD000] =	vst v63  }
0x257: {  	v4 =	vld [tilespmem:$0xC320];
	_ =	sdelay $0x4  }
0x258: {  	v5 =	vshrl.u32 v4, $0x3  }
0x259: {  	v5 =	vmul.u32 $0x30, v5  }
0x25a: {  	v4 =	vand.u32 $0x7, v4  }
0x25b: {  	v4 =	vor.u32 v4, v5  }
0x25c: {  	v5 =	vperm.xlane v4, v0;
	_ =	sdelay $0x1  }
0x25d: {  	v5 =	vadd.s32 v1, v5;
	_ =	sdelay $0x3  }
0x25e: {  	v4 =	vperm.xlane v4, v2  }
0x25f: {  	[hbm4b:s4+s3] =	stream.indirect_vreg.scatter [tilespmem:s17], [sflag:$0x1], $0x80, v5, vm0, $0xb8;
	[tilespmem:$0xD000] =	vst v63  }
0x260: {  	v4 =	vadd.s32 v1, v4  }
0x261: {  	[hbm4b:s5+s3] =	stream.indirect_vreg.scatter [tilespmem:s18], [sflag:$0x1], $0x80, v5, vm0, $0xb8;
	[tilespmem:$0xD000] =	vst v63  }
0x262: {  	_ = 	snop  }
0x263: {  	[hbm4b:s6+s3] =	stream.indirect_vreg.scatter [tilespmem:s19], [sflag:$0x1], $0x80, v5, vm0, $0xb8;
	[tilespmem:$0xD000] =	vst v63  }
0x264: {  	_ = 	snop  }
0x265: {  	[hbm4b:s4+s3] =	stream.indirect_vreg.scatter [tilespmem:s20], [sflag:$0x1], $0x80, v4, vm0, $0xb8;
	[tilespmem:$0xD000] =	vst v63  }
0x266: {  	_ = 	snop  }
0x267: {  	[hbm4b:s5+s3] =	stream.indirect_vreg.scatter [tilespmem:s21], [sflag:$0x1], $0x80, v4, vm0, $0xb8;
	[tilespmem:$0xD000] =	vst v63  }
0x268: {  	_ = 	snop  }
0x269: {  	[hbm4b:s6+s3] =	stream.indirect_vreg.scatter [tilespmem:s22], [sflag:$0x1], $0x80, v4, vm0, $0xb8;
	[tilespmem:$0xD000] =	vst v63  }
0x26a: {  	v4 =	vld [tilespmem:$0xC330];
	_ =	sdelay $0x4  }
0x26b: {  	v5 =	vshrl.u32 v4, $0x3  }
0x26c: {  	v5 =	vmul.u32 $0x30, v5  }
0x26d: {  	v4 =	vand.u32 $0x7, v4  }
0x26e: {  	v4 =	vor.u32 v4, v5  }
0x26f: {  	v5 =	vperm.xlane v4, v0;
	_ =	sdelay $0x1  }
0x270: {  	v5 =	vadd.s32 v1, v5;
	_ =	sdelay $0x3  }
0x271: {  	v4 =	vperm.xlane v4, v2  }
0x272: {  	[hbm4b:s4+s3] =	stream.indirect_vreg.scatter [tilespmem:s23], [sflag:$0x1], $0x80, v5, vm0, $0xb8;
	[tilespmem:$0xD000] =	vst v63  }
0x273: {  	v4 =	vadd.s32 v1, v4  }
0x274: {  	[hbm4b:s5+s3] =	stream.indirect_vreg.scatter [tilespmem:s24], [sflag:$0x1], $0x80, v5, vm0, $0xb8;
	[tilespmem:$0xD000] =	vst v63  }
0x275: {  	_ = 	snop  }
0x276: {  	[hbm4b:s6+s3] =	stream.indirect_vreg.scatter [tilespmem:s25], [sflag:$0x1], $0x80, v5, vm0, $0xb8;
	[tilespmem:$0xD000] =	vst v63  }
0x277: {  	_ = 	snop  }
0x278: {  	[hbm4b:s4+s3] =	stream.indirect_vreg.scatter [tilespmem:s7], [sflag:$0x1], $0x80, v4, vm0, $0xb8;
	[tilespmem:$0xD000] =	vst v63  }
0x279: {  	_ = 	snop  }
0x27a: {  	[hbm4b:s5+s3] =	stream.indirect_vreg.scatter [tilespmem:s8], [sflag:$0x1], $0x80, v4, vm0, $0xb8;
	[tilespmem:$0xD000] =	vst v63  }
0x27b: {  	_ = 	snop  }
0x27c: {  	[hbm4b:s6+s3] =	stream.indirect_vreg.scatter [tilespmem:s28], [sflag:$0x1], $0x80, v4, vm0, $0xb8;
	[tilespmem:$0xD000] =	vst v63  }
0x27d: {  	v4 =	vld [tilespmem:$0xC380];
	_ =	sdelay $0x4  }
0x27e: {  	v5 =	vshrl.u32 v4, $0x3  }
0x27f: {  	v5 =	vmul.u32 $0x30, v5  }
0x280: {  	v4 =	vand.u32 $0x7, v4  }
0x281: {  	v4 =	vor.u32 v4, v5  }
0x282: {  	v5 =	vperm.xlane v4, v0;
	_ =	sdelay $0x1  }
0x283: {  	v5 =	vadd.s32 v1, v5;
	_ =	sdelay $0x3  }
0x284: {  	v4 =	vperm.xlane v4, v2  }
0x285: {  	[hbm4b:s4+s3] =	stream.indirect_vreg.scatter [tilespmem:s3], [sflag:$0x1], $0x80, v5, vm0, $0xb8;
	[tilespmem:$0xD000] =	vst v63  }
0x286: {  	v4 =	vadd.s32 v1, v4  }
0x287: {  	[hbm4b:s5+s3] =	stream.indirect_vreg.scatter [tilespmem:s26], [sflag:$0x1], $0x80, v5, vm0, $0xb8;
	[tilespmem:$0xD000] =	vst v63  }
0x288: {  	_ = 	snop  }
0x289: {  	[hbm4b:s6+s3] =	stream.indirect_vreg.scatter [tilespmem:s31], [sflag:$0x1], $0x80, v5, vm0, $0xb8;
	[tilespmem:$0xD000] =	vst v63  }
0x28a: {  	_ = 	snop  }
0x28b: {  	[hbm4b:s4+s3] =	stream.indirect_vreg.scatter [tilespmem:s1], [sflag:$0x1], $0x80, v4, vm0, $0xb8;
	[tilespmem:$0xD000] =	vst v63  }
0x28c: {  	_ = 	snop  }
0x28d: {  	[hbm4b:s5+s3] =	stream.indirect_vreg.scatter [tilespmem:s0], [sflag:$0x1], $0x80, v4, vm0, $0xb8;
	[tilespmem:$0xD000] =	vst v63  }
0x28e: {  	_ = 	snop  }
0x28f: {  	[hbm4b:s6+s3] =	stream.indirect_vreg.scatter [tilespmem:s10], [sflag:$0x1], $0x80, v4, vm0, $0xb8;
	[tilespmem:$0xD000] =	vst v63  }
0x290: {  	v4 =	vld [tilespmem:$0xC390];
	_ =	sdelay $0x4  }
0x291: {  	v5 =	vshrl.u32 v4, $0x3  }
0x292: {  	v5 =	vmul.u32 $0x30, v5  }
0x293: {  	v4 =	vand.u32 $0x7, v4  }
0x294: {  	v4 =	vor.u32 v4, v5  }
0x295: {  	v5 =	vperm.xlane v4, v0;
	_ =	sdelay $0x1  }
0x296: {  	v5 =	vadd.s32 v1, v5;
	_ =	sdelay $0x3  }
0x297: {  	v4 =	vperm.xlane v4, v2  }
0x298: {  	[hbm4b:s4+s3] =	stream.indirect_vreg.scatter [tilespmem:s11], [sflag:$0x1], $0x80, v5, vm0, $0xb8;
	[tilespmem:$0xD000] =	vst v63  }
0x299: {  	v4 =	vadd.s32 v1, v4  }
0x29a: {  	[hbm4b:s5+s3] =	stream.indirect_vreg.scatter [tilespmem:s12], [sflag:$0x1], $0x80, v5, vm0, $0xb8;
	[tilespmem:$0xD000] =	vst v63  }
0x29b: {  	_ = 	snop  }
0x29c: {  	[hbm4b:s6+s3] =	stream.indirect_vreg.scatter [tilespmem:s13], [sflag:$0x1], $0x80, v5, vm0, $0xb8;
	[tilespmem:$0xD000] =	vst v63  }
0x29d: {  	_ = 	snop  }
0x29e: {  	[hbm4b:s4+s3] =	stream.indirect_vreg.scatter [tilespmem:s14], [sflag:$0x1], $0x80, v4, vm0, $0xb8;
	[tilespmem:$0xD000] =	vst v63  }
0x29f: {  	_ = 	snop  }
0x2a0: {  	[hbm4b:s5+s3] =	stream.indirect_vreg.scatter [tilespmem:s15], [sflag:$0x1], $0x80, v4, vm0, $0xb8;
	[tilespmem:$0xD000] =	vst v63  }
0x2a1: {  	_ = 	snop  }
0x2a2: {  	[hbm4b:s6+s3] =	stream.indirect_vreg.scatter [tilespmem:s16], [sflag:$0x1], $0x80, v4, vm0, $0xb8;
	[tilespmem:$0xD000] =	vst v63  }
0x2a3: {  	v4 =	vld [tilespmem:$0xC3A0];
	_ =	sdelay $0x4  }
0x2a4: {  	v5 =	vshrl.u32 v4, $0x3  }
0x2a5: {  	v5 =	vmul.u32 $0x30, v5  }
0x2a6: {  	v4 =	vand.u32 $0x7, v4  }
0x2a7: {  	v4 =	vor.u32 v4, v5  }
0x2a8: {  	v5 =	vperm.xlane v4, v0;
	_ =	sdelay $0x1  }
0x2a9: {  	v5 =	vadd.s32 v1, v5;
	_ =	sdelay $0x3  }
0x2aa: {  	v4 =	vperm.xlane v4, v2  }
0x2ab: {  	[hbm4b:s4+s3] =	stream.indirect_vreg.scatter [tilespmem:s17], [sflag:$0x1], $0x80, v5, vm0, $0xb8;
	[tilespmem:$0xD000] =	vst v63  }
0x2ac: {  	v4 =	vadd.s32 v1, v4  }
0x2ad: {  	[hbm4b:s5+s3] =	stream.indirect_vreg.scatter [tilespmem:s18], [sflag:$0x1], $0x80, v5, vm0, $0xb8;
	[tilespmem:$0xD000] =	vst v63  }
0x2ae: {  	_ = 	snop  }
0x2af: {  	[hbm4b:s6+s3] =	stream.indirect_vreg.scatter [tilespmem:s19], [sflag:$0x1], $0x80, v5, vm0, $0xb8;
	[tilespmem:$0xD000] =	vst v63  }
0x2b0: {  	_ = 	snop  }
0x2b1: {  	[hbm4b:s4+s3] =	stream.indirect_vreg.scatter [tilespmem:s20], [sflag:$0x1], $0x80, v4, vm0, $0xb8;
	[tilespmem:$0xD000] =	vst v63  }
0x2b2: {  	_ = 	snop  }
0x2b3: {  	[hbm4b:s5+s3] =	stream.indirect_vreg.scatter [tilespmem:s21], [sflag:$0x1], $0x80, v4, vm0, $0xb8;
	[tilespmem:$0xD000] =	vst v63  }
0x2b4: {  	_ = 	snop  }
0x2b5: {  	[hbm4b:s6+s3] =	stream.indirect_vreg.scatter [tilespmem:s22], [sflag:$0x1], $0x80, v4, vm0, $0xb8;
	[tilespmem:$0xD000] =	vst v63  }
0x2b6: {  	v4 =	vld [tilespmem:$0xC3B0];
	_ =	sdelay $0x4  }
0x2b7: {  	v5 =	vshrl.u32 v4, $0x3  }
0x2b8: {  	v5 =	vmul.u32 $0x30, v5  }
0x2b9: {  	v4 =	vand.u32 $0x7, v4  }
0x2ba: {  	v4 =	vor.u32 v4, v5  }
0x2bb: {  	v5 =	vperm.xlane v4, v0;
	_ =	sdelay $0x1  }
0x2bc: {  	v5 =	vadd.s32 v1, v5;
	_ =	sdelay $0x3  }
0x2bd: {  	v4 =	vperm.xlane v4, v2  }
0x2be: {  	[hbm4b:s4+s3] =	stream.indirect_vreg.scatter [tilespmem:s23], [sflag:$0x1], $0x80, v5, vm0, $0xb8;
	[tilespmem:$0xD000] =	vst v63  }
0x2bf: {  	v4 =	vadd.s32 v1, v4  }
0x2c0: {  	[hbm4b:s5+s3] =	stream.indirect_vreg.scatter [tilespmem:s24], [sflag:$0x1], $0x80, v5, vm0, $0xb8;
	[tilespmem:$0xD000] =	vst v63  }
0x2c1: {  	_ = 	snop  }
0x2c2: {  	[hbm4b:s6+s3] =	stream.indirect_vreg.scatter [tilespmem:s25], [sflag:$0x1], $0x80, v5, vm0, $0xb8;
	[tilespmem:$0xD000] =	vst v63  }
0x2c3: {  	_ = 	snop  }
0x2c4: {  	[hbm4b:s4+s3] =	stream.indirect_vreg.scatter [tilespmem:s7], [sflag:$0x1], $0x80, v4, vm0, $0xb8;
	[tilespmem:$0xD000] =	vst v63  }
0x2c5: {  	_ = 	snop  }
0x2c6: {  	[hbm4b:s5+s3] =	stream.indirect_vreg.scatter [tilespmem:s8], [sflag:$0x1], $0x80, v4, vm0, $0xb8;
	[tilespmem:$0xD000] =	vst v63  }
0x2c7: {  	_ = 	snop  }
0x2c8: {  	[hbm4b:s6+s3] =	stream.indirect_vreg.scatter [tilespmem:s28], [sflag:$0x1], $0x80, v4, vm0, $0xb8;
	[tilespmem:$0xD000] =	vst v63  }
0x2c9: {  	[tilespmem:$0xC800] =	vst v3  }
0x2ca: {  	[tilespmem:$0xC810] =	vst v3  }
0x2cb: {  	[tilespmem:$0xC820] =	vst v3  }
0x2cc: {  	[tilespmem:$0xC830] =	vst v3  }
0x2cd: {  	[tilespmem:$0xC840] =	vst v3  }
0x2ce: {  	[tilespmem:$0xC850] =	vst v3  }
0x2cf: {  	[tilespmem:$0xC860] =	vst v3  }
0x2d0: {  	[tilespmem:$0xC870] =	vst v3  }
0x2d1: {  	[tilespmem:$0xC880] =	vst v3  }
0x2d2: {  	[tilespmem:$0xC890] =	vst v3  }
0x2d3: {  	[tilespmem:$0xC8A0] =	vst v3  }
0x2d4: {  	[tilespmem:$0xC8B0] =	vst v3  }
0x2d5: {  	[tilespmem:$0xC8C0] =	vst v3  }
0x2d6: {  	[tilespmem:$0xC8D0] =	vst v3  }
0x2d7: {  	[tilespmem:$0xC8E0] =	vst v3  }
0x2d8: {  	[tilespmem:$0xC8F0] =	vst v3  }
0x2d9: {  	[tilespmem:$0xC900] =	vst v3  }
0x2da: {  	[tilespmem:$0xC910] =	vst v3  }
0x2db: {  	[tilespmem:$0xC920] =	vst v3  }
0x2dc: {  	[tilespmem:$0xC930] =	vst v3  }
0x2dd: {  	[tilespmem:$0xC940] =	vst v3  }
0x2de: {  	[tilespmem:$0xC950] =	vst v3  }
0x2df: {  	[tilespmem:$0xC960] =	vst v3  }
0x2e0: {  	[tilespmem:$0xC970] =	vst v3  }
0x2e1: {  	[tilespmem:$0xC980] =	vst v3  }
0x2e2: {  	[tilespmem:$0xC990] =	vst v3  }
0x2e3: {  	[tilespmem:$0xC9A0] =	vst v3  }
0x2e4: {  	[tilespmem:$0xC9B0] =	vst v3  }
0x2e5: {  	[tilespmem:$0xC9C0] =	vst v3  }
0x2e6: {  	[tilespmem:$0xC9D0] =	vst v3  }
0x2e7: {  	[tilespmem:$0xC9E0] =	vst v3  }
0x2e8: {  	[tilespmem:$0xC9F0] =	vst v3  }
0x2e9: {  	[tilespmem:$0xCA00] =	vst v3  }
0x2ea: {  	[tilespmem:$0xCA10] =	vst v3  }
0x2eb: {  	[tilespmem:$0xCA20] =	vst v3  }
0x2ec: {  	[tilespmem:$0xCA30] =	vst v3  }
0x2ed: {  	[tilespmem:$0xCA40] =	vst v3  }
0x2ee: {  	[tilespmem:$0xCA50] =	vst v3  }
0x2ef: {  	[tilespmem:$0xCA60] =	vst v3  }
0x2f0: {  	[tilespmem:$0xCA70] =	vst v3  }
0x2f1: {  	[tilespmem:$0xCA80] =	vst v3  }
0x2f2: {  	[tilespmem:$0xCA90] =	vst v3  }
0x2f3: {  	[tilespmem:$0xCAA0] =	vst v3  }
0x2f4: {  	[tilespmem:$0xCAB0] =	vst v3  }
0x2f5: {  	[tilespmem:$0xCAC0] =	vst v3  }
0x2f6: {  	[tilespmem:$0xCAD0] =	vst v3  }
0x2f7: {  	[tilespmem:$0xCAE0] =	vst v3  }
0x2f8: {  	[tilespmem:$0xCAF0] =	vst v3  }
0x2f9: {  	[tilespmem:$0xCB00] =	vst v3  }
0x2fa: {  	[tilespmem:$0xCB10] =	vst v3  }
0x2fb: {  	[tilespmem:$0xCB20] =	vst v3  }
0x2fc: {  	[tilespmem:$0xCB30] =	vst v3  }
0x2fd: {  	[tilespmem:$0xCB40] =	vst v3  }
0x2fe: {  	[tilespmem:$0xCB50] =	vst v3  }
0x2ff: {  	[tilespmem:$0xCB60] =	vst v3  }
0x300: {  	[tilespmem:$0xCB70] =	vst v3  }
0x301: {  	[tilespmem:$0xCB80] =	vst v3  }
0x302: {  	[tilespmem:$0xCB90] =	vst v3  }
0x303: {  	[tilespmem:$0xCBA0] =	vst v3  }
0x304: {  	[tilespmem:$0xCBB0] =	vst v3  }
0x305: {  	[tilespmem:$0xCBC0] =	vst v3  }
0x306: {  	[tilespmem:$0xCBD0] =	vst v3  }
0x307: {  	s31 =	rddreg [dreg:$0x1a];
	[tilespmem:$0xCBE0] =	vst v3  }
0x308: {  	s8 =	rddreg [dreg:$0x17];
	[tilespmem:$0xCBF0] =	vst v3  }
0x309: {  	[spmem:s31] =	stream.linear.scatter [tilespmem:s8], [sflag:$0x2], $0x400, $0x38;
	[tilespmem:$0xD000] =	vst v63  }
0x30a: {  	_ =	swait.ge [sflag:s9], $0x400  }
0x30b: {  	[sflag:s9] =	ssyncset.done $0x0  }
0x30c: {  	[sflag:s9] =	ssyncadd.s32 $0xFFFFFC00  }
0x30d: {  	s1 =	smov.u32 s29;
	s29 =	simm.s32 $0xC400;
	[bflag:$0x0] =	sbarrier.arrive $0xFFFF  }
0x30e: {  	s0 =	simm.s32 $0x40;
	s28 =	simm.s32 $0xC000;
	s26 =	rddreg [dreg:$0x3]  }
0x30f: {  	[spmem:s26] =	stream.indirect.scatter [tilespmem:s29], [sflag:$0x2], $0x1, s28, s0, $0xb8;
	[tilespmem:$0xD000] =	vst v63  }
0x310: {  	_ =	swait.ge [sflag:s9], $0x40  }
0x311: {  	[sflag:s9] =	ssyncset.done $0x0  }
0x312: {  	s28 =	simm.s32 $0xC080;
	s29 =	simm.s32 $0xC480;
	[sflag:s9] =	ssyncadd.s32 $0xFFFFFFC0  }
0x313: {  	[spmem:s26] =	stream.indirect.scatter [tilespmem:s29], [sflag:$0x2], $0x1, s28, s0, $0xb8;
	[tilespmem:$0xD000] =	vst v63  }
0x314: {  	_ =	swait.ge [sflag:s9], $0x40  }
0x315: {  	[sflag:s9] =	ssyncset.done $0x0  }
0x316: {  	s28 =	simm.s32 $0xC100;
	s29 =	simm.s32 $0xC500;
	[sflag:s9] =	ssyncadd.s32 $0xFFFFFFC0  }
0x317: {  	[spmem:s26] =	stream.indirect.scatter [tilespmem:s29], [sflag:$0x2], $0x1, s28, s0, $0xb8;
	[tilespmem:$0xD000] =	vst v63  }
0x318: {  	_ =	swait.ge [sflag:s9], $0x40  }
0x319: {  	[sflag:s9] =	ssyncset.done $0x0  }
0x31a: {  	s28 =	simm.s32 $0xC180;
	s29 =	simm.s32 $0xC580;
	[sflag:s9] =	ssyncadd.s32 $0xFFFFFFC0  }
0x31b: {  	[spmem:s26] =	stream.indirect.scatter [tilespmem:s29], [sflag:$0x2], $0x1, s28, s0, $0xb8;
	[tilespmem:$0xD000] =	vst v63  }
0x31c: {  	_ =	swait.ge [sflag:s9], $0x40  }
0x31d: {  	[sflag:s9] =	ssyncset.done $0x0  }
0x31e: {  	s28 =	simm.s32 $0xC200;
	s29 =	simm.s32 $0xC600;
	[sflag:s9] =	ssyncadd.s32 $0xFFFFFFC0  }
0x31f: {  	[spmem:s26] =	stream.indirect.scatter [tilespmem:s29], [sflag:$0x2], $0x1, s28, s0, $0xb8;
	[tilespmem:$0xD000] =	vst v63  }
0x320: {  	_ =	swait.ge [sflag:s9], $0x40  }
0x321: {  	[sflag:s9] =	ssyncset.done $0x0  }
0x322: {  	s28 =	simm.s32 $0xC280;
	s29 =	simm.s32 $0xC680;
	[sflag:s9] =	ssyncadd.s32 $0xFFFFFFC0  }
0x323: {  	[spmem:s26] =	stream.indirect.scatter [tilespmem:s29], [sflag:$0x2], $0x1, s28, s0, $0xb8;
	[tilespmem:$0xD000] =	vst v63  }
0x324: {  	_ =	swait.ge [sflag:s9], $0x40  }
0x325: {  	[sflag:s9] =	ssyncset.done $0x0  }
0x326: {  	s8 =	simm.s32 $0xC300;
	s28 =	simm.s32 $0xC700;
	[sflag:s9] =	ssyncadd.s32 $0xFFFFFFC0  }
0x327: {  	[spmem:s26] =	stream.indirect.scatter [tilespmem:s28], [sflag:$0x2], $0x1, s8, s0, $0xb8;
	[tilespmem:$0xD000] =	vst v63  }
0x328: {  	_ =	swait.ge [sflag:s9], $0x40  }
0x329: {  	[sflag:s9] =	ssyncset.done $0x0  }
0x32a: {  	s29 =	simm.s32 $0xC380;
	[sflag:s9] =	ssyncadd.s32 $0xFFFFFFC0  }
0x32b: {  	[spmem:s26] =	stream.indirect.scatter [tilespmem:s30], [sflag:$0x2], $0x1, s29, s0, $0xb8;
	[tilespmem:$0xD000] =	vst v63  }
0x32c: {  	_ =	swait.ge [sflag:s9], $0x40  }
0x32d: {  	[sflag:s9] =	ssyncset.done $0x0  }
0x32e: {  	[sflag:s9] =	ssyncadd.s32 $0xFFFFFFC0  }
0x32f: {  	[bflag:$0x0] =	sbarrier.arrive $0xFFFF  }
0x330: {  	s8 =	stileid.u32;
	s26 =	rddreg [dreg:$0x16]  }
0x331: {  	s30 =	sshll.u32 s8, $0x6;
	s0 =	rddreg [dreg:$0x18]  }
0x332: {  	s31 =	sshrl.u32 s31, $0x3;
	s30 =	sor.u32 $0x1C02, s30;
	s7 =	rddreg [dreg:$0x19]  }
0x333: {  	[hbm:s26@s0], [sflag:s30] =	dma.strided [spmem:s31@s7], $0x80, s2, $0x10   }
0x334: {  	_ =	swait.ge [sflag:s9], $0x80  }
0x335: {  	[sflag:s9] =	ssyncset.done $0x0  }
0x336: {  	[sflag:s9] =	ssyncadd.s32 $0xFFFFFF80  }
0x337: {  	_ =	swait.ge [sflag:s2], $0xC000  }
0x338: {  	[sflag:s2] =	ssyncset.done $0x0  }
0x339: {  	[sflag:s2] =	ssyncadd.s32 $0xFFFF4000  }
0x33a: {  	_ =	swait.ge [sflag:s2], $0xC000  }
0x33b: {  	[sflag:s2] =	ssyncset.done $0x0  }
0x33c: {  	[sflag:s2] =	ssyncadd.s32 $0xFFFF4000  }
0x33d: {  	_ =	swait.ge [sflag:s2], $0xC000  }
0x33e: {  	[sflag:s2] =	ssyncset.done $0x0  }
0x33f: {  	[sflag:s2] =	ssyncadd.s32 $0xFFFF4000  }
0x340: {  	_ =	swait.ge [sflag:s2], $0xC000  }
0x341: {  	[sflag:s2] =	ssyncset.done $0x0  }
0x342: {  	[sflag:s2] =	ssyncadd.s32 $0xFFFF4000  }
0x343: {  	_ =	swait.ge [sflag:s2], $0xC000  }
0x344: {  	[sflag:s2] =	ssyncset.done $0x0  }
0x345: {  	[sflag:s2] =	ssyncadd.s32 $0xFFFF4000  }
0x346: {  	_ =	swait.ge [sflag:s2], $0xC000  }
0x347: {  	[sflag:s2] =	ssyncset.done $0x0  }
0x348: {  	[sflag:s2] =	ssyncadd.s32 $0xFFFF4000  }
0x349: {  	p0 =	sne.s32 s1, $0x1;
	_ =	swait.ge [sflag:s2], $0xC000  }
.Ltmp0:
0x34a: {  	[sflag:s2] =	ssyncset.done $0x0;
	(pc) =	sbr.rel @p0 .LBB2_1-.Ltmp0, $4  }
0x34b: {  	[sflag:s2] =	ssyncadd.s32 $0xFFFF4000  }
0x34c: {  	_ =	swait.ge [sflag:s2], $0xC000  }
0x34d: {  	[sflag:s2] =	ssyncset.done $0x0  }
0x34e: {  	s1 =	sadd.s32 $0xFFFFFFFF, s1;
	[sflag:s2] =	ssyncadd.s32 $0xFFFF4000  }
0x34f: {  	_ =	sfence.sel $0x180000  }
0x350: {  	[bflag:$0x0] =	sbarrier.arrive $0xFFFF  }
0x351: {  	_ =	strace $0x90000047  }
0x352: {  	s0 =	stileid.u32;
	[bflag:$0x2] =	sbarrier.arrive $0xFFFF  }
0x353: {  	p0 =	sne.s32 s0, $0x0;
	s0 =	rddreg [dreg:$0x4]  }
0x354: {  	s0 =	sadd.s32 @!p0 $0x100000, s0  }
0x355: {  	[sflag:s0] =	ssyncadd.tile.s32 @!p0 $0x1;
	_ =	shalt  }
.Lfunc_end2:
_tile_overlayer_lowered:
.L_overlay_start_2:
0x356: {  	(tag) =	ssettag $0x2  }
0x357: {  	s0 =	rddreg [dreg:$0x0];
	s2 =	stileid.u32  }
0x358: {  	s1 =	rddreg [dreg:$0x1];
	p0 =	sne.s32 s2, $0x0  }
0x359: {  	s3 =	rddreg [dreg:$0x2];
	[bflag:$0x3] =	sbarrier.arrive $0xFFFF;
	s2 =	simm.s32 @!p0 $0x1C02  }
0x35a: {  	[timem:s3], [sflag:s2] =	dma.local @!p0 [hbm:s0], s1  }
0x35b: {  	s0 =	simm.s32 @!p0 $0x2  }
0x35c: {  	_ =	swait.ge @!p0 [sflag:s0], s1  }
0x35d: {  	s1 =	ssub.s32 @!p0 $0x0, s1;
	[sflag:s0] =	ssyncset.done @!p0 $0x0  }
0x35e: {  	[sflag:s0] =	ssyncadd.s32 @!p0 s1  }
0x35f: {  	[bflag:$0x3] =	sbarrier.arrive $0xFFFF  }
0x360: {  	_ =	shalt  }

</sc_bundles>
